<compile_context>
chip_gen: v7x
topology: tpu7x:2x2x1
jax: 0.10.2.dev20260603
libtpu: 0.0.44.dev20260713+nightly
codegen_flags: <defaults>
</compile_context>

<pallas_src>
import functools

import jax
import jax.numpy as jnp
from jax import lax
from jax.experimental import pallas as pl
from jax.experimental.pallas import tpu as pltpu
from jax.experimental.pallas import tpu_sc as plsc

_NC = 2
_NS = 16
_NW = _NC * _NS
_L = 16

_B = 1280
_EV_TILES = 12
_VAL_TILES = _NW - _EV_TILES


def _lookup(ev_cols, vt_flat, ev_idx, vi_cols, *, n_rows, n_val, emb, n_cols):
    out_w = (n_cols + 1) * emb
    kpad = 8 * ((out_w + 7) // 8)
    n_cb = n_rows // 128
    ev_per = _EV_TILES // emb
    ev_rows = n_rows // ev_per
    val_rows = n_rows // _VAL_TILES
    ev_chunks = ev_rows // _B
    val_chunks = val_rows // _B
    groups = _B // _L
    n_vw = n_cols * emb

    mesh = plsc.VectorSubcoreMesh(
        core_axis_name="c", subcore_axis_name="s",
        num_cores=_NC, num_subcores=_NS)

    @functools.partial(
        pl.kernel,
        out_type=jax.ShapeDtypeStruct((kpad // 8, n_cb, 8, 128), jnp.float32),
        mesh=mesh,
        scratch_types=[
            pltpu.VMEM((100001,), jnp.float32),
            pltpu.VMEM((n_cols * _B,), jnp.int32),
            pltpu.VMEM((n_vw * (_B // 128), 128), jnp.float32),
            pltpu.SemaphoreType.DMA,
        ],
        compiler_params=pltpu.CompilerParams(
            needs_layout_passes=False, use_tc_tiling_on_sc=False),
    )
    def k(*refs):
        ev_hbms = refs[:emb]
        vt_hbm = refs[emb]
        evi_hbm = refs[emb + 1]
        vi_hbms = refs[emb + 2:emb + 2 + n_cols]
        out_hbm = refs[emb + 2 + n_cols]
        tbl_v, idx_v, stage_v, sem = refs[emb + 3 + n_cols:]

        wid = lax.axis_index("s") * _NC + lax.axis_index("c")

        @pl.when(wid < _EV_TILES)
        def _event_tiles():
            comp = wid // ev_per
            quarter = wid % ev_per
            for c in range(emb):
                @pl.when(comp == c)
                def _():
                    pltpu.sync_copy(ev_hbms[c], tbl_v)

            b_ev = n_cols * _B
            ev_groups = b_ev // _L

            def chunk(t, carry):
                rbase = quarter * ev_rows + t * b_ev
                pltpu.sync_copy(evi_hbm.at[pl.ds(rbase, b_ev)], idx_v)

                def grp4(g4, c2):
                    for u in range(4):
                        g = g4 * 4 + u
                        iv = idx_v[pl.ds(g * _L, _L)]
                        x = plsc.load_gather(tbl_v, [iv])
                        stage_v[g // 8, pl.ds((g % 8) * _L, _L)] = x
                    return c2

                lax.fori_loop(0, ev_groups // 4, grp4, 0)
                cb0 = rbase // 128
                cp = pltpu.make_async_copy(
                    stage_v.at[pl.ds(0, b_ev // 128)],
                    out_hbm.at[comp // 8, pl.ds(cb0, b_ev // 128), comp % 8],
                    sem)
                cp.start()
                cp.wait()
                return carry

            lax.fori_loop(0, ev_rows // b_ev, chunk, 0)

        @pl.when(wid >= _EV_TILES)
        def _value_tiles():
            vid = wid - _EV_TILES
            pltpu.sync_copy(vt_hbm, tbl_v.at[pl.ds(0, n_cols * n_val * emb)])

            nb = _B // 128

            def chunk(t, carry):
                rbase = vid * val_rows + t * _B
                for c in range(n_cols):
                    pltpu.make_async_copy(
                        vi_hbms[c].at[pl.ds(rbase, _B)],
                        idx_v.at[pl.ds(c * _B, _B)], sem).start()
                for c in range(n_cols):
                    pltpu.make_async_copy(
                        vi_hbms[c].at[pl.ds(rbase, _B)],
                        idx_v.at[pl.ds(c * _B, _B)], sem).wait()

                def grp(g2, c2):
                    for u in range(2):
                        g = g2 * 2 + u
                        for c in range(n_cols):
                            iv = idx_v[pl.ds(c * _B + g * _L, _L)]
                            iv3 = iv * emb + (c * n_val * emb)
                            for e in range(emb):
                                x = plsc.load_gather(tbl_v, [iv3 + e])
                                stage_v[(c * emb + e) * nb + g // 8,
                                        pl.ds((g % 8) * _L, _L)] = x
                    return c2

                lax.fori_loop(0, groups // 2, grp, 0)
                cb0 = rbase // 128
                for w in range(n_vw):
                    kcomp = emb + w
                    pltpu.make_async_copy(
                        stage_v.at[pl.ds(w * nb, nb)],
                        out_hbm.at[kcomp // 8, pl.ds(cb0, nb), kcomp % 8],
                        sem).start()
                for w in range(n_vw):
                    kcomp = emb + w
                    pltpu.make_async_copy(
                        stage_v.at[pl.ds(w * nb, nb)],
                        out_hbm.at[kcomp // 8, pl.ds(cb0, nb), kcomp % 8],
                        sem).wait()
                return carry

            lax.fori_loop(0, val_chunks, chunk, 0)

    return k(*ev_cols, vt_flat, ev_idx, *vi_cols)


def kernel(event_idx, value_idx, event_table, value_tables):
    n_rows = event_idx.shape[0]
    n_cols, n_val, emb = value_tables.shape
    out_w = (n_cols + 1) * emb
    kpad = 8 * ((out_w + 7) // 8)
    ev_cols = [event_table[:, c] for c in range(emb)]
    vt_flat = value_tables.reshape(n_cols * n_val * emb)
    vi32 = value_idx.astype(jnp.int32)
    vi_cols = [vi32[:, c] for c in range(n_cols)]
    out4 = _lookup(
        ev_cols, vt_flat,
        event_idx.astype(jnp.int32), vi_cols,
        n_rows=n_rows, n_val=n_val, emb=emb, n_cols=n_cols)
    out = out4.transpose(1, 3, 0, 2).reshape(n_rows, kpad)
    return out[:, :out_w]

# --- scband reference (transcript-rebuilt; emitter-appended) ---
"""Pipeline reference for scband-gen-data-class-29669634081297 (READ-ONLY COPY).

The authoritative reference and input builder live on the scoring server;
editing this copy changes nothing except your own understanding.
"""

import jax, jax.numpy as jnp
import numpy as np

NUM_EVENTS = 100000
NUM_COLS = 5
MAX_VAL = 1000
N = 819200
EMB = 3

def setup_inputs(seed: int = 0) -> dict:
    key = jax.random.key(seed)
    k1, k2, k3, k4 = jax.random.split(key, 4)
    event_idx = jax.random.randint(k1, (N,), 0, NUM_EVENTS + 1, dtype=jnp.int64) if jax.config.jax_enable_x64 else jax.random.randint(k1, (N,), 0, NUM_EVENTS + 1)
    value_idx = jax.random.randint(k2, (N, NUM_COLS), 0, MAX_VAL)
    event_table = jax.random.normal(k3, (NUM_EVENTS + 1, EMB), dtype=jnp.float32)
    value_tables = jax.random.normal(k4, (NUM_COLS, MAX_VAL, EMB), dtype=jnp.float32)
    return {"event_idx": event_idx, "value_idx": value_idx, "event_table": event_table, "value_tables": value_tables}

def reference(event_idx, value_idx, event_table, value_tables):
    # Faithful translation of the per-row embedding construction in _create_data:
    # event embedding (dim 3) concatenated with one embedding (dim 3) per value column.
    ev = jnp.take(event_table, event_idx, axis=0)  # [N, 3]
    cols = jnp.arange(value_tables.shape[0])[None, :]  # [1, C]
    vals = value_tables[cols, value_idx]  # [N, C, 3] per-column gather
    vals = vals.reshape(vals.shape[0], -1)  # [N, C*3]
    out = jnp.concatenate([ev, vals], axis=1)  # [N, 3 + C*3] == data.view(len(data), -1)
    return out

if __name__ == "__main__":
    import jax
    _d = setup_inputs()
    print(jax.jit(kernel)(*tuple(_d.values())))

</pallas_src>

<mosaic_0001>
#map = affine_map<(d0, d1) -> (0)>
#map1 = affine_map<(d0, d1) -> (0, 0, 0, 0)>
module attributes {stable_mosaic.version = 14 : i64} {
  func.func @k(%arg0: i32, %arg1: i32, %arg2: memref<100001xf32, #tpu.memory_space<hbm>>, %arg3: memref<100001xf32, #tpu.memory_space<hbm>>, %arg4: memref<100001xf32, #tpu.memory_space<hbm>>, %arg5: memref<15000xf32, #tpu.memory_space<hbm>>, %arg6: memref<819200xi32, #tpu.memory_space<hbm>>, %arg7: memref<819200xi32, #tpu.memory_space<hbm>>, %arg8: memref<819200xi32, #tpu.memory_space<hbm>>, %arg9: memref<819200xi32, #tpu.memory_space<hbm>>, %arg10: memref<819200xi32, #tpu.memory_space<hbm>>, %arg11: memref<819200xi32, #tpu.memory_space<hbm>>, %arg12: memref<3x6400x8x128xf32, #tpu.memory_space<hbm>>, %arg13: memref<100001xf32, #tpu.memory_space<vmem>>, %arg14: memref<6400xi32, #tpu.memory_space<vmem>>, %arg15: memref<150x128xf32, #tpu.memory_space<vmem>>, %arg16: memref<!tpu.dma_semaphore, #tpu.memory_space<semaphore_mem>>) attributes {dimension_semantics = [#tpu.dimension_semantics<core_parallel>, #tpu.dimension_semantics<subcore_parallel>], iteration_bounds = array<i64: 2, 16>, scalar_prefetch = 0 : i64, scratch_operands = 4 : i64, tpu.core_type = #tpu.core_type<sc_vector_subcore>, window_params = [{transform_indices = #map}, {transform_indices = #map}, {transform_indices = #map}, {transform_indices = #map}, {transform_indices = #map}, {transform_indices = #map}, {transform_indices = #map}, {transform_indices = #map}, {transform_indices = #map}, {transform_indices = #map}, {transform_indices = #map1}]} {
    %mul3A = arith.constant 2 : i32
    %mul3A_0 = arith.muli %arg1, %mul3A : i32
    %add3A = arith.addi %mul3A_0, %arg0 : i32
    %lt3A = arith.constant 12 : i32
    %lt3A_1 = arith.cmpi slt, %add3A, %lt3A : i32
    %convert_element_type3A = arith.extui %lt3A_1 : i1 to i32
    %cond3A = arith.constant 0 : i32
    %cond3A_2 = arith.cmpi ne, %convert_element_type3A, %cond3A : i32
    scf.if %cond3A_2 {
      %jit3A = arith.constant 4 : i32
      %div3A = arith.divsi %add3A, %jit3A : i32
      %sign3A = arith.constant 0 : i32
      %sign3A_7 = arith.cmpi sgt, %add3A, %sign3A : i32
      %sign3A_8 = arith.extui %sign3A_7 : i1 to i32
      %sign3A_9 = arith.constant 0 : i32
      %sign3A_10 = arith.cmpi slt, %add3A, %sign3A_9 : i32
      %sign3A_11 = arith.extui %sign3A_10 : i1 to i32
      %sign3A_12 = arith.subi %sign3A_8, %sign3A_11 : i32
      %sign3A_13 = arith.constant 0 : i32
      %sign3A_14 = arith.cmpi sgt, %jit3A, %sign3A_13 : i32
      %sign3A_15 = arith.extui %sign3A_14 : i1 to i32
      %sign3A_16 = arith.constant 0 : i32
      %sign3A_17 = arith.cmpi slt, %jit3A, %sign3A_16 : i32
      %sign3A_18 = arith.extui %sign3A_17 : i1 to i32
      %sign3A_19 = arith.subi %sign3A_15, %sign3A_18 : i32
      %ne3A = arith.cmpi ne, %sign3A_12, %sign3A_19 : i32
      %rem3A = arith.remsi %add3A, %jit3A : i32
      %ne3A_20 = arith.constant 0 : i32
      %ne3A_21 = arith.cmpi ne, %rem3A, %ne3A_20 : i32
      %and3A = arith.andi %ne3A, %ne3A_21 : i1
      %sub3A = arith.constant 1 : i32
      %sub3A_22 = arith.subi %div3A, %sub3A : i32
      %select_n3A = arith.select %and3A, %sub3A_22, %div3A : i32
      %jit3A_23 = arith.constant 4 : i32
      %eq3A = arith.constant 0 : i32
      %eq3A_24 = arith.cmpi eq, %jit3A_23, %eq3A : i32
      %jit3A_25 = arith.constant 1 : i32
      %select_n3A_26 = arith.select %eq3A_24, %jit3A_25, %jit3A_23 : i32
      %rem3A_27 = arith.remsi %add3A, %select_n3A_26 : i32
      %ne3A_28 = arith.constant 0 : i32
      %ne3A_29 = arith.cmpi ne, %rem3A_27, %ne3A_28 : i32
      %lt3A_30 = arith.constant 0 : i32
      %lt3A_31 = arith.cmpi slt, %rem3A_27, %lt3A_30 : i32
      %lt3A_32 = arith.constant 0 : i32
      %lt3A_33 = arith.cmpi slt, %select_n3A_26, %lt3A_32 : i32
      %ne3A_34 = arith.xori %lt3A_31, %lt3A_33 : i1
      %and3A_35 = arith.andi %ne3A_34, %ne3A_29 : i1
      %add3A_36 = arith.addi %rem3A_27, %select_n3A_26 : i32
      %select_n3A_37 = arith.select %and3A_35, %add3A_36, %rem3A_27 : i32
      %eq3A_38 = arith.constant 0 : i32
      %eq3A_39 = arith.cmpi eq, %select_n3A, %eq3A_38 : i32
      %convert_element_type3A_40 = arith.extui %eq3A_39 : i1 to i32
      %cond3A_41 = arith.constant 0 : i32
      %cond3A_42 = arith.cmpi ne, %convert_element_type3A_40, %cond3A_41 : i32
      scf.if %cond3A_42 {
        "tpu.region"() ({
          %run_scoped3A = tpu.sem_alloc : memref<!tpu.dma_semaphore, #tpu.memory_space<semaphore_mem>>
          tpu.enqueue_dma source(%arg2 : memref<100001xf32, #tpu.memory_space<hbm>>) target(%arg13 : memref<100001xf32, #tpu.memory_space<vmem>>) target_semaphore(%run_scoped3A : memref<!tpu.dma_semaphore, #tpu.memory_space<semaphore_mem>>)
          tpu.wait_dma2 semaphore(%run_scoped3A : memref<!tpu.dma_semaphore, #tpu.memory_space<semaphore_mem>>) src(%arg2 : memref<100001xf32, #tpu.memory_space<hbm>>) dst(%arg13 : memref<100001xf32, #tpu.memory_space<vmem>>)
          tpu.yield
        }) : () -> ()
      } else {
      }
      %eq3A_43 = arith.constant 1 : i32
      %eq3A_44 = arith.cmpi eq, %select_n3A, %eq3A_43 : i32
      %convert_element_type3A_45 = arith.extui %eq3A_44 : i1 to i32
      %cond3A_46 = arith.constant 0 : i32
      %cond3A_47 = arith.cmpi ne, %convert_element_type3A_45, %cond3A_46 : i32
      scf.if %cond3A_47 {
        "tpu.region"() ({
          %run_scoped3A = tpu.sem_alloc : memref<!tpu.dma_semaphore, #tpu.memory_space<semaphore_mem>>
          tpu.enqueue_dma source(%arg3 : memref<100001xf32, #tpu.memory_space<hbm>>) target(%arg13 : memref<100001xf32, #tpu.memory_space<vmem>>) target_semaphore(%run_scoped3A : memref<!tpu.dma_semaphore, #tpu.memory_space<semaphore_mem>>)
          tpu.wait_dma2 semaphore(%run_scoped3A : memref<!tpu.dma_semaphore, #tpu.memory_space<semaphore_mem>>) src(%arg3 : memref<100001xf32, #tpu.memory_space<hbm>>) dst(%arg13 : memref<100001xf32, #tpu.memory_space<vmem>>)
          tpu.yield
        }) : () -> ()
      } else {
      }
      %eq3A_48 = arith.constant 2 : i32
      %eq3A_49 = arith.cmpi eq, %select_n3A, %eq3A_48 : i32
      %convert_element_type3A_50 = arith.extui %eq3A_49 : i1 to i32
      %cond3A_51 = arith.constant 0 : i32
      %cond3A_52 = arith.cmpi ne, %convert_element_type3A_50, %cond3A_51 : i32
      scf.if %cond3A_52 {
        "tpu.region"() ({
          %run_scoped3A = tpu.sem_alloc : memref<!tpu.dma_semaphore, #tpu.memory_space<semaphore_mem>>
          tpu.enqueue_dma source(%arg4 : memref<100001xf32, #tpu.memory_space<hbm>>) target(%arg13 : memref<100001xf32, #tpu.memory_space<vmem>>) target_semaphore(%run_scoped3A : memref<!tpu.dma_semaphore, #tpu.memory_space<semaphore_mem>>)
          tpu.wait_dma2 semaphore(%run_scoped3A : memref<!tpu.dma_semaphore, #tpu.memory_space<semaphore_mem>>) src(%arg4 : memref<100001xf32, #tpu.memory_space<hbm>>) dst(%arg13 : memref<100001xf32, #tpu.memory_space<vmem>>)
          tpu.yield
        }) : () -> ()
      } else {
      }
      %scan3A = arith.constant 0 : i32
      %scan3A_53 = arith.constant 0 : i32
      %scan3A_54 = arith.constant 32 : i32
      %scan3A_55 = arith.addi %scan3A_53, %scan3A_54 : i32
      %scan3A_56 = arith.constant 1 : i32
      scf.for %scan3A_58 = %scan3A_53 to %scan3A_55 step %scan3A_56  : i32 {
        %mul3A_59 = arith.constant 204800 : i32
        %mul3A_60 = arith.muli %select_n3A_37, %mul3A_59 : i32
        %mul3A_61 = arith.constant 6400 : i32
        %mul3A_62 = arith.muli %scan3A_58, %mul3A_61 : i32
        %add3A_63 = arith.addi %mul3A_60, %mul3A_62 : i32
        "tpu.region"() ({
          %run_scoped3A = tpu.sem_alloc : memref<!tpu.dma_semaphore, #tpu.memory_space<semaphore_mem>>
          %dma_start3A_156 = tpu.memref_slice %arg6[%add3A_63] : memref<819200xi32, #tpu.memory_space<hbm>> -> memref<6400xi32, #tpu.memory_space<hbm>>
          %dma_start3A_157 = tpu.memref_slice %arg6[%add3A_63] : memref<819200xi32, #tpu.memory_space<hbm>> -> memref<6400xi32, #tpu.memory_space<hbm>>
          tpu.enqueue_dma source(%dma_start3A_157 : memref<6400xi32, #tpu.memory_space<hbm>>) target(%arg14 : memref<6400xi32, #tpu.memory_space<vmem>>) target_semaphore(%run_scoped3A : memref<!tpu.dma_semaphore, #tpu.memory_space<semaphore_mem>>)
          %dma_wait3A_158 = tpu.memref_slice %arg6[%add3A_63] : memref<819200xi32, #tpu.memory_space<hbm>> -> memref<6400xi32, #tpu.memory_space<hbm>>
          %dma_wait3A_159 = tpu.memref_slice %arg6[%add3A_63] : memref<819200xi32, #tpu.memory_space<hbm>> -> memref<6400xi32, #tpu.memory_space<hbm>>
          tpu.wait_dma2 semaphore(%run_scoped3A : memref<!tpu.dma_semaphore, #tpu.memory_space<semaphore_mem>>) src(%dma_wait3A_159 : memref<6400xi32, #tpu.memory_space<hbm>>) dst(%arg14 : memref<6400xi32, #tpu.memory_space<vmem>>)
          tpu.yield
        }) : () -> ()
        %scan3A_64 = arith.constant 0 : i32
        %scan3A_65 = arith.constant 0 : i32
        %scan3A_66 = arith.constant 100 : i32
        %scan3A_67 = arith.addi %scan3A_65, %scan3A_66 : i32
        %scan3A_68 = arith.constant 1 : i32
        scf.for %scan3A_156 = %scan3A_65 to %scan3A_67 step %scan3A_68  : i32 {
          %mul3A_157 = arith.constant 4 : i32
          %mul3A_158 = arith.muli %scan3A_156, %mul3A_157 : i32
          %add3A_159 = arith.constant 0 : i32
          %add3A_160 = arith.addi %mul3A_158, %add3A_159 : i32
          %mul3A_161 = arith.constant 16 : i32
          %mul3A_162 = arith.muli %add3A_160, %mul3A_161 : i32
          %get3A = arith.index_cast %mul3A_162 : i32 to index
          %get3A_163 = tpu.vector_load %arg14[%get3A] {strides = array<i32>} : memref<6400xi32, #tpu.memory_space<vmem>>, vector<16xi32>,
          %gather3A = tpu.vector_load_idx %arg13[%get3A_163] : memref<100001xf32, #tpu.memory_space<vmem>>[vector<16xi32>], vector<16xf32>,
          %jit3A_164 = arith.constant 8 : i32
          %div3A_165 = arith.divsi %add3A_160, %jit3A_164 : i32
          %sign3A_166 = arith.constant 0 : i32
          %sign3A_167 = arith.cmpi sgt, %add3A_160, %sign3A_166 : i32
          %sign3A_168 = arith.extui %sign3A_167 : i1 to i32
          %sign3A_169 = arith.constant 0 : i32
          %sign3A_170 = arith.cmpi slt, %add3A_160, %sign3A_169 : i32
          %sign3A_171 = arith.extui %sign3A_170 : i1 to i32
          %sign3A_172 = arith.subi %sign3A_168, %sign3A_171 : i32
          %sign3A_173 = arith.constant 0 : i32
          %sign3A_174 = arith.cmpi sgt, %jit3A_164, %sign3A_173 : i32
          %sign3A_175 = arith.extui %sign3A_174 : i1 to i32
          %sign3A_176 = arith.constant 0 : i32
          %sign3A_177 = arith.cmpi slt, %jit3A_164, %sign3A_176 : i32
          %sign3A_178 = arith.extui %sign3A_177 : i1 to i32
          %sign3A_179 = arith.subi %sign3A_175, %sign3A_178 : i32
          %ne3A_180 = arith.cmpi ne, %sign3A_172, %sign3A_179 : i32
          %rem3A_181 = arith.remsi %add3A_160, %jit3A_164 : i32
          %ne3A_182 = arith.constant 0 : i32
          %ne3A_183 = arith.cmpi ne, %rem3A_181, %ne3A_182 : i32
          %and3A_184 = arith.andi %ne3A_180, %ne3A_183 : i1
          %sub3A_185 = arith.constant 1 : i32
          %sub3A_186 = arith.subi %div3A_165, %sub3A_185 : i32
          %select_n3A_187 = arith.select %and3A_184, %sub3A_186, %div3A_165 : i32
          %jit3A_188 = arith.constant 8 : i32
          %eq3A_189 = arith.constant 0 : i32
          %eq3A_190 = arith.cmpi eq, %jit3A_188, %eq3A_189 : i32
          %jit3A_191 = arith.constant 1 : i32
          %select_n3A_192 = arith.select %eq3A_190, %jit3A_191, %jit3A_188 : i32
          %rem3A_193 = arith.remsi %add3A_160, %select_n3A_192 : i32
          %ne3A_194 = arith.constant 0 : i32
          %ne3A_195 = arith.cmpi ne, %rem3A_193, %ne3A_194 : i32
          %lt3A_196 = arith.constant 0 : i32
          %lt3A_197 = arith.cmpi slt, %rem3A_193, %lt3A_196 : i32
          %lt3A_198 = arith.constant 0 : i32
          %lt3A_199 = arith.cmpi slt, %select_n3A_192, %lt3A_198 : i32
          %ne3A_200 = arith.xori %lt3A_197, %lt3A_199 : i1
          %and3A_201 = arith.andi %ne3A_200, %ne3A_195 : i1
          %add3A_202 = arith.addi %rem3A_193, %select_n3A_192 : i32
          %select_n3A_203 = arith.select %and3A_201, %add3A_202, %rem3A_193 : i32
          %mul3A_204 = arith.constant 16 : i32
          %mul3A_205 = arith.muli %select_n3A_203, %mul3A_204 : i32
          %swap3A = arith.index_cast %select_n3A_187 : i32 to index
          %swap3A_206 = arith.index_cast %mul3A_205 : i32 to index
          %swap3A_207 = tpu.vector_load %arg15[%swap3A, %swap3A_206] {strides = array<i32>} : memref<150x128xf32, #tpu.memory_space<vmem>>, vector<16xf32>,
          tpu.vector_store %arg15[%swap3A, %swap3A_206], %gather3A {strides = array<i32>} : memref<150x128xf32, #tpu.memory_space<vmem>>, vector<16xf32>,
          %mul3A_208 = arith.constant 4 : i32
          %mul3A_209 = arith.muli %scan3A_156, %mul3A_208 : i32
          %add3A_210 = arith.constant 1 : i32
          %add3A_211 = arith.addi %mul3A_209, %add3A_210 : i32
          %mul3A_212 = arith.constant 16 : i32
          %mul3A_213 = arith.muli %add3A_211, %mul3A_212 : i32
          %get3A_214 = arith.index_cast %mul3A_213 : i32 to index
          %get3A_215 = tpu.vector_load %arg14[%get3A_214] {strides = array<i32>} : memref<6400xi32, #tpu.memory_space<vmem>>, vector<16xi32>,
          %gather3A_216 = tpu.vector_load_idx %arg13[%get3A_215] : memref<100001xf32, #tpu.memory_space<vmem>>[vector<16xi32>], vector<16xf32>,
          %jit3A_217 = arith.constant 8 : i32
          %div3A_218 = arith.divsi %add3A_211, %jit3A_217 : i32
          %sign3A_219 = arith.constant 0 : i32
          %sign3A_220 = arith.cmpi sgt, %add3A_211, %sign3A_219 : i32
          %sign3A_221 = arith.extui %sign3A_220 : i1 to i32
          %sign3A_222 = arith.constant 0 : i32
          %sign3A_223 = arith.cmpi slt, %add3A_211, %sign3A_222 : i32
          %sign3A_224 = arith.extui %sign3A_223 : i1 to i32
          %sign3A_225 = arith.subi %sign3A_221, %sign3A_224 : i32
          %sign3A_226 = arith.constant 0 : i32
          %sign3A_227 = arith.cmpi sgt, %jit3A_217, %sign3A_226 : i32
          %sign3A_228 = arith.extui %sign3A_227 : i1 to i32
          %sign3A_229 = arith.constant 0 : i32
          %sign3A_230 = arith.cmpi slt, %jit3A_217, %sign3A_229 : i32
          %sign3A_231 = arith.extui %sign3A_230 : i1 to i32
          %sign3A_232 = arith.subi %sign3A_228, %sign3A_231 : i32
          %ne3A_233 = arith.cmpi ne, %sign3A_225, %sign3A_232 : i32
          %rem3A_234 = arith.remsi %add3A_211, %jit3A_217 : i32
          %ne3A_235 = arith.constant 0 : i32
          %ne3A_236 = arith.cmpi ne, %rem3A_234, %ne3A_235 : i32
          %and3A_237 = arith.andi %ne3A_233, %ne3A_236 : i1
          %sub3A_238 = arith.constant 1 : i32
          %sub3A_239 = arith.subi %div3A_218, %sub3A_238 : i32
          %select_n3A_240 = arith.select %and3A_237, %sub3A_239, %div3A_218 : i32
          %jit3A_241 = arith.constant 8 : i32
          %eq3A_242 = arith.constant 0 : i32
          %eq3A_243 = arith.cmpi eq, %jit3A_241, %eq3A_242 : i32
          %jit3A_244 = arith.constant 1 : i32
          %select_n3A_245 = arith.select %eq3A_243, %jit3A_244, %jit3A_241 : i32
          %rem3A_246 = arith.remsi %add3A_211, %select_n3A_245 : i32
          %ne3A_247 = arith.constant 0 : i32
          %ne3A_248 = arith.cmpi ne, %rem3A_246, %ne3A_247 : i32
          %lt3A_249 = arith.constant 0 : i32
          %lt3A_250 = arith.cmpi slt, %rem3A_246, %lt3A_249 : i32
          %lt3A_251 = arith.constant 0 : i32
          %lt3A_252 = arith.cmpi slt, %select_n3A_245, %lt3A_251 : i32
          %ne3A_253 = arith.xori %lt3A_250, %lt3A_252 : i1
          %and3A_254 = arith.andi %ne3A_253, %ne3A_248 : i1
          %add3A_255 = arith.addi %rem3A_246, %select_n3A_245 : i32
          %select_n3A_256 = arith.select %and3A_254, %add3A_255, %rem3A_246 : i32
          %mul3A_257 = arith.constant 16 : i32
          %mul3A_258 = arith.muli %select_n3A_256, %mul3A_257 : i32
          %swap3A_259 = arith.index_cast %select_n3A_240 : i32 to index
          %swap3A_260 = arith.index_cast %mul3A_258 : i32 to index
          %swap3A_261 = tpu.vector_load %arg15[%swap3A_259, %swap3A_260] {strides = array<i32>} : memref<150x128xf32, #tpu.memory_space<vmem>>, vector<16xf32>,
          tpu.vector_store %arg15[%swap3A_259, %swap3A_260], %gather3A_216 {strides = array<i32>} : memref<150x128xf32, #tpu.memory_space<vmem>>, vector<16xf32>,
          %mul3A_262 = arith.constant 4 : i32
          %mul3A_263 = arith.muli %scan3A_156, %mul3A_262 : i32
          %add3A_264 = arith.constant 2 : i32
          %add3A_265 = arith.addi %mul3A_263, %add3A_264 : i32
          %mul3A_266 = arith.constant 16 : i32
          %mul3A_267 = arith.muli %add3A_265, %mul3A_266 : i32
          %get3A_268 = arith.index_cast %mul3A_267 : i32 to index
          %get3A_269 = tpu.vector_load %arg14[%get3A_268] {strides = array<i32>} : memref<6400xi32, #tpu.memory_space<vmem>>, vector<16xi32>,
          %gather3A_270 = tpu.vector_load_idx %arg13[%get3A_269] : memref<100001xf32, #tpu.memory_space<vmem>>[vector<16xi32>], vector<16xf32>,
          %jit3A_271 = arith.constant 8 : i32
          %div3A_272 = arith.divsi %add3A_265, %jit3A_271 : i32
          %sign3A_273 = arith.constant 0 : i32
          %sign3A_274 = arith.cmpi sgt, %add3A_265, %sign3A_273 : i32
          %sign3A_275 = arith.extui %sign3A_274 : i1 to i32
          %sign3A_276 = arith.constant 0 : i32
          %sign3A_277 = arith.cmpi slt, %add3A_265, %sign3A_276 : i32
          %sign3A_278 = arith.extui %sign3A_277 : i1 to i32
          %sign3A_279 = arith.subi %sign3A_275, %sign3A_278 : i32
          %sign3A_280 = arith.constant 0 : i32
          %sign3A_281 = arith.cmpi sgt, %jit3A_271, %sign3A_280 : i32
          %sign3A_282 = arith.extui %sign3A_281 : i1 to i32
          %sign3A_283 = arith.constant 0 : i32
          %sign3A_284 = arith.cmpi slt, %jit3A_271, %sign3A_283 : i32
          %sign3A_285 = arith.extui %sign3A_284 : i1 to i32
          %sign3A_286 = arith.subi %sign3A_282, %sign3A_285 : i32
          %ne3A_287 = arith.cmpi ne, %sign3A_279, %sign3A_286 : i32
          %rem3A_288 = arith.remsi %add3A_265, %jit3A_271 : i32
          %ne3A_289 = arith.constant 0 : i32
          %ne3A_290 = arith.cmpi ne, %rem3A_288, %ne3A_289 : i32
          %and3A_291 = arith.andi %ne3A_287, %ne3A_290 : i1
          %sub3A_292 = arith.constant 1 : i32
          %sub3A_293 = arith.subi %div3A_272, %sub3A_292 : i32
          %select_n3A_294 = arith.select %and3A_291, %sub3A_293, %div3A_272 : i32
          %jit3A_295 = arith.constant 8 : i32
          %eq3A_296 = arith.constant 0 : i32
          %eq3A_297 = arith.cmpi eq, %jit3A_295, %eq3A_296 : i32
          %jit3A_298 = arith.constant 1 : i32
          %select_n3A_299 = arith.select %eq3A_297, %jit3A_298, %jit3A_295 : i32
          %rem3A_300 = arith.remsi %add3A_265, %select_n3A_299 : i32
          %ne3A_301 = arith.constant 0 : i32
          %ne3A_302 = arith.cmpi ne, %rem3A_300, %ne3A_301 : i32
          %lt3A_303 = arith.constant 0 : i32
          %lt3A_304 = arith.cmpi slt, %rem3A_300, %lt3A_303 : i32
          %lt3A_305 = arith.constant 0 : i32
          %lt3A_306 = arith.cmpi slt, %select_n3A_299, %lt3A_305 : i32
          %ne3A_307 = arith.xori %lt3A_304, %lt3A_306 : i1
          %and3A_308 = arith.andi %ne3A_307, %ne3A_302 : i1
          %add3A_309 = arith.addi %rem3A_300, %select_n3A_299 : i32
          %select_n3A_310 = arith.select %and3A_308, %add3A_309, %rem3A_300 : i32
          %mul3A_311 = arith.constant 16 : i32
          %mul3A_312 = arith.muli %select_n3A_310, %mul3A_311 : i32
          %swap3A_313 = arith.index_cast %select_n3A_294 : i32 to index
          %swap3A_314 = arith.index_cast %mul3A_312 : i32 to index
          %swap3A_315 = tpu.vector_load %arg15[%swap3A_313, %swap3A_314] {strides = array<i32>} : memref<150x128xf32, #tpu.memory_space<vmem>>, vector<16xf32>,
          tpu.vector_store %arg15[%swap3A_313, %swap3A_314], %gather3A_270 {strides = array<i32>} : memref<150x128xf32, #tpu.memory_space<vmem>>, vector<16xf32>,
          %mul3A_316 = arith.constant 4 : i32
          %mul3A_317 = arith.muli %scan3A_156, %mul3A_316 : i32
          %add3A_318 = arith.constant 3 : i32
          %add3A_319 = arith.addi %mul3A_317, %add3A_318 : i32
          %mul3A_320 = arith.constant 16 : i32
          %mul3A_321 = arith.muli %add3A_319, %mul3A_320 : i32
          %get3A_322 = arith.index_cast %mul3A_321 : i32 to index
          %get3A_323 = tpu.vector_load %arg14[%get3A_322] {strides = array<i32>} : memref<6400xi32, #tpu.memory_space<vmem>>, vector<16xi32>,
          %gather3A_324 = tpu.vector_load_idx %arg13[%get3A_323] : memref<100001xf32, #tpu.memory_space<vmem>>[vector<16xi32>], vector<16xf32>,
          %jit3A_325 = arith.constant 8 : i32
          %div3A_326 = arith.divsi %add3A_319, %jit3A_325 : i32
          %sign3A_327 = arith.constant 0 : i32
          %sign3A_328 = arith.cmpi sgt, %add3A_319, %sign3A_327 : i32
          %sign3A_329 = arith.extui %sign3A_328 : i1 to i32
          %sign3A_330 = arith.constant 0 : i32
          %sign3A_331 = arith.cmpi slt, %add3A_319, %sign3A_330 : i32
          %sign3A_332 = arith.extui %sign3A_331 : i1 to i32
          %sign3A_333 = arith.subi %sign3A_329, %sign3A_332 : i32
          %sign3A_334 = arith.constant 0 : i32
          %sign3A_335 = arith.cmpi sgt, %jit3A_325, %sign3A_334 : i32
          %sign3A_336 = arith.extui %sign3A_335 : i1 to i32
          %sign3A_337 = arith.constant 0 : i32
          %sign3A_338 = arith.cmpi slt, %jit3A_325, %sign3A_337 : i32
          %sign3A_339 = arith.extui %sign3A_338 : i1 to i32
          %sign3A_340 = arith.subi %sign3A_336, %sign3A_339 : i32
          %ne3A_341 = arith.cmpi ne, %sign3A_333, %sign3A_340 : i32
          %rem3A_342 = arith.remsi %add3A_319, %jit3A_325 : i32
          %ne3A_343 = arith.constant 0 : i32
          %ne3A_344 = arith.cmpi ne, %rem3A_342, %ne3A_343 : i32
          %and3A_345 = arith.andi %ne3A_341, %ne3A_344 : i1
          %sub3A_346 = arith.constant 1 : i32
          %sub3A_347 = arith.subi %div3A_326, %sub3A_346 : i32
          %select_n3A_348 = arith.select %and3A_345, %sub3A_347, %div3A_326 : i32
          %jit3A_349 = arith.constant 8 : i32
          %eq3A_350 = arith.constant 0 : i32
          %eq3A_351 = arith.cmpi eq, %jit3A_349, %eq3A_350 : i32
          %jit3A_352 = arith.constant 1 : i32
          %select_n3A_353 = arith.select %eq3A_351, %jit3A_352, %jit3A_349 : i32
          %rem3A_354 = arith.remsi %add3A_319, %select_n3A_353 : i32
          %ne3A_355 = arith.constant 0 : i32
          %ne3A_356 = arith.cmpi ne, %rem3A_354, %ne3A_355 : i32
          %lt3A_357 = arith.constant 0 : i32
          %lt3A_358 = arith.cmpi slt, %rem3A_354, %lt3A_357 : i32
          %lt3A_359 = arith.constant 0 : i32
          %lt3A_360 = arith.cmpi slt, %select_n3A_353, %lt3A_359 : i32
          %ne3A_361 = arith.xori %lt3A_358, %lt3A_360 : i1
          %and3A_362 = arith.andi %ne3A_361, %ne3A_356 : i1
          %add3A_363 = arith.addi %rem3A_354, %select_n3A_353 : i32
          %select_n3A_364 = arith.select %and3A_362, %add3A_363, %rem3A_354 : i32
          %mul3A_365 = arith.constant 16 : i32
          %mul3A_366 = arith.muli %select_n3A_364, %mul3A_365 : i32
          %swap3A_367 = arith.index_cast %select_n3A_348 : i32 to index
          %swap3A_368 = arith.index_cast %mul3A_366 : i32 to index
          %swap3A_369 = tpu.vector_load %arg15[%swap3A_367, %swap3A_368] {strides = array<i32>} : memref<150x128xf32, #tpu.memory_space<vmem>>, vector<16xf32>,
          tpu.vector_store %arg15[%swap3A_367, %swap3A_368], %gather3A_324 {strides = array<i32>} : memref<150x128xf32, #tpu.memory_space<vmem>>, vector<16xf32>,
        }
        %scan3A_69 = arith.constant 100 : i32
        %jit3A_70 = arith.constant 128 : i32
        %div3A_71 = arith.divsi %add3A_63, %jit3A_70 : i32
        %sign3A_72 = arith.constant 0 : i32
        %sign3A_73 = arith.cmpi sgt, %add3A_63, %sign3A_72 : i32
        %sign3A_74 = arith.extui %sign3A_73 : i1 to i32
        %sign3A_75 = arith.constant 0 : i32
        %sign3A_76 = arith.cmpi slt, %add3A_63, %sign3A_75 : i32
        %sign3A_77 = arith.extui %sign3A_76 : i1 to i32
        %sign3A_78 = arith.subi %sign3A_74, %sign3A_77 : i32
        %sign3A_79 = arith.constant 0 : i32
        %sign3A_80 = arith.cmpi sgt, %jit3A_70, %sign3A_79 : i32
        %sign3A_81 = arith.extui %sign3A_80 : i1 to i32
        %sign3A_82 = arith.constant 0 : i32
        %sign3A_83 = arith.cmpi slt, %jit3A_70, %sign3A_82 : i32
        %sign3A_84 = arith.extui %sign3A_83 : i1 to i32
        %sign3A_85 = arith.subi %sign3A_81, %sign3A_84 : i32
        %ne3A_86 = arith.cmpi ne, %sign3A_78, %sign3A_85 : i32
        %rem3A_87 = arith.remsi %add3A_63, %jit3A_70 : i32
        %ne3A_88 = arith.constant 0 : i32
        %ne3A_89 = arith.cmpi ne, %rem3A_87, %ne3A_88 : i32
        %and3A_90 = arith.andi %ne3A_86, %ne3A_89 : i1
        %sub3A_91 = arith.constant 1 : i32
        %sub3A_92 = arith.subi %div3A_71, %sub3A_91 : i32
        %select_n3A_93 = arith.select %and3A_90, %sub3A_92, %div3A_71 : i32
        %jit3A_94 = arith.constant 8 : i32
        %div3A_95 = arith.divsi %select_n3A, %jit3A_94 : i32
        %sign3A_96 = arith.constant 0 : i32
        %sign3A_97 = arith.cmpi sgt, %select_n3A, %sign3A_96 : i32
        %sign3A_98 = arith.extui %sign3A_97 : i1 to i32
        %sign3A_99 = arith.constant 0 : i32
        %sign3A_100 = arith.cmpi slt, %select_n3A, %sign3A_99 : i32
        %sign3A_101 = arith.extui %sign3A_100 : i1 to i32
        %sign3A_102 = arith.subi %sign3A_98, %sign3A_101 : i32
        %sign3A_103 = arith.constant 0 : i32
        %sign3A_104 = arith.cmpi sgt, %jit3A_94, %sign3A_103 : i32
        %sign3A_105 = arith.extui %sign3A_104 : i1 to i32
        %sign3A_106 = arith.constant 0 : i32
        %sign3A_107 = arith.cmpi slt, %jit3A_94, %sign3A_106 : i32
        %sign3A_108 = arith.extui %sign3A_107 : i1 to i32
        %sign3A_109 = arith.subi %sign3A_105, %sign3A_108 : i32
        %ne3A_110 = arith.cmpi ne, %sign3A_102, %sign3A_109 : i32
        %rem3A_111 = arith.remsi %select_n3A, %jit3A_94 : i32
        %ne3A_112 = arith.constant 0 : i32
        %ne3A_113 = arith.cmpi ne, %rem3A_111, %ne3A_112 : i32
        %and3A_114 = arith.andi %ne3A_110, %ne3A_113 : i1
        %sub3A_115 = arith.constant 1 : i32
        %sub3A_116 = arith.subi %div3A_95, %sub3A_115 : i32
        %select_n3A_117 = arith.select %and3A_114, %sub3A_116, %div3A_95 : i32
        %jit3A_118 = arith.constant 8 : i32
        %eq3A_119 = arith.constant 0 : i32
        %eq3A_120 = arith.cmpi eq, %jit3A_118, %eq3A_119 : i32
        %jit3A_121 = arith.constant 1 : i32
        %select_n3A_122 = arith.select %eq3A_120, %jit3A_121, %jit3A_118 : i32
        %rem3A_123 = arith.remsi %select_n3A, %select_n3A_122 : i32
        %ne3A_124 = arith.constant 0 : i32
        %ne3A_125 = arith.cmpi ne, %rem3A_123, %ne3A_124 : i32
        %lt3A_126 = arith.constant 0 : i32
        %lt3A_127 = arith.cmpi slt, %rem3A_123, %lt3A_126 : i32
        %lt3A_128 = arith.constant 0 : i32
        %lt3A_129 = arith.cmpi slt, %select_n3A_122, %lt3A_128 : i32
        %ne3A_130 = arith.xori %lt3A_127, %lt3A_129 : i1
        %and3A_131 = arith.andi %ne3A_130, %ne3A_125 : i1
        %add3A_132 = arith.addi %rem3A_123, %select_n3A_122 : i32
        %select_n3A_133 = arith.select %and3A_131, %add3A_132, %rem3A_123 : i32
        %dma_start3A = arith.constant 0 : i32
        %dma_start3A_134 = arith.constant 0 : i32
        %dma_start3A_135 = tpu.memref_slice %arg15[%dma_start3A, %dma_start3A_134] : memref<150x128xf32, #tpu.memory_space<vmem>> -> memref<50x128xf32, #tpu.memory_space<vmem>>
        %dma_start3A_136 = arith.constant 0 : i32
        %dma_start3A_137 = tpu.memref_slice %arg12[%select_n3A_117, %select_n3A_93, %select_n3A_133, %dma_start3A_136] : memref<3x6400x8x128xf32, #tpu.memory_space<hbm>> -> memref<1x50x1x128xf32, #tpu.memory_space<hbm>>
        %dma_start3A_138 = tpu.memref_squeeze %dma_start3A_137 : memref<1x50x1x128xf32, #tpu.memory_space<hbm>> -> memref<50x128xf32, #tpu.memory_space<hbm>>
        %dma_start3A_139 = arith.constant 0 : i32
        %dma_start3A_140 = tpu.memref_slice %arg12[%select_n3A_117, %select_n3A_93, %select_n3A_133, %dma_start3A_139] : memref<3x6400x8x128xf32, #tpu.memory_space<hbm>> -> memref<1x50x1x128xf32, #tpu.memory_space<hbm>>
        %dma_start3A_141 = tpu.memref_squeeze %dma_start3A_140 : memref<1x50x1x128xf32, #tpu.memory_space<hbm>> -> memref<50x128xf32, #tpu.memory_space<hbm>>
        %dma_start3A_142 = arith.constant 0 : i32
        %dma_start3A_143 = arith.constant 0 : i32
        %dma_start3A_144 = tpu.memref_slice %arg15[%dma_start3A_142, %dma_start3A_143] : memref<150x128xf32, #tpu.memory_space<vmem>> -> memref<50x128xf32, #tpu.memory_space<vmem>>
        tpu.enqueue_dma source(%dma_start3A_144 : memref<50x128xf32, #tpu.memory_space<vmem>>) target(%dma_start3A_141 : memref<50x128xf32, #tpu.memory_space<hbm>>) target_semaphore(%arg16 : memref<!tpu.dma_semaphore, #tpu.memory_space<semaphore_mem>>)
        %dma_wait3A = arith.constant 0 : i32
        %dma_wait3A_145 = arith.constant 0 : i32
        %dma_wait3A_146 = tpu.memref_slice %arg15[%dma_wait3A, %dma_wait3A_145] : memref<150x128xf32, #tpu.memory_space<vmem>> -> memref<50x128xf32, #tpu.memory_space<vmem>>
        %dma_wait3A_147 = arith.constant 0 : i32
        %dma_wait3A_148 = tpu.memref_slice %arg12[%select_n3A_117, %select_n3A_93, %select_n3A_133, %dma_wait3A_147] : memref<3x6400x8x128xf32, #tpu.memory_space<hbm>> -> memref<1x50x1x128xf32, #tpu.memory_space<hbm>>
        %dma_wait3A_149 = tpu.memref_squeeze %dma_wait3A_148 : memref<1x50x1x128xf32, #tpu.memory_space<hbm>> -> memref<50x128xf32, #tpu.memory_space<hbm>>
        %dma_wait3A_150 = arith.constant 0 : i32
        %dma_wait3A_151 = tpu.memref_slice %arg12[%select_n3A_117, %select_n3A_93, %select_n3A_133, %dma_wait3A_150] : memref<3x6400x8x128xf32, #tpu.memory_space<hbm>> -> memref<1x50x1x128xf32, #tpu.memory_space<hbm>>
        %dma_wait3A_152 = tpu.memref_squeeze %dma_wait3A_151 : memref<1x50x1x128xf32, #tpu.memory_space<hbm>> -> memref<50x128xf32, #tpu.memory_space<hbm>>
        %dma_wait3A_153 = arith.constant 0 : i32
        %dma_wait3A_154 = arith.constant 0 : i32
        %dma_wait3A_155 = tpu.memref_slice %arg15[%dma_wait3A_153, %dma_wait3A_154] : memref<150x128xf32, #tpu.memory_space<vmem>> -> memref<50x128xf32, #tpu.memory_space<vmem>>
        tpu.wait_dma2 semaphore(%arg16 : memref<!tpu.dma_semaphore, #tpu.memory_space<semaphore_mem>>) src(%dma_wait3A_155 : memref<50x128xf32, #tpu.memory_space<vmem>>) dst(%dma_wait3A_152 : memref<50x128xf32, #tpu.memory_space<hbm>>)
      }
      %scan3A_57 = arith.constant 32 : i32
    } else {
    }
    %ge3A = arith.constant 12 : i32
    %ge3A_3 = arith.cmpi sge, %add3A, %ge3A : i32
    %convert_element_type3A_4 = arith.extui %ge3A_3 : i1 to i32
    %cond3A_5 = arith.constant 0 : i32
    %cond3A_6 = arith.cmpi ne, %convert_element_type3A_4, %cond3A_5 : i32
    scf.if %cond3A_6 {
      %sub3A = arith.constant 12 : i32
      %sub3A_7 = arith.subi %add3A, %sub3A : i32
      "tpu.region"() ({
        %run_scoped3A = tpu.sem_alloc : memref<!tpu.dma_semaphore, #tpu.memory_space<semaphore_mem>>
        %dma_start3A = arith.constant 0 : i32
        %dma_start3A_13 = tpu.memref_slice %arg13[%dma_start3A] : memref<100001xf32, #tpu.memory_space<vmem>> -> memref<15000xf32, #tpu.memory_space<vmem>>
        %dma_start3A_14 = arith.constant 0 : i32
        %dma_start3A_15 = tpu.memref_slice %arg13[%dma_start3A_14] : memref<100001xf32, #tpu.memory_space<vmem>> -> memref<15000xf32, #tpu.memory_space<vmem>>
        tpu.enqueue_dma source(%arg5 : memref<15000xf32, #tpu.memory_space<hbm>>) target(%dma_start3A_15 : memref<15000xf32, #tpu.memory_space<vmem>>) target_semaphore(%run_scoped3A : memref<!tpu.dma_semaphore, #tpu.memory_space<semaphore_mem>>)
        %dma_wait3A = arith.constant 0 : i32
        %dma_wait3A_16 = tpu.memref_slice %arg13[%dma_wait3A] : memref<100001xf32, #tpu.memory_space<vmem>> -> memref<15000xf32, #tpu.memory_space<vmem>>
        %dma_wait3A_17 = arith.constant 0 : i32
        %dma_wait3A_18 = tpu.memref_slice %arg13[%dma_wait3A_17] : memref<100001xf32, #tpu.memory_space<vmem>> -> memref<15000xf32, #tpu.memory_space<vmem>>
        tpu.wait_dma2 semaphore(%run_scoped3A : memref<!tpu.dma_semaphore, #tpu.memory_space<semaphore_mem>>) src(%arg5 : memref<15000xf32, #tpu.memory_space<hbm>>) dst(%dma_wait3A_18 : memref<15000xf32, #tpu.memory_space<vmem>>)
        tpu.yield
      }) : () -> ()
      %scan3A = arith.constant 0 : i32
      %scan3A_8 = arith.constant 0 : i32
      %scan3A_9 = arith.constant 32 : i32
      %scan3A_10 = arith.addi %scan3A_8, %scan3A_9 : i32
      %scan3A_11 = arith.constant 1 : i32
      scf.for %scan3A_13 = %scan3A_8 to %scan3A_10 step %scan3A_11  : i32 {
        %mul3A_14 = arith.constant 40960 : i32
        %mul3A_15 = arith.muli %sub3A_7, %mul3A_14 : i32
        %mul3A_16 = arith.constant 1280 : i32
        %mul3A_17 = arith.muli %scan3A_13, %mul3A_16 : i32
        %add3A_18 = arith.addi %mul3A_15, %mul3A_17 : i32
        %dma_start3A = arith.constant 0 : i32
        %dma_start3A_19 = tpu.memref_slice %arg14[%dma_start3A] : memref<6400xi32, #tpu.memory_space<vmem>> -> memref<1280xi32, #tpu.memory_space<vmem>>
        %dma_start3A_20 = tpu.memref_slice %arg7[%add3A_18] : memref<819200xi32, #tpu.memory_space<hbm>> -> memref<1280xi32, #tpu.memory_space<hbm>>
        %dma_start3A_21 = arith.constant 0 : i32
        %dma_start3A_22 = tpu.memref_slice %arg14[%dma_start3A_21] : memref<6400xi32, #tpu.memory_space<vmem>> -> memref<1280xi32, #tpu.memory_space<vmem>>
        %dma_start3A_23 = tpu.memref_slice %arg7[%add3A_18] : memref<819200xi32, #tpu.memory_space<hbm>> -> memref<1280xi32, #tpu.memory_space<hbm>>
        tpu.enqueue_dma source(%dma_start3A_23 : memref<1280xi32, #tpu.memory_space<hbm>>) target(%dma_start3A_22 : memref<1280xi32, #tpu.memory_space<vmem>>) target_semaphore(%arg16 : memref<!tpu.dma_semaphore, #tpu.memory_space<semaphore_mem>>)
        %dma_start3A_24 = arith.constant 1280 : i32
        %dma_start3A_25 = tpu.memref_slice %arg14[%dma_start3A_24] : memref<6400xi32, #tpu.memory_space<vmem>> -> memref<1280xi32, #tpu.memory_space<vmem>>
        %dma_start3A_26 = tpu.memref_slice %arg8[%add3A_18] : memref<819200xi32, #tpu.memory_space<hbm>> -> memref<1280xi32, #tpu.memory_space<hbm>>
        %dma_start3A_27 = arith.constant 1280 : i32
        %dma_start3A_28 = tpu.memref_slice %arg14[%dma_start3A_27] : memref<6400xi32, #tpu.memory_space<vmem>> -> memref<1280xi32, #tpu.memory_space<vmem>>
        %dma_start3A_29 = tpu.memref_slice %arg8[%add3A_18] : memref<819200xi32, #tpu.memory_space<hbm>> -> memref<1280xi32, #tpu.memory_space<hbm>>
        tpu.enqueue_dma source(%dma_start3A_29 : memref<1280xi32, #tpu.memory_space<hbm>>) target(%dma_start3A_28 : memref<1280xi32, #tpu.memory_space<vmem>>) target_semaphore(%arg16 : memref<!tpu.dma_semaphore, #tpu.memory_space<semaphore_mem>>)
        %dma_start3A_30 = arith.constant 2560 : i32
        %dma_start3A_31 = tpu.memref_slice %arg14[%dma_start3A_30] : memref<6400xi32, #tpu.memory_space<vmem>> -> memref<1280xi32, #tpu.memory_space<vmem>>
        %dma_start3A_32 = tpu.memref_slice %arg9[%add3A_18] : memref<819200xi32, #tpu.memory_space<hbm>> -> memref<1280xi32, #tpu.memory_space<hbm>>
        %dma_start3A_33 = arith.constant 2560 : i32
        %dma_start3A_34 = tpu.memref_slice %arg14[%dma_start3A_33] : memref<6400xi32, #tpu.memory_space<vmem>> -> memref<1280xi32, #tpu.memory_space<vmem>>
        %dma_start3A_35 = tpu.memref_slice %arg9[%add3A_18] : memref<819200xi32, #tpu.memory_space<hbm>> -> memref<1280xi32, #tpu.memory_space<hbm>>
        tpu.enqueue_dma source(%dma_start3A_35 : memref<1280xi32, #tpu.memory_space<hbm>>) target(%dma_start3A_34 : memref<1280xi32, #tpu.memory_space<vmem>>) target_semaphore(%arg16 : memref<!tpu.dma_semaphore, #tpu.memory_space<semaphore_mem>>)
        %dma_start3A_36 = arith.constant 3840 : i32
        %dma_start3A_37 = tpu.memref_slice %arg14[%dma_start3A_36] : memref<6400xi32, #tpu.memory_space<vmem>> -> memref<1280xi32, #tpu.memory_space<vmem>>
        %dma_start3A_38 = tpu.memref_slice %arg10[%add3A_18] : memref<819200xi32, #tpu.memory_space<hbm>> -> memref<1280xi32, #tpu.memory_space<hbm>>
        %dma_start3A_39 = arith.constant 3840 : i32
        %dma_start3A_40 = tpu.memref_slice %arg14[%dma_start3A_39] : memref<6400xi32, #tpu.memory_space<vmem>> -> memref<1280xi32, #tpu.memory_space<vmem>>
        %dma_start3A_41 = tpu.memref_slice %arg10[%add3A_18] : memref<819200xi32, #tpu.memory_space<hbm>> -> memref<1280xi32, #tpu.memory_space<hbm>>
        tpu.enqueue_dma source(%dma_start3A_41 : memref<1280xi32, #tpu.memory_space<hbm>>) target(%dma_start3A_40 : memref<1280xi32, #tpu.memory_space<vmem>>) target_semaphore(%arg16 : memref<!tpu.dma_semaphore, #tpu.memory_space<semaphore_mem>>)
        %dma_start3A_42 = arith.constant 5120 : i32
        %dma_start3A_43 = tpu.memref_slice %arg14[%dma_start3A_42] : memref<6400xi32, #tpu.memory_space<vmem>> -> memref<1280xi32, #tpu.memory_space<vmem>>
        %dma_start3A_44 = tpu.memref_slice %arg11[%add3A_18] : memref<819200xi32, #tpu.memory_space<hbm>> -> memref<1280xi32, #tpu.memory_space<hbm>>
        %dma_start3A_45 = arith.constant 5120 : i32
        %dma_start3A_46 = tpu.memref_slice %arg14[%dma_start3A_45] : memref<6400xi32, #tpu.memory_space<vmem>> -> memref<1280xi32, #tpu.memory_space<vmem>>
        %dma_start3A_47 = tpu.memref_slice %arg11[%add3A_18] : memref<819200xi32, #tpu.memory_space<hbm>> -> memref<1280xi32, #tpu.memory_space<hbm>>
        tpu.enqueue_dma source(%dma_start3A_47 : memref<1280xi32, #tpu.memory_space<hbm>>) target(%dma_start3A_46 : memref<1280xi32, #tpu.memory_space<vmem>>) target_semaphore(%arg16 : memref<!tpu.dma_semaphore, #tpu.memory_space<semaphore_mem>>)
        %dma_wait3A = arith.constant 0 : i32
        %dma_wait3A_48 = tpu.memref_slice %arg14[%dma_wait3A] : memref<6400xi32, #tpu.memory_space<vmem>> -> memref<1280xi32, #tpu.memory_space<vmem>>
        %dma_wait3A_49 = tpu.memref_slice %arg7[%add3A_18] : memref<819200xi32, #tpu.memory_space<hbm>> -> memref<1280xi32, #tpu.memory_space<hbm>>
        %dma_wait3A_50 = arith.constant 0 : i32
        %dma_wait3A_51 = tpu.memref_slice %arg14[%dma_wait3A_50] : memref<6400xi32, #tpu.memory_space<vmem>> -> memref<1280xi32, #tpu.memory_space<vmem>>
        %dma_wait3A_52 = tpu.memref_slice %arg7[%add3A_18] : memref<819200xi32, #tpu.memory_space<hbm>> -> memref<1280xi32, #tpu.memory_space<hbm>>
        tpu.wait_dma2 semaphore(%arg16 : memref<!tpu.dma_semaphore, #tpu.memory_space<semaphore_mem>>) src(%dma_wait3A_52 : memref<1280xi32, #tpu.memory_space<hbm>>) dst(%dma_wait3A_51 : memref<1280xi32, #tpu.memory_space<vmem>>)
        %dma_wait3A_53 = arith.constant 1280 : i32
        %dma_wait3A_54 = tpu.memref_slice %arg14[%dma_wait3A_53] : memref<6400xi32, #tpu.memory_space<vmem>> -> memref<1280xi32, #tpu.memory_space<vmem>>
        %dma_wait3A_55 = tpu.memref_slice %arg8[%add3A_18] : memref<819200xi32, #tpu.memory_space<hbm>> -> memref<1280xi32, #tpu.memory_space<hbm>>
        %dma_wait3A_56 = arith.constant 1280 : i32
        %dma_wait3A_57 = tpu.memref_slice %arg14[%dma_wait3A_56] : memref<6400xi32, #tpu.memory_space<vmem>> -> memref<1280xi32, #tpu.memory_space<vmem>>
        %dma_wait3A_58 = tpu.memref_slice %arg8[%add3A_18] : memref<819200xi32, #tpu.memory_space<hbm>> -> memref<1280xi32, #tpu.memory_space<hbm>>
        tpu.wait_dma2 semaphore(%arg16 : memref<!tpu.dma_semaphore, #tpu.memory_space<semaphore_mem>>) src(%dma_wait3A_58 : memref<1280xi32, #tpu.memory_space<hbm>>) dst(%dma_wait3A_57 : memref<1280xi32, #tpu.memory_space<vmem>>)
        %dma_wait3A_59 = arith.constant 2560 : i32
        %dma_wait3A_60 = tpu.memref_slice %arg14[%dma_wait3A_59] : memref<6400xi32, #tpu.memory_space<vmem>> -> memref<1280xi32, #tpu.memory_space<vmem>>
        %dma_wait3A_61 = tpu.memref_slice %arg9[%add3A_18] : memref<819200xi32, #tpu.memory_space<hbm>> -> memref<1280xi32, #tpu.memory_space<hbm>>
        %dma_wait3A_62 = arith.constant 2560 : i32
        %dma_wait3A_63 = tpu.memref_slice %arg14[%dma_wait3A_62] : memref<6400xi32, #tpu.memory_space<vmem>> -> memref<1280xi32, #tpu.memory_space<vmem>>
        %dma_wait3A_64 = tpu.memref_slice %arg9[%add3A_18] : memref<819200xi32, #tpu.memory_space<hbm>> -> memref<1280xi32, #tpu.memory_space<hbm>>
        tpu.wait_dma2 semaphore(%arg16 : memref<!tpu.dma_semaphore, #tpu.memory_space<semaphore_mem>>) src(%dma_wait3A_64 : memref<1280xi32, #tpu.memory_space<hbm>>) dst(%dma_wait3A_63 : memref<1280xi32, #tpu.memory_space<vmem>>)
        %dma_wait3A_65 = arith.constant 3840 : i32
        %dma_wait3A_66 = tpu.memref_slice %arg14[%dma_wait3A_65] : memref<6400xi32, #tpu.memory_space<vmem>> -> memref<1280xi32, #tpu.memory_space<vmem>>
        %dma_wait3A_67 = tpu.memref_slice %arg10[%add3A_18] : memref<819200xi32, #tpu.memory_space<hbm>> -> memref<1280xi32, #tpu.memory_space<hbm>>
        %dma_wait3A_68 = arith.constant 3840 : i32
        %dma_wait3A_69 = tpu.memref_slice %arg14[%dma_wait3A_68] : memref<6400xi32, #tpu.memory_space<vmem>> -> memref<1280xi32, #tpu.memory_space<vmem>>
        %dma_wait3A_70 = tpu.memref_slice %arg10[%add3A_18] : memref<819200xi32, #tpu.memory_space<hbm>> -> memref<1280xi32, #tpu.memory_space<hbm>>
        tpu.wait_dma2 semaphore(%arg16 : memref<!tpu.dma_semaphore, #tpu.memory_space<semaphore_mem>>) src(%dma_wait3A_70 : memref<1280xi32, #tpu.memory_space<hbm>>) dst(%dma_wait3A_69 : memref<1280xi32, #tpu.memory_space<vmem>>)
        %dma_wait3A_71 = arith.constant 5120 : i32
        %dma_wait3A_72 = tpu.memref_slice %arg14[%dma_wait3A_71] : memref<6400xi32, #tpu.memory_space<vmem>> -> memref<1280xi32, #tpu.memory_space<vmem>>
        %dma_wait3A_73 = tpu.memref_slice %arg11[%add3A_18] : memref<819200xi32, #tpu.memory_space<hbm>> -> memref<1280xi32, #tpu.memory_space<hbm>>
        %dma_wait3A_74 = arith.constant 5120 : i32
        %dma_wait3A_75 = tpu.memref_slice %arg14[%dma_wait3A_74] : memref<6400xi32, #tpu.memory_space<vmem>> -> memref<1280xi32, #tpu.memory_space<vmem>>
        %dma_wait3A_76 = tpu.memref_slice %arg11[%add3A_18] : memref<819200xi32, #tpu.memory_space<hbm>> -> memref<1280xi32, #tpu.memory_space<hbm>>
        tpu.wait_dma2 semaphore(%arg16 : memref<!tpu.dma_semaphore, #tpu.memory_space<semaphore_mem>>) src(%dma_wait3A_76 : memref<1280xi32, #tpu.memory_space<hbm>>) dst(%dma_wait3A_75 : memref<1280xi32, #tpu.memory_space<vmem>>)
        %scan3A_77 = arith.constant 0 : i32
        %scan3A_78 = arith.constant 0 : i32
        %scan3A_79 = arith.constant 40 : i32
        %scan3A_80 = arith.addi %scan3A_78, %scan3A_79 : i32
        %scan3A_81 = arith.constant 1 : i32
        scf.for %scan3A_520 = %scan3A_78 to %scan3A_80 step %scan3A_81  : i32 {
          %mul3A_521 = arith.constant 2 : i32
          %mul3A_522 = arith.muli %scan3A_520, %mul3A_521 : i32
          %add3A_523 = arith.constant 0 : i32
          %add3A_524 = arith.addi %mul3A_522, %add3A_523 : i32
          %mul3A_525 = arith.constant 16 : i32
          %mul3A_526 = arith.muli %add3A_524, %mul3A_525 : i32
          %add3A_527 = arith.constant 0 : i32
          %add3A_528 = arith.addi %add3A_527, %mul3A_526 : i32
          %get3A = arith.index_cast %add3A_528 : i32 to index
          %get3A_529 = tpu.vector_load %arg14[%get3A] {strides = array<i32>} : memref<6400xi32, #tpu.memory_space<vmem>>, vector<16xi32>,
          %mul3A_530 = arith.constant 3 : i32
          %mul3A_531 = vector.broadcast %mul3A_530 : i32 to vector<16xi32>
          %mul3A_532 = arith.muli %get3A_529, %mul3A_531 : vector<16xi32>
          %add3A_533 = arith.constant 0 : i32
          %add3A_534 = vector.broadcast %add3A_533 : i32 to vector<16xi32>
          %add3A_535 = arith.addi %mul3A_532, %add3A_534 : vector<16xi32>
          %add3A_536 = arith.constant 0 : i32
          %add3A_537 = vector.broadcast %add3A_536 : i32 to vector<16xi32>
          %add3A_538 = arith.addi %add3A_535, %add3A_537 : vector<16xi32>
          %gather3A = tpu.vector_load_idx %arg13[%add3A_538] : memref<100001xf32, #tpu.memory_space<vmem>>[vector<16xi32>], vector<16xf32>,
          %jit3A_539 = arith.constant 8 : i32
          %div3A_540 = arith.divsi %add3A_524, %jit3A_539 : i32
          %sign3A_541 = arith.constant 0 : i32
          %sign3A_542 = arith.cmpi sgt, %add3A_524, %sign3A_541 : i32
          %sign3A_543 = arith.extui %sign3A_542 : i1 to i32
          %sign3A_544 = arith.constant 0 : i32
          %sign3A_545 = arith.cmpi slt, %add3A_524, %sign3A_544 : i32
          %sign3A_546 = arith.extui %sign3A_545 : i1 to i32
          %sign3A_547 = arith.subi %sign3A_543, %sign3A_546 : i32
          %sign3A_548 = arith.constant 0 : i32
          %sign3A_549 = arith.cmpi sgt, %jit3A_539, %sign3A_548 : i32
          %sign3A_550 = arith.extui %sign3A_549 : i1 to i32
          %sign3A_551 = arith.constant 0 : i32
          %sign3A_552 = arith.cmpi slt, %jit3A_539, %sign3A_551 : i32
          %sign3A_553 = arith.extui %sign3A_552 : i1 to i32
          %sign3A_554 = arith.subi %sign3A_550, %sign3A_553 : i32
          %ne3A_555 = arith.cmpi ne, %sign3A_547, %sign3A_554 : i32
          %rem3A_556 = arith.remsi %add3A_524, %jit3A_539 : i32
          %ne3A_557 = arith.constant 0 : i32
          %ne3A_558 = arith.cmpi ne, %rem3A_556, %ne3A_557 : i32
          %and3A_559 = arith.andi %ne3A_555, %ne3A_558 : i1
          %sub3A_560 = arith.constant 1 : i32
          %sub3A_561 = arith.subi %div3A_540, %sub3A_560 : i32
          %select_n3A_562 = arith.select %and3A_559, %sub3A_561, %div3A_540 : i32
          %add3A_563 = arith.constant 0 : i32
          %add3A_564 = arith.addi %add3A_563, %select_n3A_562 : i32
          %jit3A_565 = arith.constant 8 : i32
          %eq3A = arith.constant 0 : i32
          %eq3A_566 = arith.cmpi eq, %jit3A_565, %eq3A : i32
          %jit3A_567 = arith.constant 1 : i32
          %select_n3A_568 = arith.select %eq3A_566, %jit3A_567, %jit3A_565 : i32
          %rem3A_569 = arith.remsi %add3A_524, %select_n3A_568 : i32
          %ne3A_570 = arith.constant 0 : i32
          %ne3A_571 = arith.cmpi ne, %rem3A_569, %ne3A_570 : i32
          %lt3A_572 = arith.constant 0 : i32
          %lt3A_573 = arith.cmpi slt, %rem3A_569, %lt3A_572 : i32
          %lt3A_574 = arith.constant 0 : i32
          %lt3A_575 = arith.cmpi slt, %select_n3A_568, %lt3A_574 : i32
          %ne3A_576 = arith.xori %lt3A_573, %lt3A_575 : i1
          %and3A_577 = arith.andi %ne3A_576, %ne3A_571 : i1
          %add3A_578 = arith.addi %rem3A_569, %select_n3A_568 : i32
          %select_n3A_579 = arith.select %and3A_577, %add3A_578, %rem3A_569 : i32
          %mul3A_580 = arith.constant 16 : i32
          %mul3A_581 = arith.muli %select_n3A_579, %mul3A_580 : i32
          %swap3A = arith.index_cast %add3A_564 : i32 to index
          %swap3A_582 = arith.index_cast %mul3A_581 : i32 to index
          %swap3A_583 = tpu.vector_load %arg15[%swap3A, %swap3A_582] {strides = array<i32>} : memref<150x128xf32, #tpu.memory_space<vmem>>, vector<16xf32>,
          tpu.vector_store %arg15[%swap3A, %swap3A_582], %gather3A {strides = array<i32>} : memref<150x128xf32, #tpu.memory_space<vmem>>, vector<16xf32>,
          %add3A_584 = arith.constant 1 : i32
          %add3A_585 = vector.broadcast %add3A_584 : i32 to vector<16xi32>
          %add3A_586 = arith.addi %add3A_535, %add3A_585 : vector<16xi32>
          %gather3A_587 = tpu.vector_load_idx %arg13[%add3A_586] : memref<100001xf32, #tpu.memory_space<vmem>>[vector<16xi32>], vector<16xf32>,
          %jit3A_588 = arith.constant 8 : i32
          %div3A_589 = arith.divsi %add3A_524, %jit3A_588 : i32
          %sign3A_590 = arith.constant 0 : i32
          %sign3A_591 = arith.cmpi sgt, %add3A_524, %sign3A_590 : i32
          %sign3A_592 = arith.extui %sign3A_591 : i1 to i32
          %sign3A_593 = arith.constant 0 : i32
          %sign3A_594 = arith.cmpi slt, %add3A_524, %sign3A_593 : i32
          %sign3A_595 = arith.extui %sign3A_594 : i1 to i32
          %sign3A_596 = arith.subi %sign3A_592, %sign3A_595 : i32
          %sign3A_597 = arith.constant 0 : i32
          %sign3A_598 = arith.cmpi sgt, %jit3A_588, %sign3A_597 : i32
          %sign3A_599 = arith.extui %sign3A_598 : i1 to i32
          %sign3A_600 = arith.constant 0 : i32
          %sign3A_601 = arith.cmpi slt, %jit3A_588, %sign3A_600 : i32
          %sign3A_602 = arith.extui %sign3A_601 : i1 to i32
          %sign3A_603 = arith.subi %sign3A_599, %sign3A_602 : i32
          %ne3A_604 = arith.cmpi ne, %sign3A_596, %sign3A_603 : i32
          %rem3A_605 = arith.remsi %add3A_524, %jit3A_588 : i32
          %ne3A_606 = arith.constant 0 : i32
          %ne3A_607 = arith.cmpi ne, %rem3A_605, %ne3A_606 : i32
          %and3A_608 = arith.andi %ne3A_604, %ne3A_607 : i1
          %sub3A_609 = arith.constant 1 : i32
          %sub3A_610 = arith.subi %div3A_589, %sub3A_609 : i32
          %select_n3A_611 = arith.select %and3A_608, %sub3A_610, %div3A_589 : i32
          %add3A_612 = arith.constant 10 : i32
          %add3A_613 = arith.addi %add3A_612, %select_n3A_611 : i32
          %jit3A_614 = arith.constant 8 : i32
          %eq3A_615 = arith.constant 0 : i32
          %eq3A_616 = arith.cmpi eq, %jit3A_614, %eq3A_615 : i32
          %jit3A_617 = arith.constant 1 : i32
          %select_n3A_618 = arith.select %eq3A_616, %jit3A_617, %jit3A_614 : i32
          %rem3A_619 = arith.remsi %add3A_524, %select_n3A_618 : i32
          %ne3A_620 = arith.constant 0 : i32
          %ne3A_621 = arith.cmpi ne, %rem3A_619, %ne3A_620 : i32
          %lt3A_622 = arith.constant 0 : i32
          %lt3A_623 = arith.cmpi slt, %rem3A_619, %lt3A_622 : i32
          %lt3A_624 = arith.constant 0 : i32
          %lt3A_625 = arith.cmpi slt, %select_n3A_618, %lt3A_624 : i32
          %ne3A_626 = arith.xori %lt3A_623, %lt3A_625 : i1
          %and3A_627 = arith.andi %ne3A_626, %ne3A_621 : i1
          %add3A_628 = arith.addi %rem3A_619, %select_n3A_618 : i32
          %select_n3A_629 = arith.select %and3A_627, %add3A_628, %rem3A_619 : i32
          %mul3A_630 = arith.constant 16 : i32
          %mul3A_631 = arith.muli %select_n3A_629, %mul3A_630 : i32
          %swap3A_632 = arith.index_cast %add3A_613 : i32 to index
          %swap3A_633 = arith.index_cast %mul3A_631 : i32 to index
          %swap3A_634 = tpu.vector_load %arg15[%swap3A_632, %swap3A_633] {strides = array<i32>} : memref<150x128xf32, #tpu.memory_space<vmem>>, vector<16xf32>,
          tpu.vector_store %arg15[%swap3A_632, %swap3A_633], %gather3A_587 {strides = array<i32>} : memref<150x128xf32, #tpu.memory_space<vmem>>, vector<16xf32>,
          %add3A_635 = arith.constant 2 : i32
          %add3A_636 = vector.broadcast %add3A_635 : i32 to vector<16xi32>
          %add3A_637 = arith.addi %add3A_535, %add3A_636 : vector<16xi32>
          %gather3A_638 = tpu.vector_load_idx %arg13[%add3A_637] : memref<100001xf32, #tpu.memory_space<vmem>>[vector<16xi32>], vector<16xf32>,
          %jit3A_639 = arith.constant 8 : i32
          %div3A_640 = arith.divsi %add3A_524, %jit3A_639 : i32
          %sign3A_641 = arith.constant 0 : i32
          %sign3A_642 = arith.cmpi sgt, %add3A_524, %sign3A_641 : i32
          %sign3A_643 = arith.extui %sign3A_642 : i1 to i32
          %sign3A_644 = arith.constant 0 : i32
          %sign3A_645 = arith.cmpi slt, %add3A_524, %sign3A_644 : i32
          %sign3A_646 = arith.extui %sign3A_645 : i1 to i32
          %sign3A_647 = arith.subi %sign3A_643, %sign3A_646 : i32
          %sign3A_648 = arith.constant 0 : i32
          %sign3A_649 = arith.cmpi sgt, %jit3A_639, %sign3A_648 : i32
          %sign3A_650 = arith.extui %sign3A_649 : i1 to i32
          %sign3A_651 = arith.constant 0 : i32
          %sign3A_652 = arith.cmpi slt, %jit3A_639, %sign3A_651 : i32
          %sign3A_653 = arith.extui %sign3A_652 : i1 to i32
          %sign3A_654 = arith.subi %sign3A_650, %sign3A_653 : i32
          %ne3A_655 = arith.cmpi ne, %sign3A_647, %sign3A_654 : i32
          %rem3A_656 = arith.remsi %add3A_524, %jit3A_639 : i32
          %ne3A_657 = arith.constant 0 : i32
          %ne3A_658 = arith.cmpi ne, %rem3A_656, %ne3A_657 : i32
          %and3A_659 = arith.andi %ne3A_655, %ne3A_658 : i1
          %sub3A_660 = arith.constant 1 : i32
          %sub3A_661 = arith.subi %div3A_640, %sub3A_660 : i32
          %select_n3A_662 = arith.select %and3A_659, %sub3A_661, %div3A_640 : i32
          %add3A_663 = arith.constant 20 : i32
          %add3A_664 = arith.addi %add3A_663, %select_n3A_662 : i32
          %jit3A_665 = arith.constant 8 : i32
          %eq3A_666 = arith.constant 0 : i32
          %eq3A_667 = arith.cmpi eq, %jit3A_665, %eq3A_666 : i32
          %jit3A_668 = arith.constant 1 : i32
          %select_n3A_669 = arith.select %eq3A_667, %jit3A_668, %jit3A_665 : i32
          %rem3A_670 = arith.remsi %add3A_524, %select_n3A_669 : i32
          %ne3A_671 = arith.constant 0 : i32
          %ne3A_672 = arith.cmpi ne, %rem3A_670, %ne3A_671 : i32
          %lt3A_673 = arith.constant 0 : i32
          %lt3A_674 = arith.cmpi slt, %rem3A_670, %lt3A_673 : i32
          %lt3A_675 = arith.constant 0 : i32
          %lt3A_676 = arith.cmpi slt, %select_n3A_669, %lt3A_675 : i32
          %ne3A_677 = arith.xori %lt3A_674, %lt3A_676 : i1
          %and3A_678 = arith.andi %ne3A_677, %ne3A_672 : i1
          %add3A_679 = arith.addi %rem3A_670, %select_n3A_669 : i32
          %select_n3A_680 = arith.select %and3A_678, %add3A_679, %rem3A_670 : i32
          %mul3A_681 = arith.constant 16 : i32
          %mul3A_682 = arith.muli %select_n3A_680, %mul3A_681 : i32
          %swap3A_683 = arith.index_cast %add3A_664 : i32 to index
          %swap3A_684 = arith.index_cast %mul3A_682 : i32 to index
          %swap3A_685 = tpu.vector_load %arg15[%swap3A_683, %swap3A_684] {strides = array<i32>} : memref<150x128xf32, #tpu.memory_space<vmem>>, vector<16xf32>,
          tpu.vector_store %arg15[%swap3A_683, %swap3A_684], %gather3A_638 {strides = array<i32>} : memref<150x128xf32, #tpu.memory_space<vmem>>, vector<16xf32>,
          %mul3A_686 = arith.constant 16 : i32
          %mul3A_687 = arith.muli %add3A_524, %mul3A_686 : i32
          %add3A_688 = arith.constant 1280 : i32
          %add3A_689 = arith.addi %add3A_688, %mul3A_687 : i32
          %get3A_690 = arith.index_cast %add3A_689 : i32 to index
          %get3A_691 = tpu.vector_load %arg14[%get3A_690] {strides = array<i32>} : memref<6400xi32, #tpu.memory_space<vmem>>, vector<16xi32>,
          %mul3A_692 = arith.constant 3 : i32
          %mul3A_693 = vector.broadcast %mul3A_692 : i32 to vector<16xi32>
          %mul3A_694 = arith.muli %get3A_691, %mul3A_693 : vector<16xi32>
          %add3A_695 = arith.constant 3000 : i32
          %add3A_696 = vector.broadcast %add3A_695 : i32 to vector<16xi32>
          %add3A_697 = arith.addi %mul3A_694, %add3A_696 : vector<16xi32>
          %add3A_698 = arith.constant 0 : i32
          %add3A_699 = vector.broadcast %add3A_698 : i32 to vector<16xi32>
          %add3A_700 = arith.addi %add3A_697, %add3A_699 : vector<16xi32>
          %gather3A_701 = tpu.vector_load_idx %arg13[%add3A_700] : memref<100001xf32, #tpu.memory_space<vmem>>[vector<16xi32>], vector<16xf32>,
          %jit3A_702 = arith.constant 8 : i32
          %div3A_703 = arith.divsi %add3A_524, %jit3A_702 : i32
          %sign3A_704 = arith.constant 0 : i32
          %sign3A_705 = arith.cmpi sgt, %add3A_524, %sign3A_704 : i32
          %sign3A_706 = arith.extui %sign3A_705 : i1 to i32
          %sign3A_707 = arith.constant 0 : i32
          %sign3A_708 = arith.cmpi slt, %add3A_524, %sign3A_707 : i32
          %sign3A_709 = arith.extui %sign3A_708 : i1 to i32
          %sign3A_710 = arith.subi %sign3A_706, %sign3A_709 : i32
          %sign3A_711 = arith.constant 0 : i32
          %sign3A_712 = arith.cmpi sgt, %jit3A_702, %sign3A_711 : i32
          %sign3A_713 = arith.extui %sign3A_712 : i1 to i32
          %sign3A_714 = arith.constant 0 : i32
          %sign3A_715 = arith.cmpi slt, %jit3A_702, %sign3A_714 : i32
          %sign3A_716 = arith.extui %sign3A_715 : i1 to i32
          %sign3A_717 = arith.subi %sign3A_713, %sign3A_716 : i32
          %ne3A_718 = arith.cmpi ne, %sign3A_710, %sign3A_717 : i32
          %rem3A_719 = arith.remsi %add3A_524, %jit3A_702 : i32
          %ne3A_720 = arith.constant 0 : i32
          %ne3A_721 = arith.cmpi ne, %rem3A_719, %ne3A_720 : i32
          %and3A_722 = arith.andi %ne3A_718, %ne3A_721 : i1
          %sub3A_723 = arith.constant 1 : i32
          %sub3A_724 = arith.subi %div3A_703, %sub3A_723 : i32
          %select_n3A_725 = arith.select %and3A_722, %sub3A_724, %div3A_703 : i32
          %add3A_726 = arith.constant 30 : i32
          %add3A_727 = arith.addi %add3A_726, %select_n3A_725 : i32
          %jit3A_728 = arith.constant 8 : i32
          %eq3A_729 = arith.constant 0 : i32
          %eq3A_730 = arith.cmpi eq, %jit3A_728, %eq3A_729 : i32
          %jit3A_731 = arith.constant 1 : i32
          %select_n3A_732 = arith.select %eq3A_730, %jit3A_731, %jit3A_728 : i32
          %rem3A_733 = arith.remsi %add3A_524, %select_n3A_732 : i32
          %ne3A_734 = arith.constant 0 : i32
          %ne3A_735 = arith.cmpi ne, %rem3A_733, %ne3A_734 : i32
          %lt3A_736 = arith.constant 0 : i32
          %lt3A_737 = arith.cmpi slt, %rem3A_733, %lt3A_736 : i32
          %lt3A_738 = arith.constant 0 : i32
          %lt3A_739 = arith.cmpi slt, %select_n3A_732, %lt3A_738 : i32
          %ne3A_740 = arith.xori %lt3A_737, %lt3A_739 : i1
          %and3A_741 = arith.andi %ne3A_740, %ne3A_735 : i1
          %add3A_742 = arith.addi %rem3A_733, %select_n3A_732 : i32
          %select_n3A_743 = arith.select %and3A_741, %add3A_742, %rem3A_733 : i32
          %mul3A_744 = arith.constant 16 : i32
          %mul3A_745 = arith.muli %select_n3A_743, %mul3A_744 : i32
          %swap3A_746 = arith.index_cast %add3A_727 : i32 to index
          %swap3A_747 = arith.index_cast %mul3A_745 : i32 to index
          %swap3A_748 = tpu.vector_load %arg15[%swap3A_746, %swap3A_747] {strides = array<i32>} : memref<150x128xf32, #tpu.memory_space<vmem>>, vector<16xf32>,
          tpu.vector_store %arg15[%swap3A_746, %swap3A_747], %gather3A_701 {strides = array<i32>} : memref<150x128xf32, #tpu.memory_space<vmem>>, vector<16xf32>,
          %add3A_749 = arith.constant 1 : i32
          %add3A_750 = vector.broadcast %add3A_749 : i32 to vector<16xi32>
          %add3A_751 = arith.addi %add3A_697, %add3A_750 : vector<16xi32>
          %gather3A_752 = tpu.vector_load_idx %arg13[%add3A_751] : memref<100001xf32, #tpu.memory_space<vmem>>[vector<16xi32>], vector<16xf32>,
          %jit3A_753 = arith.constant 8 : i32
          %div3A_754 = arith.divsi %add3A_524, %jit3A_753 : i32
          %sign3A_755 = arith.constant 0 : i32
          %sign3A_756 = arith.cmpi sgt, %add3A_524, %sign3A_755 : i32
          %sign3A_757 = arith.extui %sign3A_756 : i1 to i32
          %sign3A_758 = arith.constant 0 : i32
          %sign3A_759 = arith.cmpi slt, %add3A_524, %sign3A_758 : i32
          %sign3A_760 = arith.extui %sign3A_759 : i1 to i32
          %sign3A_761 = arith.subi %sign3A_757, %sign3A_760 : i32
          %sign3A_762 = arith.constant 0 : i32
          %sign3A_763 = arith.cmpi sgt, %jit3A_753, %sign3A_762 : i32
          %sign3A_764 = arith.extui %sign3A_763 : i1 to i32
          %sign3A_765 = arith.constant 0 : i32
          %sign3A_766 = arith.cmpi slt, %jit3A_753, %sign3A_765 : i32
          %sign3A_767 = arith.extui %sign3A_766 : i1 to i32
          %sign3A_768 = arith.subi %sign3A_764, %sign3A_767 : i32
          %ne3A_769 = arith.cmpi ne, %sign3A_761, %sign3A_768 : i32
          %rem3A_770 = arith.remsi %add3A_524, %jit3A_753 : i32
          %ne3A_771 = arith.constant 0 : i32
          %ne3A_772 = arith.cmpi ne, %rem3A_770, %ne3A_771 : i32
          %and3A_773 = arith.andi %ne3A_769, %ne3A_772 : i1
          %sub3A_774 = arith.constant 1 : i32
          %sub3A_775 = arith.subi %div3A_754, %sub3A_774 : i32
          %select_n3A_776 = arith.select %and3A_773, %sub3A_775, %div3A_754 : i32
          %add3A_777 = arith.constant 40 : i32
          %add3A_778 = arith.addi %add3A_777, %select_n3A_776 : i32
          %jit3A_779 = arith.constant 8 : i32
          %eq3A_780 = arith.constant 0 : i32
          %eq3A_781 = arith.cmpi eq, %jit3A_779, %eq3A_780 : i32
          %jit3A_782 = arith.constant 1 : i32
          %select_n3A_783 = arith.select %eq3A_781, %jit3A_782, %jit3A_779 : i32
          %rem3A_784 = arith.remsi %add3A_524, %select_n3A_783 : i32
          %ne3A_785 = arith.constant 0 : i32
          %ne3A_786 = arith.cmpi ne, %rem3A_784, %ne3A_785 : i32
          %lt3A_787 = arith.constant 0 : i32
          %lt3A_788 = arith.cmpi slt, %rem3A_784, %lt3A_787 : i32
          %lt3A_789 = arith.constant 0 : i32
          %lt3A_790 = arith.cmpi slt, %select_n3A_783, %lt3A_789 : i32
          %ne3A_791 = arith.xori %lt3A_788, %lt3A_790 : i1
          %and3A_792 = arith.andi %ne3A_791, %ne3A_786 : i1
          %add3A_793 = arith.addi %rem3A_784, %select_n3A_783 : i32
          %select_n3A_794 = arith.select %and3A_792, %add3A_793, %rem3A_784 : i32
          %mul3A_795 = arith.constant 16 : i32
          %mul3A_796 = arith.muli %select_n3A_794, %mul3A_795 : i32
          %swap3A_797 = arith.index_cast %add3A_778 : i32 to index
          %swap3A_798 = arith.index_cast %mul3A_796 : i32 to index
          %swap3A_799 = tpu.vector_load %arg15[%swap3A_797, %swap3A_798] {strides = array<i32>} : memref<150x128xf32, #tpu.memory_space<vmem>>, vector<16xf32>,
          tpu.vector_store %arg15[%swap3A_797, %swap3A_798], %gather3A_752 {strides = array<i32>} : memref<150x128xf32, #tpu.memory_space<vmem>>, vector<16xf32>,
          %add3A_800 = arith.constant 2 : i32
          %add3A_801 = vector.broadcast %add3A_800 : i32 to vector<16xi32>
          %add3A_802 = arith.addi %add3A_697, %add3A_801 : vector<16xi32>
          %gather3A_803 = tpu.vector_load_idx %arg13[%add3A_802] : memref<100001xf32, #tpu.memory_space<vmem>>[vector<16xi32>], vector<16xf32>,
          %jit3A_804 = arith.constant 8 : i32
          %div3A_805 = arith.divsi %add3A_524, %jit3A_804 : i32
          %sign3A_806 = arith.constant 0 : i32
          %sign3A_807 = arith.cmpi sgt, %add3A_524, %sign3A_806 : i32
          %sign3A_808 = arith.extui %sign3A_807 : i1 to i32
          %sign3A_809 = arith.constant 0 : i32
          %sign3A_810 = arith.cmpi slt, %add3A_524, %sign3A_809 : i32
          %sign3A_811 = arith.extui %sign3A_810 : i1 to i32
          %sign3A_812 = arith.subi %sign3A_808, %sign3A_811 : i32
          %sign3A_813 = arith.constant 0 : i32
          %sign3A_814 = arith.cmpi sgt, %jit3A_804, %sign3A_813 : i32
          %sign3A_815 = arith.extui %sign3A_814 : i1 to i32
          %sign3A_816 = arith.constant 0 : i32
          %sign3A_817 = arith.cmpi slt, %jit3A_804, %sign3A_816 : i32
          %sign3A_818 = arith.extui %sign3A_817 : i1 to i32
          %sign3A_819 = arith.subi %sign3A_815, %sign3A_818 : i32
          %ne3A_820 = arith.cmpi ne, %sign3A_812, %sign3A_819 : i32
          %rem3A_821 = arith.remsi %add3A_524, %jit3A_804 : i32
          %ne3A_822 = arith.constant 0 : i32
          %ne3A_823 = arith.cmpi ne, %rem3A_821, %ne3A_822 : i32
          %and3A_824 = arith.andi %ne3A_820, %ne3A_823 : i1
          %sub3A_825 = arith.constant 1 : i32
          %sub3A_826 = arith.subi %div3A_805, %sub3A_825 : i32
          %select_n3A_827 = arith.select %and3A_824, %sub3A_826, %div3A_805 : i32
          %add3A_828 = arith.constant 50 : i32
          %add3A_829 = arith.addi %add3A_828, %select_n3A_827 : i32
          %jit3A_830 = arith.constant 8 : i32
          %eq3A_831 = arith.constant 0 : i32
          %eq3A_832 = arith.cmpi eq, %jit3A_830, %eq3A_831 : i32
          %jit3A_833 = arith.constant 1 : i32
          %select_n3A_834 = arith.select %eq3A_832, %jit3A_833, %jit3A_830 : i32
          %rem3A_835 = arith.remsi %add3A_524, %select_n3A_834 : i32
          %ne3A_836 = arith.constant 0 : i32
          %ne3A_837 = arith.cmpi ne, %rem3A_835, %ne3A_836 : i32
          %lt3A_838 = arith.constant 0 : i32
          %lt3A_839 = arith.cmpi slt, %rem3A_835, %lt3A_838 : i32
          %lt3A_840 = arith.constant 0 : i32
          %lt3A_841 = arith.cmpi slt, %select_n3A_834, %lt3A_840 : i32
          %ne3A_842 = arith.xori %lt3A_839, %lt3A_841 : i1
          %and3A_843 = arith.andi %ne3A_842, %ne3A_837 : i1
          %add3A_844 = arith.addi %rem3A_835, %select_n3A_834 : i32
          %select_n3A_845 = arith.select %and3A_843, %add3A_844, %rem3A_835 : i32
          %mul3A_846 = arith.constant 16 : i32
          %mul3A_847 = arith.muli %select_n3A_845, %mul3A_846 : i32
          %swap3A_848 = arith.index_cast %add3A_829 : i32 to index
          %swap3A_849 = arith.index_cast %mul3A_847 : i32 to index
          %swap3A_850 = tpu.vector_load %arg15[%swap3A_848, %swap3A_849] {strides = array<i32>} : memref<150x128xf32, #tpu.memory_space<vmem>>, vector<16xf32>,
          tpu.vector_store %arg15[%swap3A_848, %swap3A_849], %gather3A_803 {strides = array<i32>} : memref<150x128xf32, #tpu.memory_space<vmem>>, vector<16xf32>,
          %mul3A_851 = arith.constant 16 : i32
          %mul3A_852 = arith.muli %add3A_524, %mul3A_851 : i32
          %add3A_853 = arith.constant 2560 : i32
          %add3A_854 = arith.addi %add3A_853, %mul3A_852 : i32
          %get3A_855 = arith.index_cast %add3A_854 : i32 to index
          %get3A_856 = tpu.vector_load %arg14[%get3A_855] {strides = array<i32>} : memref<6400xi32, #tpu.memory_space<vmem>>, vector<16xi32>,
          %mul3A_857 = arith.constant 3 : i32
          %mul3A_858 = vector.broadcast %mul3A_857 : i32 to vector<16xi32>
          %mul3A_859 = arith.muli %get3A_856, %mul3A_858 : vector<16xi32>
          %add3A_860 = arith.constant 6000 : i32
          %add3A_861 = vector.broadcast %add3A_860 : i32 to vector<16xi32>
          %add3A_862 = arith.addi %mul3A_859, %add3A_861 : vector<16xi32>
          %add3A_863 = arith.constant 0 : i32
          %add3A_864 = vector.broadcast %add3A_863 : i32 to vector<16xi32>
          %add3A_865 = arith.addi %add3A_862, %add3A_864 : vector<16xi32>
          %gather3A_866 = tpu.vector_load_idx %arg13[%add3A_865] : memref<100001xf32, #tpu.memory_space<vmem>>[vector<16xi32>], vector<16xf32>,
          %jit3A_867 = arith.constant 8 : i32
          %div3A_868 = arith.divsi %add3A_524, %jit3A_867 : i32
          %sign3A_869 = arith.constant 0 : i32
          %sign3A_870 = arith.cmpi sgt, %add3A_524, %sign3A_869 : i32
          %sign3A_871 = arith.extui %sign3A_870 : i1 to i32
          %sign3A_872 = arith.constant 0 : i32
          %sign3A_873 = arith.cmpi slt, %add3A_524, %sign3A_872 : i32
          %sign3A_874 = arith.extui %sign3A_873 : i1 to i32
          %sign3A_875 = arith.subi %sign3A_871, %sign3A_874 : i32
          %sign3A_876 = arith.constant 0 : i32
          %sign3A_877 = arith.cmpi sgt, %jit3A_867, %sign3A_876 : i32
          %sign3A_878 = arith.extui %sign3A_877 : i1 to i32
          %sign3A_879 = arith.constant 0 : i32
          %sign3A_880 = arith.cmpi slt, %jit3A_867, %sign3A_879 : i32
          %sign3A_881 = arith.extui %sign3A_880 : i1 to i32
          %sign3A_882 = arith.subi %sign3A_878, %sign3A_881 : i32
          %ne3A_883 = arith.cmpi ne, %sign3A_875, %sign3A_882 : i32
          %rem3A_884 = arith.remsi %add3A_524, %jit3A_867 : i32
          %ne3A_885 = arith.constant 0 : i32
          %ne3A_886 = arith.cmpi ne, %rem3A_884, %ne3A_885 : i32
          %and3A_887 = arith.andi %ne3A_883, %ne3A_886 : i1
          %sub3A_888 = arith.constant 1 : i32
          %sub3A_889 = arith.subi %div3A_868, %sub3A_888 : i32
          %select_n3A_890 = arith.select %and3A_887, %sub3A_889, %div3A_868 : i32
          %add3A_891 = arith.constant 60 : i32
          %add3A_892 = arith.addi %add3A_891, %select_n3A_890 : i32
          %jit3A_893 = arith.constant 8 : i32
          %eq3A_894 = arith.constant 0 : i32
          %eq3A_895 = arith.cmpi eq, %jit3A_893, %eq3A_894 : i32
          %jit3A_896 = arith.constant 1 : i32
          %select_n3A_897 = arith.select %eq3A_895, %jit3A_896, %jit3A_893 : i32
          %rem3A_898 = arith.remsi %add3A_524, %select_n3A_897 : i32
          %ne3A_899 = arith.constant 0 : i32
          %ne3A_900 = arith.cmpi ne, %rem3A_898, %ne3A_899 : i32
          %lt3A_901 = arith.constant 0 : i32
          %lt3A_902 = arith.cmpi slt, %rem3A_898, %lt3A_901 : i32
          %lt3A_903 = arith.constant 0 : i32
          %lt3A_904 = arith.cmpi slt, %select_n3A_897, %lt3A_903 : i32
          %ne3A_905 = arith.xori %lt3A_902, %lt3A_904 : i1
          %and3A_906 = arith.andi %ne3A_905, %ne3A_900 : i1
          %add3A_907 = arith.addi %rem3A_898, %select_n3A_897 : i32
          %select_n3A_908 = arith.select %and3A_906, %add3A_907, %rem3A_898 : i32
          %mul3A_909 = arith.constant 16 : i32
          %mul3A_910 = arith.muli %select_n3A_908, %mul3A_909 : i32
          %swap3A_911 = arith.index_cast %add3A_892 : i32 to index
          %swap3A_912 = arith.index_cast %mul3A_910 : i32 to index
          %swap3A_913 = tpu.vector_load %arg15[%swap3A_911, %swap3A_912] {strides = array<i32>} : memref<150x128xf32, #tpu.memory_space<vmem>>, vector<16xf32>,
          tpu.vector_store %arg15[%swap3A_911, %swap3A_912], %gather3A_866 {strides = array<i32>} : memref<150x128xf32, #tpu.memory_space<vmem>>, vector<16xf32>,
          %add3A_914 = arith.constant 1 : i32
          %add3A_915 = vector.broadcast %add3A_914 : i32 to vector<16xi32>
          %add3A_916 = arith.addi %add3A_862, %add3A_915 : vector<16xi32>
          %gather3A_917 = tpu.vector_load_idx %arg13[%add3A_916] : memref<100001xf32, #tpu.memory_space<vmem>>[vector<16xi32>], vector<16xf32>,
          %jit3A_918 = arith.constant 8 : i32
          %div3A_919 = arith.divsi %add3A_524, %jit3A_918 : i32
          %sign3A_920 = arith.constant 0 : i32
          %sign3A_921 = arith.cmpi sgt, %add3A_524, %sign3A_920 : i32
          %sign3A_922 = arith.extui %sign3A_921 : i1 to i32
          %sign3A_923 = arith.constant 0 : i32
          %sign3A_924 = arith.cmpi slt, %add3A_524, %sign3A_923 : i32
          %sign3A_925 = arith.extui %sign3A_924 : i1 to i32
          %sign3A_926 = arith.subi %sign3A_922, %sign3A_925 : i32
          %sign3A_927 = arith.constant 0 : i32
          %sign3A_928 = arith.cmpi sgt, %jit3A_918, %sign3A_927 : i32
          %sign3A_929 = arith.extui %sign3A_928 : i1 to i32
          %sign3A_930 = arith.constant 0 : i32
          %sign3A_931 = arith.cmpi slt, %jit3A_918, %sign3A_930 : i32
          %sign3A_932 = arith.extui %sign3A_931 : i1 to i32
          %sign3A_933 = arith.subi %sign3A_929, %sign3A_932 : i32
          %ne3A_934 = arith.cmpi ne, %sign3A_926, %sign3A_933 : i32
          %rem3A_935 = arith.remsi %add3A_524, %jit3A_918 : i32
          %ne3A_936 = arith.constant 0 : i32
          %ne3A_937 = arith.cmpi ne, %rem3A_935, %ne3A_936 : i32
          %and3A_938 = arith.andi %ne3A_934, %ne3A_937 : i1
          %sub3A_939 = arith.constant 1 : i32
          %sub3A_940 = arith.subi %div3A_919, %sub3A_939 : i32
          %select_n3A_941 = arith.select %and3A_938, %sub3A_940, %div3A_919 : i32
          %add3A_942 = arith.constant 70 : i32
          %add3A_943 = arith.addi %add3A_942, %select_n3A_941 : i32
          %jit3A_944 = arith.constant 8 : i32
          %eq3A_945 = arith.constant 0 : i32
          %eq3A_946 = arith.cmpi eq, %jit3A_944, %eq3A_945 : i32
          %jit3A_947 = arith.constant 1 : i32
          %select_n3A_948 = arith.select %eq3A_946, %jit3A_947, %jit3A_944 : i32
          %rem3A_949 = arith.remsi %add3A_524, %select_n3A_948 : i32
          %ne3A_950 = arith.constant 0 : i32
          %ne3A_951 = arith.cmpi ne, %rem3A_949, %ne3A_950 : i32
          %lt3A_952 = arith.constant 0 : i32
          %lt3A_953 = arith.cmpi slt, %rem3A_949, %lt3A_952 : i32
          %lt3A_954 = arith.constant 0 : i32
          %lt3A_955 = arith.cmpi slt, %select_n3A_948, %lt3A_954 : i32
          %ne3A_956 = arith.xori %lt3A_953, %lt3A_955 : i1
          %and3A_957 = arith.andi %ne3A_956, %ne3A_951 : i1
          %add3A_958 = arith.addi %rem3A_949, %select_n3A_948 : i32
          %select_n3A_959 = arith.select %and3A_957, %add3A_958, %rem3A_949 : i32
          %mul3A_960 = arith.constant 16 : i32
          %mul3A_961 = arith.muli %select_n3A_959, %mul3A_960 : i32
          %swap3A_962 = arith.index_cast %add3A_943 : i32 to index
          %swap3A_963 = arith.index_cast %mul3A_961 : i32 to index
          %swap3A_964 = tpu.vector_load %arg15[%swap3A_962, %swap3A_963] {strides = array<i32>} : memref<150x128xf32, #tpu.memory_space<vmem>>, vector<16xf32>,
          tpu.vector_store %arg15[%swap3A_962, %swap3A_963], %gather3A_917 {strides = array<i32>} : memref<150x128xf32, #tpu.memory_space<vmem>>, vector<16xf32>,
          %add3A_965 = arith.constant 2 : i32
          %add3A_966 = vector.broadcast %add3A_965 : i32 to vector<16xi32>
          %add3A_967 = arith.addi %add3A_862, %add3A_966 : vector<16xi32>
          %gather3A_968 = tpu.vector_load_idx %arg13[%add3A_967] : memref<100001xf32, #tpu.memory_space<vmem>>[vector<16xi32>], vector<16xf32>,
          %jit3A_969 = arith.constant 8 : i32
          %div3A_970 = arith.divsi %add3A_524, %jit3A_969 : i32
          %sign3A_971 = arith.constant 0 : i32
          %sign3A_972 = arith.cmpi sgt, %add3A_524, %sign3A_971 : i32
          %sign3A_973 = arith.extui %sign3A_972 : i1 to i32
          %sign3A_974 = arith.constant 0 : i32
          %sign3A_975 = arith.cmpi slt, %add3A_524, %sign3A_974 : i32
          %sign3A_976 = arith.extui %sign3A_975 : i1 to i32
          %sign3A_977 = arith.subi %sign3A_973, %sign3A_976 : i32
          %sign3A_978 = arith.constant 0 : i32
          %sign3A_979 = arith.cmpi sgt, %jit3A_969, %sign3A_978 : i32
          %sign3A_980 = arith.extui %sign3A_979 : i1 to i32
          %sign3A_981 = arith.constant 0 : i32
          %sign3A_982 = arith.cmpi slt, %jit3A_969, %sign3A_981 : i32
          %sign3A_983 = arith.extui %sign3A_982 : i1 to i32
          %sign3A_984 = arith.subi %sign3A_980, %sign3A_983 : i32
          %ne3A_985 = arith.cmpi ne, %sign3A_977, %sign3A_984 : i32
          %rem3A_986 = arith.remsi %add3A_524, %jit3A_969 : i32
          %ne3A_987 = arith.constant 0 : i32
          %ne3A_988 = arith.cmpi ne, %rem3A_986, %ne3A_987 : i32
          %and3A_989 = arith.andi %ne3A_985, %ne3A_988 : i1
          %sub3A_990 = arith.constant 1 : i32
          %sub3A_991 = arith.subi %div3A_970, %sub3A_990 : i32
          %select_n3A_992 = arith.select %and3A_989, %sub3A_991, %div3A_970 : i32
          %add3A_993 = arith.constant 80 : i32
          %add3A_994 = arith.addi %add3A_993, %select_n3A_992 : i32
          %jit3A_995 = arith.constant 8 : i32
          %eq3A_996 = arith.constant 0 : i32
          %eq3A_997 = arith.cmpi eq, %jit3A_995, %eq3A_996 : i32
          %jit3A_998 = arith.constant 1 : i32
          %select_n3A_999 = arith.select %eq3A_997, %jit3A_998, %jit3A_995 : i32
          %rem3A_1000 = arith.remsi %add3A_524, %select_n3A_999 : i32
          %ne3A_1001 = arith.constant 0 : i32
          %ne3A_1002 = arith.cmpi ne, %rem3A_1000, %ne3A_1001 : i32
          %lt3A_1003 = arith.constant 0 : i32
          %lt3A_1004 = arith.cmpi slt, %rem3A_1000, %lt3A_1003 : i32
          %lt3A_1005 = arith.constant 0 : i32
          %lt3A_1006 = arith.cmpi slt, %select_n3A_999, %lt3A_1005 : i32
          %ne3A_1007 = arith.xori %lt3A_1004, %lt3A_1006 : i1
          %and3A_1008 = arith.andi %ne3A_1007, %ne3A_1002 : i1
          %add3A_1009 = arith.addi %rem3A_1000, %select_n3A_999 : i32
          %select_n3A_1010 = arith.select %and3A_1008, %add3A_1009, %rem3A_1000 : i32
          %mul3A_1011 = arith.constant 16 : i32
          %mul3A_1012 = arith.muli %select_n3A_1010, %mul3A_1011 : i32
          %swap3A_1013 = arith.index_cast %add3A_994 : i32 to index
          %swap3A_1014 = arith.index_cast %mul3A_1012 : i32 to index
          %swap3A_1015 = tpu.vector_load %arg15[%swap3A_1013, %swap3A_1014] {strides = array<i32>} : memref<150x128xf32, #tpu.memory_space<vmem>>, vector<16xf32>,
          tpu.vector_store %arg15[%swap3A_1013, %swap3A_1014], %gather3A_968 {strides = array<i32>} : memref<150x128xf32, #tpu.memory_space<vmem>>, vector<16xf32>,
          %mul3A_1016 = arith.constant 16 : i32
          %mul3A_1017 = arith.muli %add3A_524, %mul3A_1016 : i32
          %add3A_1018 = arith.constant 3840 : i32
          %add3A_1019 = arith.addi %add3A_1018, %mul3A_1017 : i32
          %get3A_1020 = arith.index_cast %add3A_1019 : i32 to index
          %get3A_1021 = tpu.vector_load %arg14[%get3A_1020] {strides = array<i32>} : memref<6400xi32, #tpu.memory_space<vmem>>, vector<16xi32>,
          %mul3A_1022 = arith.constant 3 : i32
          %mul3A_1023 = vector.broadcast %mul3A_1022 : i32 to vector<16xi32>
          %mul3A_1024 = arith.muli %get3A_1021, %mul3A_1023 : vector<16xi32>
          %add3A_1025 = arith.constant 9000 : i32
          %add3A_1026 = vector.broadcast %add3A_1025 : i32 to vector<16xi32>
          %add3A_1027 = arith.addi %mul3A_1024, %add3A_1026 : vector<16xi32>
          %add3A_1028 = arith.constant 0 : i32
          %add3A_1029 = vector.broadcast %add3A_1028 : i32 to vector<16xi32>
          %add3A_1030 = arith.addi %add3A_1027, %add3A_1029 : vector<16xi32>
          %gather3A_1031 = tpu.vector_load_idx %arg13[%add3A_1030] : memref<100001xf32, #tpu.memory_space<vmem>>[vector<16xi32>], vector<16xf32>,
          %jit3A_1032 = arith.constant 8 : i32
          %div3A_1033 = arith.divsi %add3A_524, %jit3A_1032 : i32
          %sign3A_1034 = arith.constant 0 : i32
          %sign3A_1035 = arith.cmpi sgt, %add3A_524, %sign3A_1034 : i32
          %sign3A_1036 = arith.extui %sign3A_1035 : i1 to i32
          %sign3A_1037 = arith.constant 0 : i32
          %sign3A_1038 = arith.cmpi slt, %add3A_524, %sign3A_1037 : i32
          %sign3A_1039 = arith.extui %sign3A_1038 : i1 to i32
          %sign3A_1040 = arith.subi %sign3A_1036, %sign3A_1039 : i32
          %sign3A_1041 = arith.constant 0 : i32
          %sign3A_1042 = arith.cmpi sgt, %jit3A_1032, %sign3A_1041 : i32
          %sign3A_1043 = arith.extui %sign3A_1042 : i1 to i32
          %sign3A_1044 = arith.constant 0 : i32
          %sign3A_1045 = arith.cmpi slt, %jit3A_1032, %sign3A_1044 : i32
          %sign3A_1046 = arith.extui %sign3A_1045 : i1 to i32
          %sign3A_1047 = arith.subi %sign3A_1043, %sign3A_1046 : i32
          %ne3A_1048 = arith.cmpi ne, %sign3A_1040, %sign3A_1047 : i32
          %rem3A_1049 = arith.remsi %add3A_524, %jit3A_1032 : i32
          %ne3A_1050 = arith.constant 0 : i32
          %ne3A_1051 = arith.cmpi ne, %rem3A_1049, %ne3A_1050 : i32
          %and3A_1052 = arith.andi %ne3A_1048, %ne3A_1051 : i1
          %sub3A_1053 = arith.constant 1 : i32
          %sub3A_1054 = arith.subi %div3A_1033, %sub3A_1053 : i32
          %select_n3A_1055 = arith.select %and3A_1052, %sub3A_1054, %div3A_1033 : i32
          %add3A_1056 = arith.constant 90 : i32
          %add3A_1057 = arith.addi %add3A_1056, %select_n3A_1055 : i32
          %jit3A_1058 = arith.constant 8 : i32
          %eq3A_1059 = arith.constant 0 : i32
          %eq3A_1060 = arith.cmpi eq, %jit3A_1058, %eq3A_1059 : i32
          %jit3A_1061 = arith.constant 1 : i32
          %select_n3A_1062 = arith.select %eq3A_1060, %jit3A_1061, %jit3A_1058 : i32
          %rem3A_1063 = arith.remsi %add3A_524, %select_n3A_1062 : i32
          %ne3A_1064 = arith.constant 0 : i32
          %ne3A_1065 = arith.cmpi ne, %rem3A_1063, %ne3A_1064 : i32
          %lt3A_1066 = arith.constant 0 : i32
          %lt3A_1067 = arith.cmpi slt, %rem3A_1063, %lt3A_1066 : i32
          %lt3A_1068 = arith.constant 0 : i32
          %lt3A_1069 = arith.cmpi slt, %select_n3A_1062, %lt3A_1068 : i32
          %ne3A_1070 = arith.xori %lt3A_1067, %lt3A_1069 : i1
          %and3A_1071 = arith.andi %ne3A_1070, %ne3A_1065 : i1
          %add3A_1072 = arith.addi %rem3A_1063, %select_n3A_1062 : i32
          %select_n3A_1073 = arith.select %and3A_1071, %add3A_1072, %rem3A_1063 : i32
          %mul3A_1074 = arith.constant 16 : i32
          %mul3A_1075 = arith.muli %select_n3A_1073, %mul3A_1074 : i32
          %swap3A_1076 = arith.index_cast %add3A_1057 : i32 to index
          %swap3A_1077 = arith.index_cast %mul3A_1075 : i32 to index
          %swap3A_1078 = tpu.vector_load %arg15[%swap3A_1076, %swap3A_1077] {strides = array<i32>} : memref<150x128xf32, #tpu.memory_space<vmem>>, vector<16xf32>,
          tpu.vector_store %arg15[%swap3A_1076, %swap3A_1077], %gather3A_1031 {strides = array<i32>} : memref<150x128xf32, #tpu.memory_space<vmem>>, vector<16xf32>,
          %add3A_1079 = arith.constant 1 : i32
          %add3A_1080 = vector.broadcast %add3A_1079 : i32 to vector<16xi32>
          %add3A_1081 = arith.addi %add3A_1027, %add3A_1080 : vector<16xi32>
          %gather3A_1082 = tpu.vector_load_idx %arg13[%add3A_1081] : memref<100001xf32, #tpu.memory_space<vmem>>[vector<16xi32>], vector<16xf32>,
          %jit3A_1083 = arith.constant 8 : i32
          %div3A_1084 = arith.divsi %add3A_524, %jit3A_1083 : i32
          %sign3A_1085 = arith.constant 0 : i32
          %sign3A_1086 = arith.cmpi sgt, %add3A_524, %sign3A_1085 : i32
          %sign3A_1087 = arith.extui %sign3A_1086 : i1 to i32
          %sign3A_1088 = arith.constant 0 : i32
          %sign3A_1089 = arith.cmpi slt, %add3A_524, %sign3A_1088 : i32
          %sign3A_1090 = arith.extui %sign3A_1089 : i1 to i32
          %sign3A_1091 = arith.subi %sign3A_1087, %sign3A_1090 : i32
          %sign3A_1092 = arith.constant 0 : i32
          %sign3A_1093 = arith.cmpi sgt, %jit3A_1083, %sign3A_1092 : i32
          %sign3A_1094 = arith.extui %sign3A_1093 : i1 to i32
          %sign3A_1095 = arith.constant 0 : i32
          %sign3A_1096 = arith.cmpi slt, %jit3A_1083, %sign3A_1095 : i32
          %sign3A_1097 = arith.extui %sign3A_1096 : i1 to i32
          %sign3A_1098 = arith.subi %sign3A_1094, %sign3A_1097 : i32
          %ne3A_1099 = arith.cmpi ne, %sign3A_1091, %sign3A_1098 : i32
          %rem3A_1100 = arith.remsi %add3A_524, %jit3A_1083 : i32
          %ne3A_1101 = arith.constant 0 : i32
          %ne3A_1102 = arith.cmpi ne, %rem3A_1100, %ne3A_1101 : i32
          %and3A_1103 = arith.andi %ne3A_1099, %ne3A_1102 : i1
          %sub3A_1104 = arith.constant 1 : i32
          %sub3A_1105 = arith.subi %div3A_1084, %sub3A_1104 : i32
          %select_n3A_1106 = arith.select %and3A_1103, %sub3A_1105, %div3A_1084 : i32
          %add3A_1107 = arith.constant 100 : i32
          %add3A_1108 = arith.addi %add3A_1107, %select_n3A_1106 : i32
          %jit3A_1109 = arith.constant 8 : i32
          %eq3A_1110 = arith.constant 0 : i32
          %eq3A_1111 = arith.cmpi eq, %jit3A_1109, %eq3A_1110 : i32
          %jit3A_1112 = arith.constant 1 : i32
          %select_n3A_1113 = arith.select %eq3A_1111, %jit3A_1112, %jit3A_1109 : i32
          %rem3A_1114 = arith.remsi %add3A_524, %select_n3A_1113 : i32
          %ne3A_1115 = arith.constant 0 : i32
          %ne3A_1116 = arith.cmpi ne, %rem3A_1114, %ne3A_1115 : i32
          %lt3A_1117 = arith.constant 0 : i32
          %lt3A_1118 = arith.cmpi slt, %rem3A_1114, %lt3A_1117 : i32
          %lt3A_1119 = arith.constant 0 : i32
          %lt3A_1120 = arith.cmpi slt, %select_n3A_1113, %lt3A_1119 : i32
          %ne3A_1121 = arith.xori %lt3A_1118, %lt3A_1120 : i1
          %and3A_1122 = arith.andi %ne3A_1121, %ne3A_1116 : i1
          %add3A_1123 = arith.addi %rem3A_1114, %select_n3A_1113 : i32
          %select_n3A_1124 = arith.select %and3A_1122, %add3A_1123, %rem3A_1114 : i32
          %mul3A_1125 = arith.constant 16 : i32
          %mul3A_1126 = arith.muli %select_n3A_1124, %mul3A_1125 : i32
          %swap3A_1127 = arith.index_cast %add3A_1108 : i32 to index
          %swap3A_1128 = arith.index_cast %mul3A_1126 : i32 to index
          %swap3A_1129 = tpu.vector_load %arg15[%swap3A_1127, %swap3A_1128] {strides = array<i32>} : memref<150x128xf32, #tpu.memory_space<vmem>>, vector<16xf32>,
          tpu.vector_store %arg15[%swap3A_1127, %swap3A_1128], %gather3A_1082 {strides = array<i32>} : memref<150x128xf32, #tpu.memory_space<vmem>>, vector<16xf32>,
          %add3A_1130 = arith.constant 2 : i32
          %add3A_1131 = vector.broadcast %add3A_1130 : i32 to vector<16xi32>
          %add3A_1132 = arith.addi %add3A_1027, %add3A_1131 : vector<16xi32>
          %gather3A_1133 = tpu.vector_load_idx %arg13[%add3A_1132] : memref<100001xf32, #tpu.memory_space<vmem>>[vector<16xi32>], vector<16xf32>,
          %jit3A_1134 = arith.constant 8 : i32
          %div3A_1135 = arith.divsi %add3A_524, %jit3A_1134 : i32
          %sign3A_1136 = arith.constant 0 : i32
          %sign3A_1137 = arith.cmpi sgt, %add3A_524, %sign3A_1136 : i32
          %sign3A_1138 = arith.extui %sign3A_1137 : i1 to i32
          %sign3A_1139 = arith.constant 0 : i32
          %sign3A_1140 = arith.cmpi slt, %add3A_524, %sign3A_1139 : i32
          %sign3A_1141 = arith.extui %sign3A_1140 : i1 to i32
          %sign3A_1142 = arith.subi %sign3A_1138, %sign3A_1141 : i32
          %sign3A_1143 = arith.constant 0 : i32
          %sign3A_1144 = arith.cmpi sgt, %jit3A_1134, %sign3A_1143 : i32
          %sign3A_1145 = arith.extui %sign3A_1144 : i1 to i32
          %sign3A_1146 = arith.constant 0 : i32
          %sign3A_1147 = arith.cmpi slt, %jit3A_1134, %sign3A_1146 : i32
          %sign3A_1148 = arith.extui %sign3A_1147 : i1 to i32
          %sign3A_1149 = arith.subi %sign3A_1145, %sign3A_1148 : i32
          %ne3A_1150 = arith.cmpi ne, %sign3A_1142, %sign3A_1149 : i32
          %rem3A_1151 = arith.remsi %add3A_524, %jit3A_1134 : i32
          %ne3A_1152 = arith.constant 0 : i32
          %ne3A_1153 = arith.cmpi ne, %rem3A_1151, %ne3A_1152 : i32
          %and3A_1154 = arith.andi %ne3A_1150, %ne3A_1153 : i1
          %sub3A_1155 = arith.constant 1 : i32
          %sub3A_1156 = arith.subi %div3A_1135, %sub3A_1155 : i32
          %select_n3A_1157 = arith.select %and3A_1154, %sub3A_1156, %div3A_1135 : i32
          %add3A_1158 = arith.constant 110 : i32
          %add3A_1159 = arith.addi %add3A_1158, %select_n3A_1157 : i32
          %jit3A_1160 = arith.constant 8 : i32
          %eq3A_1161 = arith.constant 0 : i32
          %eq3A_1162 = arith.cmpi eq, %jit3A_1160, %eq3A_1161 : i32
          %jit3A_1163 = arith.constant 1 : i32
          %select_n3A_1164 = arith.select %eq3A_1162, %jit3A_1163, %jit3A_1160 : i32
          %rem3A_1165 = arith.remsi %add3A_524, %select_n3A_1164 : i32
          %ne3A_1166 = arith.constant 0 : i32
          %ne3A_1167 = arith.cmpi ne, %rem3A_1165, %ne3A_1166 : i32
          %lt3A_1168 = arith.constant 0 : i32
          %lt3A_1169 = arith.cmpi slt, %rem3A_1165, %lt3A_1168 : i32
          %lt3A_1170 = arith.constant 0 : i32
          %lt3A_1171 = arith.cmpi slt, %select_n3A_1164, %lt3A_1170 : i32
          %ne3A_1172 = arith.xori %lt3A_1169, %lt3A_1171 : i1
          %and3A_1173 = arith.andi %ne3A_1172, %ne3A_1167 : i1
          %add3A_1174 = arith.addi %rem3A_1165, %select_n3A_1164 : i32
          %select_n3A_1175 = arith.select %and3A_1173, %add3A_1174, %rem3A_1165 : i32
          %mul3A_1176 = arith.constant 16 : i32
          %mul3A_1177 = arith.muli %select_n3A_1175, %mul3A_1176 : i32
          %swap3A_1178 = arith.index_cast %add3A_1159 : i32 to index
          %swap3A_1179 = arith.index_cast %mul3A_1177 : i32 to index
          %swap3A_1180 = tpu.vector_load %arg15[%swap3A_1178, %swap3A_1179] {strides = array<i32>} : memref<150x128xf32, #tpu.memory_space<vmem>>, vector<16xf32>,
          tpu.vector_store %arg15[%swap3A_1178, %swap3A_1179], %gather3A_1133 {strides = array<i32>} : memref<150x128xf32, #tpu.memory_space<vmem>>, vector<16xf32>,
          %mul3A_1181 = arith.constant 16 : i32
          %mul3A_1182 = arith.muli %add3A_524, %mul3A_1181 : i32
          %add3A_1183 = arith.constant 5120 : i32
          %add3A_1184 = arith.addi %add3A_1183, %mul3A_1182 : i32
          %get3A_1185 = arith.index_cast %add3A_1184 : i32 to index
          %get3A_1186 = tpu.vector_load %arg14[%get3A_1185] {strides = array<i32>} : memref<6400xi32, #tpu.memory_space<vmem>>, vector<16xi32>,
          %mul3A_1187 = arith.constant 3 : i32
          %mul3A_1188 = vector.broadcast %mul3A_1187 : i32 to vector<16xi32>
          %mul3A_1189 = arith.muli %get3A_1186, %mul3A_1188 : vector<16xi32>
          %add3A_1190 = arith.constant 12000 : i32
          %add3A_1191 = vector.broadcast %add3A_1190 : i32 to vector<16xi32>
          %add3A_1192 = arith.addi %mul3A_1189, %add3A_1191 : vector<16xi32>
          %add3A_1193 = arith.constant 0 : i32
          %add3A_1194 = vector.broadcast %add3A_1193 : i32 to vector<16xi32>
          %add3A_1195 = arith.addi %add3A_1192, %add3A_1194 : vector<16xi32>
          %gather3A_1196 = tpu.vector_load_idx %arg13[%add3A_1195] : memref<100001xf32, #tpu.memory_space<vmem>>[vector<16xi32>], vector<16xf32>,
          %jit3A_1197 = arith.constant 8 : i32
          %div3A_1198 = arith.divsi %add3A_524, %jit3A_1197 : i32
          %sign3A_1199 = arith.constant 0 : i32
          %sign3A_1200 = arith.cmpi sgt, %add3A_524, %sign3A_1199 : i32
          %sign3A_1201 = arith.extui %sign3A_1200 : i1 to i32
          %sign3A_1202 = arith.constant 0 : i32
          %sign3A_1203 = arith.cmpi slt, %add3A_524, %sign3A_1202 : i32
          %sign3A_1204 = arith.extui %sign3A_1203 : i1 to i32
          %sign3A_1205 = arith.subi %sign3A_1201, %sign3A_1204 : i32
          %sign3A_1206 = arith.constant 0 : i32
          %sign3A_1207 = arith.cmpi sgt, %jit3A_1197, %sign3A_1206 : i32
          %sign3A_1208 = arith.extui %sign3A_1207 : i1 to i32
          %sign3A_1209 = arith.constant 0 : i32
          %sign3A_1210 = arith.cmpi slt, %jit3A_1197, %sign3A_1209 : i32
          %sign3A_1211 = arith.extui %sign3A_1210 : i1 to i32
          %sign3A_1212 = arith.subi %sign3A_1208, %sign3A_1211 : i32
          %ne3A_1213 = arith.cmpi ne, %sign3A_1205, %sign3A_1212 : i32
          %rem3A_1214 = arith.remsi %add3A_524, %jit3A_1197 : i32
          %ne3A_1215 = arith.constant 0 : i32
          %ne3A_1216 = arith.cmpi ne, %rem3A_1214, %ne3A_1215 : i32
          %and3A_1217 = arith.andi %ne3A_1213, %ne3A_1216 : i1
          %sub3A_1218 = arith.constant 1 : i32
          %sub3A_1219 = arith.subi %div3A_1198, %sub3A_1218 : i32
          %select_n3A_1220 = arith.select %and3A_1217, %sub3A_1219, %div3A_1198 : i32
          %add3A_1221 = arith.constant 120 : i32
          %add3A_1222 = arith.addi %add3A_1221, %select_n3A_1220 : i32
          %jit3A_1223 = arith.constant 8 : i32
          %eq3A_1224 = arith.constant 0 : i32
          %eq3A_1225 = arith.cmpi eq, %jit3A_1223, %eq3A_1224 : i32
          %jit3A_1226 = arith.constant 1 : i32
          %select_n3A_1227 = arith.select %eq3A_1225, %jit3A_1226, %jit3A_1223 : i32
          %rem3A_1228 = arith.remsi %add3A_524, %select_n3A_1227 : i32
          %ne3A_1229 = arith.constant 0 : i32
          %ne3A_1230 = arith.cmpi ne, %rem3A_1228, %ne3A_1229 : i32
          %lt3A_1231 = arith.constant 0 : i32
          %lt3A_1232 = arith.cmpi slt, %rem3A_1228, %lt3A_1231 : i32
          %lt3A_1233 = arith.constant 0 : i32
          %lt3A_1234 = arith.cmpi slt, %select_n3A_1227, %lt3A_1233 : i32
          %ne3A_1235 = arith.xori %lt3A_1232, %lt3A_1234 : i1
          %and3A_1236 = arith.andi %ne3A_1235, %ne3A_1230 : i1
          %add3A_1237 = arith.addi %rem3A_1228, %select_n3A_1227 : i32
          %select_n3A_1238 = arith.select %and3A_1236, %add3A_1237, %rem3A_1228 : i32
          %mul3A_1239 = arith.constant 16 : i32
          %mul3A_1240 = arith.muli %select_n3A_1238, %mul3A_1239 : i32
          %swap3A_1241 = arith.index_cast %add3A_1222 : i32 to index
          %swap3A_1242 = arith.index_cast %mul3A_1240 : i32 to index
          %swap3A_1243 = tpu.vector_load %arg15[%swap3A_1241, %swap3A_1242] {strides = array<i32>} : memref<150x128xf32, #tpu.memory_space<vmem>>, vector<16xf32>,
          tpu.vector_store %arg15[%swap3A_1241, %swap3A_1242], %gather3A_1196 {strides = array<i32>} : memref<150x128xf32, #tpu.memory_space<vmem>>, vector<16xf32>,
          %add3A_1244 = arith.constant 1 : i32
          %add3A_1245 = vector.broadcast %add3A_1244 : i32 to vector<16xi32>
          %add3A_1246 = arith.addi %add3A_1192, %add3A_1245 : vector<16xi32>
          %gather3A_1247 = tpu.vector_load_idx %arg13[%add3A_1246] : memref<100001xf32, #tpu.memory_space<vmem>>[vector<16xi32>], vector<16xf32>,
          %jit3A_1248 = arith.constant 8 : i32
          %div3A_1249 = arith.divsi %add3A_524, %jit3A_1248 : i32
          %sign3A_1250 = arith.constant 0 : i32
          %sign3A_1251 = arith.cmpi sgt, %add3A_524, %sign3A_1250 : i32
          %sign3A_1252 = arith.extui %sign3A_1251 : i1 to i32
          %sign3A_1253 = arith.constant 0 : i32
          %sign3A_1254 = arith.cmpi slt, %add3A_524, %sign3A_1253 : i32
          %sign3A_1255 = arith.extui %sign3A_1254 : i1 to i32
          %sign3A_1256 = arith.subi %sign3A_1252, %sign3A_1255 : i32
          %sign3A_1257 = arith.constant 0 : i32
          %sign3A_1258 = arith.cmpi sgt, %jit3A_1248, %sign3A_1257 : i32
          %sign3A_1259 = arith.extui %sign3A_1258 : i1 to i32
          %sign3A_1260 = arith.constant 0 : i32
          %sign3A_1261 = arith.cmpi slt, %jit3A_1248, %sign3A_1260 : i32
          %sign3A_1262 = arith.extui %sign3A_1261 : i1 to i32
          %sign3A_1263 = arith.subi %sign3A_1259, %sign3A_1262 : i32
          %ne3A_1264 = arith.cmpi ne, %sign3A_1256, %sign3A_1263 : i32
          %rem3A_1265 = arith.remsi %add3A_524, %jit3A_1248 : i32
          %ne3A_1266 = arith.constant 0 : i32
          %ne3A_1267 = arith.cmpi ne, %rem3A_1265, %ne3A_1266 : i32
          %and3A_1268 = arith.andi %ne3A_1264, %ne3A_1267 : i1
          %sub3A_1269 = arith.constant 1 : i32
          %sub3A_1270 = arith.subi %div3A_1249, %sub3A_1269 : i32
          %select_n3A_1271 = arith.select %and3A_1268, %sub3A_1270, %div3A_1249 : i32
          %add3A_1272 = arith.constant 130 : i32
          %add3A_1273 = arith.addi %add3A_1272, %select_n3A_1271 : i32
          %jit3A_1274 = arith.constant 8 : i32
          %eq3A_1275 = arith.constant 0 : i32
          %eq3A_1276 = arith.cmpi eq, %jit3A_1274, %eq3A_1275 : i32
          %jit3A_1277 = arith.constant 1 : i32
          %select_n3A_1278 = arith.select %eq3A_1276, %jit3A_1277, %jit3A_1274 : i32
          %rem3A_1279 = arith.remsi %add3A_524, %select_n3A_1278 : i32
          %ne3A_1280 = arith.constant 0 : i32
          %ne3A_1281 = arith.cmpi ne, %rem3A_1279, %ne3A_1280 : i32
          %lt3A_1282 = arith.constant 0 : i32
          %lt3A_1283 = arith.cmpi slt, %rem3A_1279, %lt3A_1282 : i32
          %lt3A_1284 = arith.constant 0 : i32
          %lt3A_1285 = arith.cmpi slt, %select_n3A_1278, %lt3A_1284 : i32
          %ne3A_1286 = arith.xori %lt3A_1283, %lt3A_1285 : i1
          %and3A_1287 = arith.andi %ne3A_1286, %ne3A_1281 : i1
          %add3A_1288 = arith.addi %rem3A_1279, %select_n3A_1278 : i32
          %select_n3A_1289 = arith.select %and3A_1287, %add3A_1288, %rem3A_1279 : i32
          %mul3A_1290 = arith.constant 16 : i32
          %mul3A_1291 = arith.muli %select_n3A_1289, %mul3A_1290 : i32
          %swap3A_1292 = arith.index_cast %add3A_1273 : i32 to index
          %swap3A_1293 = arith.index_cast %mul3A_1291 : i32 to index
          %swap3A_1294 = tpu.vector_load %arg15[%swap3A_1292, %swap3A_1293] {strides = array<i32>} : memref<150x128xf32, #tpu.memory_space<vmem>>, vector<16xf32>,
          tpu.vector_store %arg15[%swap3A_1292, %swap3A_1293], %gather3A_1247 {strides = array<i32>} : memref<150x128xf32, #tpu.memory_space<vmem>>, vector<16xf32>,
          %add3A_1295 = arith.constant 2 : i32
          %add3A_1296 = vector.broadcast %add3A_1295 : i32 to vector<16xi32>
          %add3A_1297 = arith.addi %add3A_1192, %add3A_1296 : vector<16xi32>
          %gather3A_1298 = tpu.vector_load_idx %arg13[%add3A_1297] : memref<100001xf32, #tpu.memory_space<vmem>>[vector<16xi32>], vector<16xf32>,
          %jit3A_1299 = arith.constant 8 : i32
          %div3A_1300 = arith.divsi %add3A_524, %jit3A_1299 : i32
          %sign3A_1301 = arith.constant 0 : i32
          %sign3A_1302 = arith.cmpi sgt, %add3A_524, %sign3A_1301 : i32
          %sign3A_1303 = arith.extui %sign3A_1302 : i1 to i32
          %sign3A_1304 = arith.constant 0 : i32
          %sign3A_1305 = arith.cmpi slt, %add3A_524, %sign3A_1304 : i32
          %sign3A_1306 = arith.extui %sign3A_1305 : i1 to i32
          %sign3A_1307 = arith.subi %sign3A_1303, %sign3A_1306 : i32
          %sign3A_1308 = arith.constant 0 : i32
          %sign3A_1309 = arith.cmpi sgt, %jit3A_1299, %sign3A_1308 : i32
          %sign3A_1310 = arith.extui %sign3A_1309 : i1 to i32
          %sign3A_1311 = arith.constant 0 : i32
          %sign3A_1312 = arith.cmpi slt, %jit3A_1299, %sign3A_1311 : i32
          %sign3A_1313 = arith.extui %sign3A_1312 : i1 to i32
          %sign3A_1314 = arith.subi %sign3A_1310, %sign3A_1313 : i32
          %ne3A_1315 = arith.cmpi ne, %sign3A_1307, %sign3A_1314 : i32
          %rem3A_1316 = arith.remsi %add3A_524, %jit3A_1299 : i32
          %ne3A_1317 = arith.constant 0 : i32
          %ne3A_1318 = arith.cmpi ne, %rem3A_1316, %ne3A_1317 : i32
          %and3A_1319 = arith.andi %ne3A_1315, %ne3A_1318 : i1
          %sub3A_1320 = arith.constant 1 : i32
          %sub3A_1321 = arith.subi %div3A_1300, %sub3A_1320 : i32
          %select_n3A_1322 = arith.select %and3A_1319, %sub3A_1321, %div3A_1300 : i32
          %add3A_1323 = arith.constant 140 : i32
          %add3A_1324 = arith.addi %add3A_1323, %select_n3A_1322 : i32
          %jit3A_1325 = arith.constant 8 : i32
          %eq3A_1326 = arith.constant 0 : i32
          %eq3A_1327 = arith.cmpi eq, %jit3A_1325, %eq3A_1326 : i32
          %jit3A_1328 = arith.constant 1 : i32
          %select_n3A_1329 = arith.select %eq3A_1327, %jit3A_1328, %jit3A_1325 : i32
          %rem3A_1330 = arith.remsi %add3A_524, %select_n3A_1329 : i32
          %ne3A_1331 = arith.constant 0 : i32
          %ne3A_1332 = arith.cmpi ne, %rem3A_1330, %ne3A_1331 : i32
          %lt3A_1333 = arith.constant 0 : i32
          %lt3A_1334 = arith.cmpi slt, %rem3A_1330, %lt3A_1333 : i32
          %lt3A_1335 = arith.constant 0 : i32
          %lt3A_1336 = arith.cmpi slt, %select_n3A_1329, %lt3A_1335 : i32
          %ne3A_1337 = arith.xori %lt3A_1334, %lt3A_1336 : i1
          %and3A_1338 = arith.andi %ne3A_1337, %ne3A_1332 : i1
          %add3A_1339 = arith.addi %rem3A_1330, %select_n3A_1329 : i32
          %select_n3A_1340 = arith.select %and3A_1338, %add3A_1339, %rem3A_1330 : i32
          %mul3A_1341 = arith.constant 16 : i32
          %mul3A_1342 = arith.muli %select_n3A_1340, %mul3A_1341 : i32
          %swap3A_1343 = arith.index_cast %add3A_1324 : i32 to index
          %swap3A_1344 = arith.index_cast %mul3A_1342 : i32 to index
          %swap3A_1345 = tpu.vector_load %arg15[%swap3A_1343, %swap3A_1344] {strides = array<i32>} : memref<150x128xf32, #tpu.memory_space<vmem>>, vector<16xf32>,
          tpu.vector_store %arg15[%swap3A_1343, %swap3A_1344], %gather3A_1298 {strides = array<i32>} : memref<150x128xf32, #tpu.memory_space<vmem>>, vector<16xf32>,
          %mul3A_1346 = arith.constant 2 : i32
          %mul3A_1347 = arith.muli %scan3A_520, %mul3A_1346 : i32
          %add3A_1348 = arith.constant 1 : i32
          %add3A_1349 = arith.addi %mul3A_1347, %add3A_1348 : i32
          %mul3A_1350 = arith.constant 16 : i32
          %mul3A_1351 = arith.muli %add3A_1349, %mul3A_1350 : i32
          %add3A_1352 = arith.constant 0 : i32
          %add3A_1353 = arith.addi %add3A_1352, %mul3A_1351 : i32
          %get3A_1354 = arith.index_cast %add3A_1353 : i32 to index
          %get3A_1355 = tpu.vector_load %arg14[%get3A_1354] {strides = array<i32>} : memref<6400xi32, #tpu.memory_space<vmem>>, vector<16xi32>,
          %mul3A_1356 = arith.constant 3 : i32
          %mul3A_1357 = vector.broadcast %mul3A_1356 : i32 to vector<16xi32>
          %mul3A_1358 = arith.muli %get3A_1355, %mul3A_1357 : vector<16xi32>
          %add3A_1359 = arith.constant 0 : i32
          %add3A_1360 = vector.broadcast %add3A_1359 : i32 to vector<16xi32>
          %add3A_1361 = arith.addi %mul3A_1358, %add3A_1360 : vector<16xi32>
          %add3A_1362 = arith.constant 0 : i32
          %add3A_1363 = vector.broadcast %add3A_1362 : i32 to vector<16xi32>
          %add3A_1364 = arith.addi %add3A_1361, %add3A_1363 : vector<16xi32>
          %gather3A_1365 = tpu.vector_load_idx %arg13[%add3A_1364] : memref<100001xf32, #tpu.memory_space<vmem>>[vector<16xi32>], vector<16xf32>,
          %jit3A_1366 = arith.constant 8 : i32
          %div3A_1367 = arith.divsi %add3A_1349, %jit3A_1366 : i32
          %sign3A_1368 = arith.constant 0 : i32
          %sign3A_1369 = arith.cmpi sgt, %add3A_1349, %sign3A_1368 : i32
          %sign3A_1370 = arith.extui %sign3A_1369 : i1 to i32
          %sign3A_1371 = arith.constant 0 : i32
          %sign3A_1372 = arith.cmpi slt, %add3A_1349, %sign3A_1371 : i32
          %sign3A_1373 = arith.extui %sign3A_1372 : i1 to i32
          %sign3A_1374 = arith.subi %sign3A_1370, %sign3A_1373 : i32
          %sign3A_1375 = arith.constant 0 : i32
          %sign3A_1376 = arith.cmpi sgt, %jit3A_1366, %sign3A_1375 : i32
          %sign3A_1377 = arith.extui %sign3A_1376 : i1 to i32
          %sign3A_1378 = arith.constant 0 : i32
          %sign3A_1379 = arith.cmpi slt, %jit3A_1366, %sign3A_1378 : i32
          %sign3A_1380 = arith.extui %sign3A_1379 : i1 to i32
          %sign3A_1381 = arith.subi %sign3A_1377, %sign3A_1380 : i32
          %ne3A_1382 = arith.cmpi ne, %sign3A_1374, %sign3A_1381 : i32
          %rem3A_1383 = arith.remsi %add3A_1349, %jit3A_1366 : i32
          %ne3A_1384 = arith.constant 0 : i32
          %ne3A_1385 = arith.cmpi ne, %rem3A_1383, %ne3A_1384 : i32
          %and3A_1386 = arith.andi %ne3A_1382, %ne3A_1385 : i1
          %sub3A_1387 = arith.constant 1 : i32
          %sub3A_1388 = arith.subi %div3A_1367, %sub3A_1387 : i32
          %select_n3A_1389 = arith.select %and3A_1386, %sub3A_1388, %div3A_1367 : i32
          %add3A_1390 = arith.constant 0 : i32
          %add3A_1391 = arith.addi %add3A_1390, %select_n3A_1389 : i32
          %jit3A_1392 = arith.constant 8 : i32
          %eq3A_1393 = arith.constant 0 : i32
          %eq3A_1394 = arith.cmpi eq, %jit3A_1392, %eq3A_1393 : i32
          %jit3A_1395 = arith.constant 1 : i32
          %select_n3A_1396 = arith.select %eq3A_1394, %jit3A_1395, %jit3A_1392 : i32
          %rem3A_1397 = arith.remsi %add3A_1349, %select_n3A_1396 : i32
          %ne3A_1398 = arith.constant 0 : i32
          %ne3A_1399 = arith.cmpi ne, %rem3A_1397, %ne3A_1398 : i32
          %lt3A_1400 = arith.constant 0 : i32
          %lt3A_1401 = arith.cmpi slt, %rem3A_1397, %lt3A_1400 : i32
          %lt3A_1402 = arith.constant 0 : i32
          %lt3A_1403 = arith.cmpi slt, %select_n3A_1396, %lt3A_1402 : i32
          %ne3A_1404 = arith.xori %lt3A_1401, %lt3A_1403 : i1
          %and3A_1405 = arith.andi %ne3A_1404, %ne3A_1399 : i1
          %add3A_1406 = arith.addi %rem3A_1397, %select_n3A_1396 : i32
          %select_n3A_1407 = arith.select %and3A_1405, %add3A_1406, %rem3A_1397 : i32
          %mul3A_1408 = arith.constant 16 : i32
          %mul3A_1409 = arith.muli %select_n3A_1407, %mul3A_1408 : i32
          %swap3A_1410 = arith.index_cast %add3A_1391 : i32 to index
          %swap3A_1411 = arith.index_cast %mul3A_1409 : i32 to index
          %swap3A_1412 = tpu.vector_load %arg15[%swap3A_1410, %swap3A_1411] {strides = array<i32>} : memref<150x128xf32, #tpu.memory_space<vmem>>, vector<16xf32>,
          tpu.vector_store %arg15[%swap3A_1410, %swap3A_1411], %gather3A_1365 {strides = array<i32>} : memref<150x128xf32, #tpu.memory_space<vmem>>, vector<16xf32>,
          %add3A_1413 = arith.constant 1 : i32
          %add3A_1414 = vector.broadcast %add3A_1413 : i32 to vector<16xi32>
          %add3A_1415 = arith.addi %add3A_1361, %add3A_1414 : vector<16xi32>
          %gather3A_1416 = tpu.vector_load_idx %arg13[%add3A_1415] : memref<100001xf32, #tpu.memory_space<vmem>>[vector<16xi32>], vector<16xf32>,
          %jit3A_1417 = arith.constant 8 : i32
          %div3A_1418 = arith.divsi %add3A_1349, %jit3A_1417 : i32
          %sign3A_1419 = arith.constant 0 : i32
          %sign3A_1420 = arith.cmpi sgt, %add3A_1349, %sign3A_1419 : i32
          %sign3A_1421 = arith.extui %sign3A_1420 : i1 to i32
          %sign3A_1422 = arith.constant 0 : i32
          %sign3A_1423 = arith.cmpi slt, %add3A_1349, %sign3A_1422 : i32
          %sign3A_1424 = arith.extui %sign3A_1423 : i1 to i32
          %sign3A_1425 = arith.subi %sign3A_1421, %sign3A_1424 : i32
          %sign3A_1426 = arith.constant 0 : i32
          %sign3A_1427 = arith.cmpi sgt, %jit3A_1417, %sign3A_1426 : i32
          %sign3A_1428 = arith.extui %sign3A_1427 : i1 to i32
          %sign3A_1429 = arith.constant 0 : i32
          %sign3A_1430 = arith.cmpi slt, %jit3A_1417, %sign3A_1429 : i32
          %sign3A_1431 = arith.extui %sign3A_1430 : i1 to i32
          %sign3A_1432 = arith.subi %sign3A_1428, %sign3A_1431 : i32
          %ne3A_1433 = arith.cmpi ne, %sign3A_1425, %sign3A_1432 : i32
          %rem3A_1434 = arith.remsi %add3A_1349, %jit3A_1417 : i32
          %ne3A_1435 = arith.constant 0 : i32
          %ne3A_1436 = arith.cmpi ne, %rem3A_1434, %ne3A_1435 : i32
          %and3A_1437 = arith.andi %ne3A_1433, %ne3A_1436 : i1
          %sub3A_1438 = arith.constant 1 : i32
          %sub3A_1439 = arith.subi %div3A_1418, %sub3A_1438 : i32
          %select_n3A_1440 = arith.select %and3A_1437, %sub3A_1439, %div3A_1418 : i32
          %add3A_1441 = arith.constant 10 : i32
          %add3A_1442 = arith.addi %add3A_1441, %select_n3A_1440 : i32
          %jit3A_1443 = arith.constant 8 : i32
          %eq3A_1444 = arith.constant 0 : i32
          %eq3A_1445 = arith.cmpi eq, %jit3A_1443, %eq3A_1444 : i32
          %jit3A_1446 = arith.constant 1 : i32
          %select_n3A_1447 = arith.select %eq3A_1445, %jit3A_1446, %jit3A_1443 : i32
          %rem3A_1448 = arith.remsi %add3A_1349, %select_n3A_1447 : i32
          %ne3A_1449 = arith.constant 0 : i32
          %ne3A_1450 = arith.cmpi ne, %rem3A_1448, %ne3A_1449 : i32
          %lt3A_1451 = arith.constant 0 : i32
          %lt3A_1452 = arith.cmpi slt, %rem3A_1448, %lt3A_1451 : i32
          %lt3A_1453 = arith.constant 0 : i32
          %lt3A_1454 = arith.cmpi slt, %select_n3A_1447, %lt3A_1453 : i32
          %ne3A_1455 = arith.xori %lt3A_1452, %lt3A_1454 : i1
          %and3A_1456 = arith.andi %ne3A_1455, %ne3A_1450 : i1
          %add3A_1457 = arith.addi %rem3A_1448, %select_n3A_1447 : i32
          %select_n3A_1458 = arith.select %and3A_1456, %add3A_1457, %rem3A_1448 : i32
          %mul3A_1459 = arith.constant 16 : i32
          %mul3A_1460 = arith.muli %select_n3A_1458, %mul3A_1459 : i32
          %swap3A_1461 = arith.index_cast %add3A_1442 : i32 to index
          %swap3A_1462 = arith.index_cast %mul3A_1460 : i32 to index
          %swap3A_1463 = tpu.vector_load %arg15[%swap3A_1461, %swap3A_1462] {strides = array<i32>} : memref<150x128xf32, #tpu.memory_space<vmem>>, vector<16xf32>,
          tpu.vector_store %arg15[%swap3A_1461, %swap3A_1462], %gather3A_1416 {strides = array<i32>} : memref<150x128xf32, #tpu.memory_space<vmem>>, vector<16xf32>,
          %add3A_1464 = arith.constant 2 : i32
          %add3A_1465 = vector.broadcast %add3A_1464 : i32 to vector<16xi32>
          %add3A_1466 = arith.addi %add3A_1361, %add3A_1465 : vector<16xi32>
          %gather3A_1467 = tpu.vector_load_idx %arg13[%add3A_1466] : memref<100001xf32, #tpu.memory_space<vmem>>[vector<16xi32>], vector<16xf32>,
          %jit3A_1468 = arith.constant 8 : i32
          %div3A_1469 = arith.divsi %add3A_1349, %jit3A_1468 : i32
          %sign3A_1470 = arith.constant 0 : i32
          %sign3A_1471 = arith.cmpi sgt, %add3A_1349, %sign3A_1470 : i32
          %sign3A_1472 = arith.extui %sign3A_1471 : i1 to i32
          %sign3A_1473 = arith.constant 0 : i32
          %sign3A_1474 = arith.cmpi slt, %add3A_1349, %sign3A_1473 : i32
          %sign3A_1475 = arith.extui %sign3A_1474 : i1 to i32
          %sign3A_1476 = arith.subi %sign3A_1472, %sign3A_1475 : i32
          %sign3A_1477 = arith.constant 0 : i32
          %sign3A_1478 = arith.cmpi sgt, %jit3A_1468, %sign3A_1477 : i32
          %sign3A_1479 = arith.extui %sign3A_1478 : i1 to i32
          %sign3A_1480 = arith.constant 0 : i32
          %sign3A_1481 = arith.cmpi slt, %jit3A_1468, %sign3A_1480 : i32
          %sign3A_1482 = arith.extui %sign3A_1481 : i1 to i32
          %sign3A_1483 = arith.subi %sign3A_1479, %sign3A_1482 : i32
          %ne3A_1484 = arith.cmpi ne, %sign3A_1476, %sign3A_1483 : i32
          %rem3A_1485 = arith.remsi %add3A_1349, %jit3A_1468 : i32
          %ne3A_1486 = arith.constant 0 : i32
          %ne3A_1487 = arith.cmpi ne, %rem3A_1485, %ne3A_1486 : i32
          %and3A_1488 = arith.andi %ne3A_1484, %ne3A_1487 : i1
          %sub3A_1489 = arith.constant 1 : i32
          %sub3A_1490 = arith.subi %div3A_1469, %sub3A_1489 : i32
          %select_n3A_1491 = arith.select %and3A_1488, %sub3A_1490, %div3A_1469 : i32
          %add3A_1492 = arith.constant 20 : i32
          %add3A_1493 = arith.addi %add3A_1492, %select_n3A_1491 : i32
          %jit3A_1494 = arith.constant 8 : i32
          %eq3A_1495 = arith.constant 0 : i32
          %eq3A_1496 = arith.cmpi eq, %jit3A_1494, %eq3A_1495 : i32
          %jit3A_1497 = arith.constant 1 : i32
          %select_n3A_1498 = arith.select %eq3A_1496, %jit3A_1497, %jit3A_1494 : i32
          %rem3A_1499 = arith.remsi %add3A_1349, %select_n3A_1498 : i32
          %ne3A_1500 = arith.constant 0 : i32
          %ne3A_1501 = arith.cmpi ne, %rem3A_1499, %ne3A_1500 : i32
          %lt3A_1502 = arith.constant 0 : i32
          %lt3A_1503 = arith.cmpi slt, %rem3A_1499, %lt3A_1502 : i32
          %lt3A_1504 = arith.constant 0 : i32
          %lt3A_1505 = arith.cmpi slt, %select_n3A_1498, %lt3A_1504 : i32
          %ne3A_1506 = arith.xori %lt3A_1503, %lt3A_1505 : i1
          %and3A_1507 = arith.andi %ne3A_1506, %ne3A_1501 : i1
          %add3A_1508 = arith.addi %rem3A_1499, %select_n3A_1498 : i32
          %select_n3A_1509 = arith.select %and3A_1507, %add3A_1508, %rem3A_1499 : i32
          %mul3A_1510 = arith.constant 16 : i32
          %mul3A_1511 = arith.muli %select_n3A_1509, %mul3A_1510 : i32
          %swap3A_1512 = arith.index_cast %add3A_1493 : i32 to index
          %swap3A_1513 = arith.index_cast %mul3A_1511 : i32 to index
          %swap3A_1514 = tpu.vector_load %arg15[%swap3A_1512, %swap3A_1513] {strides = array<i32>} : memref<150x128xf32, #tpu.memory_space<vmem>>, vector<16xf32>,
          tpu.vector_store %arg15[%swap3A_1512, %swap3A_1513], %gather3A_1467 {strides = array<i32>} : memref<150x128xf32, #tpu.memory_space<vmem>>, vector<16xf32>,
          %mul3A_1515 = arith.constant 16 : i32
          %mul3A_1516 = arith.muli %add3A_1349, %mul3A_1515 : i32
          %add3A_1517 = arith.constant 1280 : i32
          %add3A_1518 = arith.addi %add3A_1517, %mul3A_1516 : i32
          %get3A_1519 = arith.index_cast %add3A_1518 : i32 to index
          %get3A_1520 = tpu.vector_load %arg14[%get3A_1519] {strides = array<i32>} : memref<6400xi32, #tpu.memory_space<vmem>>, vector<16xi32>,
          %mul3A_1521 = arith.constant 3 : i32
          %mul3A_1522 = vector.broadcast %mul3A_1521 : i32 to vector<16xi32>
          %mul3A_1523 = arith.muli %get3A_1520, %mul3A_1522 : vector<16xi32>
          %add3A_1524 = arith.constant 3000 : i32
          %add3A_1525 = vector.broadcast %add3A_1524 : i32 to vector<16xi32>
          %add3A_1526 = arith.addi %mul3A_1523, %add3A_1525 : vector<16xi32>
          %add3A_1527 = arith.constant 0 : i32
          %add3A_1528 = vector.broadcast %add3A_1527 : i32 to vector<16xi32>
          %add3A_1529 = arith.addi %add3A_1526, %add3A_1528 : vector<16xi32>
          %gather3A_1530 = tpu.vector_load_idx %arg13[%add3A_1529] : memref<100001xf32, #tpu.memory_space<vmem>>[vector<16xi32>], vector<16xf32>,
          %jit3A_1531 = arith.constant 8 : i32
          %div3A_1532 = arith.divsi %add3A_1349, %jit3A_1531 : i32
          %sign3A_1533 = arith.constant 0 : i32
          %sign3A_1534 = arith.cmpi sgt, %add3A_1349, %sign3A_1533 : i32
          %sign3A_1535 = arith.extui %sign3A_1534 : i1 to i32
          %sign3A_1536 = arith.constant 0 : i32
          %sign3A_1537 = arith.cmpi slt, %add3A_1349, %sign3A_1536 : i32
          %sign3A_1538 = arith.extui %sign3A_1537 : i1 to i32
          %sign3A_1539 = arith.subi %sign3A_1535, %sign3A_1538 : i32
          %sign3A_1540 = arith.constant 0 : i32
          %sign3A_1541 = arith.cmpi sgt, %jit3A_1531, %sign3A_1540 : i32
          %sign3A_1542 = arith.extui %sign3A_1541 : i1 to i32
          %sign3A_1543 = arith.constant 0 : i32
          %sign3A_1544 = arith.cmpi slt, %jit3A_1531, %sign3A_1543 : i32
          %sign3A_1545 = arith.extui %sign3A_1544 : i1 to i32
          %sign3A_1546 = arith.subi %sign3A_1542, %sign3A_1545 : i32
          %ne3A_1547 = arith.cmpi ne, %sign3A_1539, %sign3A_1546 : i32
          %rem3A_1548 = arith.remsi %add3A_1349, %jit3A_1531 : i32
          %ne3A_1549 = arith.constant 0 : i32
          %ne3A_1550 = arith.cmpi ne, %rem3A_1548, %ne3A_1549 : i32
          %and3A_1551 = arith.andi %ne3A_1547, %ne3A_1550 : i1
          %sub3A_1552 = arith.constant 1 : i32
          %sub3A_1553 = arith.subi %div3A_1532, %sub3A_1552 : i32
          %select_n3A_1554 = arith.select %and3A_1551, %sub3A_1553, %div3A_1532 : i32
          %add3A_1555 = arith.constant 30 : i32
          %add3A_1556 = arith.addi %add3A_1555, %select_n3A_1554 : i32
          %jit3A_1557 = arith.constant 8 : i32
          %eq3A_1558 = arith.constant 0 : i32
          %eq3A_1559 = arith.cmpi eq, %jit3A_1557, %eq3A_1558 : i32
          %jit3A_1560 = arith.constant 1 : i32
          %select_n3A_1561 = arith.select %eq3A_1559, %jit3A_1560, %jit3A_1557 : i32
          %rem3A_1562 = arith.remsi %add3A_1349, %select_n3A_1561 : i32
          %ne3A_1563 = arith.constant 0 : i32
          %ne3A_1564 = arith.cmpi ne, %rem3A_1562, %ne3A_1563 : i32
          %lt3A_1565 = arith.constant 0 : i32
          %lt3A_1566 = arith.cmpi slt, %rem3A_1562, %lt3A_1565 : i32
          %lt3A_1567 = arith.constant 0 : i32
          %lt3A_1568 = arith.cmpi slt, %select_n3A_1561, %lt3A_1567 : i32
          %ne3A_1569 = arith.xori %lt3A_1566, %lt3A_1568 : i1
          %and3A_1570 = arith.andi %ne3A_1569, %ne3A_1564 : i1
          %add3A_1571 = arith.addi %rem3A_1562, %select_n3A_1561 : i32
          %select_n3A_1572 = arith.select %and3A_1570, %add3A_1571, %rem3A_1562 : i32
          %mul3A_1573 = arith.constant 16 : i32
          %mul3A_1574 = arith.muli %select_n3A_1572, %mul3A_1573 : i32
          %swap3A_1575 = arith.index_cast %add3A_1556 : i32 to index
          %swap3A_1576 = arith.index_cast %mul3A_1574 : i32 to index
          %swap3A_1577 = tpu.vector_load %arg15[%swap3A_1575, %swap3A_1576] {strides = array<i32>} : memref<150x128xf32, #tpu.memory_space<vmem>>, vector<16xf32>,
          tpu.vector_store %arg15[%swap3A_1575, %swap3A_1576], %gather3A_1530 {strides = array<i32>} : memref<150x128xf32, #tpu.memory_space<vmem>>, vector<16xf32>,
          %add3A_1578 = arith.constant 1 : i32
          %add3A_1579 = vector.broadcast %add3A_1578 : i32 to vector<16xi32>
          %add3A_1580 = arith.addi %add3A_1526, %add3A_1579 : vector<16xi32>
          %gather3A_1581 = tpu.vector_load_idx %arg13[%add3A_1580] : memref<100001xf32, #tpu.memory_space<vmem>>[vector<16xi32>], vector<16xf32>,
          %jit3A_1582 = arith.constant 8 : i32
          %div3A_1583 = arith.divsi %add3A_1349, %jit3A_1582 : i32
          %sign3A_1584 = arith.constant 0 : i32
          %sign3A_1585 = arith.cmpi sgt, %add3A_1349, %sign3A_1584 : i32
          %sign3A_1586 = arith.extui %sign3A_1585 : i1 to i32
          %sign3A_1587 = arith.constant 0 : i32
          %sign3A_1588 = arith.cmpi slt, %add3A_1349, %sign3A_1587 : i32
          %sign3A_1589 = arith.extui %sign3A_1588 : i1 to i32
          %sign3A_1590 = arith.subi %sign3A_1586, %sign3A_1589 : i32
          %sign3A_1591 = arith.constant 0 : i32
          %sign3A_1592 = arith.cmpi sgt, %jit3A_1582, %sign3A_1591 : i32
          %sign3A_1593 = arith.extui %sign3A_1592 : i1 to i32
          %sign3A_1594 = arith.constant 0 : i32
          %sign3A_1595 = arith.cmpi slt, %jit3A_1582, %sign3A_1594 : i32
          %sign3A_1596 = arith.extui %sign3A_1595 : i1 to i32
          %sign3A_1597 = arith.subi %sign3A_1593, %sign3A_1596 : i32
          %ne3A_1598 = arith.cmpi ne, %sign3A_1590, %sign3A_1597 : i32
          %rem3A_1599 = arith.remsi %add3A_1349, %jit3A_1582 : i32
          %ne3A_1600 = arith.constant 0 : i32
          %ne3A_1601 = arith.cmpi ne, %rem3A_1599, %ne3A_1600 : i32
          %and3A_1602 = arith.andi %ne3A_1598, %ne3A_1601 : i1
          %sub3A_1603 = arith.constant 1 : i32
          %sub3A_1604 = arith.subi %div3A_1583, %sub3A_1603 : i32
          %select_n3A_1605 = arith.select %and3A_1602, %sub3A_1604, %div3A_1583 : i32
          %add3A_1606 = arith.constant 40 : i32
          %add3A_1607 = arith.addi %add3A_1606, %select_n3A_1605 : i32
          %jit3A_1608 = arith.constant 8 : i32
          %eq3A_1609 = arith.constant 0 : i32
          %eq3A_1610 = arith.cmpi eq, %jit3A_1608, %eq3A_1609 : i32
          %jit3A_1611 = arith.constant 1 : i32
          %select_n3A_1612 = arith.select %eq3A_1610, %jit3A_1611, %jit3A_1608 : i32
          %rem3A_1613 = arith.remsi %add3A_1349, %select_n3A_1612 : i32
          %ne3A_1614 = arith.constant 0 : i32
          %ne3A_1615 = arith.cmpi ne, %rem3A_1613, %ne3A_1614 : i32
          %lt3A_1616 = arith.constant 0 : i32
          %lt3A_1617 = arith.cmpi slt, %rem3A_1613, %lt3A_1616 : i32
          %lt3A_1618 = arith.constant 0 : i32
          %lt3A_1619 = arith.cmpi slt, %select_n3A_1612, %lt3A_1618 : i32
          %ne3A_1620 = arith.xori %lt3A_1617, %lt3A_1619 : i1
          %and3A_1621 = arith.andi %ne3A_1620, %ne3A_1615 : i1
          %add3A_1622 = arith.addi %rem3A_1613, %select_n3A_1612 : i32
          %select_n3A_1623 = arith.select %and3A_1621, %add3A_1622, %rem3A_1613 : i32
          %mul3A_1624 = arith.constant 16 : i32
          %mul3A_1625 = arith.muli %select_n3A_1623, %mul3A_1624 : i32
          %swap3A_1626 = arith.index_cast %add3A_1607 : i32 to index
          %swap3A_1627 = arith.index_cast %mul3A_1625 : i32 to index
          %swap3A_1628 = tpu.vector_load %arg15[%swap3A_1626, %swap3A_1627] {strides = array<i32>} : memref<150x128xf32, #tpu.memory_space<vmem>>, vector<16xf32>,
          tpu.vector_store %arg15[%swap3A_1626, %swap3A_1627], %gather3A_1581 {strides = array<i32>} : memref<150x128xf32, #tpu.memory_space<vmem>>, vector<16xf32>,
          %add3A_1629 = arith.constant 2 : i32
          %add3A_1630 = vector.broadcast %add3A_1629 : i32 to vector<16xi32>
          %add3A_1631 = arith.addi %add3A_1526, %add3A_1630 : vector<16xi32>
          %gather3A_1632 = tpu.vector_load_idx %arg13[%add3A_1631] : memref<100001xf32, #tpu.memory_space<vmem>>[vector<16xi32>], vector<16xf32>,
          %jit3A_1633 = arith.constant 8 : i32
          %div3A_1634 = arith.divsi %add3A_1349, %jit3A_1633 : i32
          %sign3A_1635 = arith.constant 0 : i32
          %sign3A_1636 = arith.cmpi sgt, %add3A_1349, %sign3A_1635 : i32
          %sign3A_1637 = arith.extui %sign3A_1636 : i1 to i32
          %sign3A_1638 = arith.constant 0 : i32
          %sign3A_1639 = arith.cmpi slt, %add3A_1349, %sign3A_1638 : i32
          %sign3A_1640 = arith.extui %sign3A_1639 : i1 to i32
          %sign3A_1641 = arith.subi %sign3A_1637, %sign3A_1640 : i32
          %sign3A_1642 = arith.constant 0 : i32
          %sign3A_1643 = arith.cmpi sgt, %jit3A_1633, %sign3A_1642 : i32
          %sign3A_1644 = arith.extui %sign3A_1643 : i1 to i32
          %sign3A_1645 = arith.constant 0 : i32
          %sign3A_1646 = arith.cmpi slt, %jit3A_1633, %sign3A_1645 : i32
          %sign3A_1647 = arith.extui %sign3A_1646 : i1 to i32
          %sign3A_1648 = arith.subi %sign3A_1644, %sign3A_1647 : i32
          %ne3A_1649 = arith.cmpi ne, %sign3A_1641, %sign3A_1648 : i32
          %rem3A_1650 = arith.remsi %add3A_1349, %jit3A_1633 : i32
          %ne3A_1651 = arith.constant 0 : i32
          %ne3A_1652 = arith.cmpi ne, %rem3A_1650, %ne3A_1651 : i32
          %and3A_1653 = arith.andi %ne3A_1649, %ne3A_1652 : i1
          %sub3A_1654 = arith.constant 1 : i32
          %sub3A_1655 = arith.subi %div3A_1634, %sub3A_1654 : i32
          %select_n3A_1656 = arith.select %and3A_1653, %sub3A_1655, %div3A_1634 : i32
          %add3A_1657 = arith.constant 50 : i32
          %add3A_1658 = arith.addi %add3A_1657, %select_n3A_1656 : i32
          %jit3A_1659 = arith.constant 8 : i32
          %eq3A_1660 = arith.constant 0 : i32
          %eq3A_1661 = arith.cmpi eq, %jit3A_1659, %eq3A_1660 : i32
          %jit3A_1662 = arith.constant 1 : i32
          %select_n3A_1663 = arith.select %eq3A_1661, %jit3A_1662, %jit3A_1659 : i32
          %rem3A_1664 = arith.remsi %add3A_1349, %select_n3A_1663 : i32
          %ne3A_1665 = arith.constant 0 : i32
          %ne3A_1666 = arith.cmpi ne, %rem3A_1664, %ne3A_1665 : i32
          %lt3A_1667 = arith.constant 0 : i32
          %lt3A_1668 = arith.cmpi slt, %rem3A_1664, %lt3A_1667 : i32
          %lt3A_1669 = arith.constant 0 : i32
          %lt3A_1670 = arith.cmpi slt, %select_n3A_1663, %lt3A_1669 : i32
          %ne3A_1671 = arith.xori %lt3A_1668, %lt3A_1670 : i1
          %and3A_1672 = arith.andi %ne3A_1671, %ne3A_1666 : i1
          %add3A_1673 = arith.addi %rem3A_1664, %select_n3A_1663 : i32
          %select_n3A_1674 = arith.select %and3A_1672, %add3A_1673, %rem3A_1664 : i32
          %mul3A_1675 = arith.constant 16 : i32
          %mul3A_1676 = arith.muli %select_n3A_1674, %mul3A_1675 : i32
          %swap3A_1677 = arith.index_cast %add3A_1658 : i32 to index
          %swap3A_1678 = arith.index_cast %mul3A_1676 : i32 to index
          %swap3A_1679 = tpu.vector_load %arg15[%swap3A_1677, %swap3A_1678] {strides = array<i32>} : memref<150x128xf32, #tpu.memory_space<vmem>>, vector<16xf32>,
          tpu.vector_store %arg15[%swap3A_1677, %swap3A_1678], %gather3A_1632 {strides = array<i32>} : memref<150x128xf32, #tpu.memory_space<vmem>>, vector<16xf32>,
          %mul3A_1680 = arith.constant 16 : i32
          %mul3A_1681 = arith.muli %add3A_1349, %mul3A_1680 : i32
          %add3A_1682 = arith.constant 2560 : i32
          %add3A_1683 = arith.addi %add3A_1682, %mul3A_1681 : i32
          %get3A_1684 = arith.index_cast %add3A_1683 : i32 to index
          %get3A_1685 = tpu.vector_load %arg14[%get3A_1684] {strides = array<i32>} : memref<6400xi32, #tpu.memory_space<vmem>>, vector<16xi32>,
          %mul3A_1686 = arith.constant 3 : i32
          %mul3A_1687 = vector.broadcast %mul3A_1686 : i32 to vector<16xi32>
          %mul3A_1688 = arith.muli %get3A_1685, %mul3A_1687 : vector<16xi32>
          %add3A_1689 = arith.constant 6000 : i32
          %add3A_1690 = vector.broadcast %add3A_1689 : i32 to vector<16xi32>
          %add3A_1691 = arith.addi %mul3A_1688, %add3A_1690 : vector<16xi32>
          %add3A_1692 = arith.constant 0 : i32
          %add3A_1693 = vector.broadcast %add3A_1692 : i32 to vector<16xi32>
          %add3A_1694 = arith.addi %add3A_1691, %add3A_1693 : vector<16xi32>
          %gather3A_1695 = tpu.vector_load_idx %arg13[%add3A_1694] : memref<100001xf32, #tpu.memory_space<vmem>>[vector<16xi32>], vector<16xf32>,
          %jit3A_1696 = arith.constant 8 : i32
          %div3A_1697 = arith.divsi %add3A_1349, %jit3A_1696 : i32
          %sign3A_1698 = arith.constant 0 : i32
          %sign3A_1699 = arith.cmpi sgt, %add3A_1349, %sign3A_1698 : i32
          %sign3A_1700 = arith.extui %sign3A_1699 : i1 to i32
          %sign3A_1701 = arith.constant 0 : i32
          %sign3A_1702 = arith.cmpi slt, %add3A_1349, %sign3A_1701 : i32
          %sign3A_1703 = arith.extui %sign3A_1702 : i1 to i32
          %sign3A_1704 = arith.subi %sign3A_1700, %sign3A_1703 : i32
          %sign3A_1705 = arith.constant 0 : i32
          %sign3A_1706 = arith.cmpi sgt, %jit3A_1696, %sign3A_1705 : i32
          %sign3A_1707 = arith.extui %sign3A_1706 : i1 to i32
          %sign3A_1708 = arith.constant 0 : i32
          %sign3A_1709 = arith.cmpi slt, %jit3A_1696, %sign3A_1708 : i32
          %sign3A_1710 = arith.extui %sign3A_1709 : i1 to i32
          %sign3A_1711 = arith.subi %sign3A_1707, %sign3A_1710 : i32
          %ne3A_1712 = arith.cmpi ne, %sign3A_1704, %sign3A_1711 : i32
          %rem3A_1713 = arith.remsi %add3A_1349, %jit3A_1696 : i32
          %ne3A_1714 = arith.constant 0 : i32
          %ne3A_1715 = arith.cmpi ne, %rem3A_1713, %ne3A_1714 : i32
          %and3A_1716 = arith.andi %ne3A_1712, %ne3A_1715 : i1
          %sub3A_1717 = arith.constant 1 : i32
          %sub3A_1718 = arith.subi %div3A_1697, %sub3A_1717 : i32
          %select_n3A_1719 = arith.select %and3A_1716, %sub3A_1718, %div3A_1697 : i32
          %add3A_1720 = arith.constant 60 : i32
          %add3A_1721 = arith.addi %add3A_1720, %select_n3A_1719 : i32
          %jit3A_1722 = arith.constant 8 : i32
          %eq3A_1723 = arith.constant 0 : i32
          %eq3A_1724 = arith.cmpi eq, %jit3A_1722, %eq3A_1723 : i32
          %jit3A_1725 = arith.constant 1 : i32
          %select_n3A_1726 = arith.select %eq3A_1724, %jit3A_1725, %jit3A_1722 : i32
          %rem3A_1727 = arith.remsi %add3A_1349, %select_n3A_1726 : i32
          %ne3A_1728 = arith.constant 0 : i32
          %ne3A_1729 = arith.cmpi ne, %rem3A_1727, %ne3A_1728 : i32
          %lt3A_1730 = arith.constant 0 : i32
          %lt3A_1731 = arith.cmpi slt, %rem3A_1727, %lt3A_1730 : i32
          %lt3A_1732 = arith.constant 0 : i32
          %lt3A_1733 = arith.cmpi slt, %select_n3A_1726, %lt3A_1732 : i32
          %ne3A_1734 = arith.xori %lt3A_1731, %lt3A_1733 : i1
          %and3A_1735 = arith.andi %ne3A_1734, %ne3A_1729 : i1
          %add3A_1736 = arith.addi %rem3A_1727, %select_n3A_1726 : i32
          %select_n3A_1737 = arith.select %and3A_1735, %add3A_1736, %rem3A_1727 : i32
          %mul3A_1738 = arith.constant 16 : i32
          %mul3A_1739 = arith.muli %select_n3A_1737, %mul3A_1738 : i32
          %swap3A_1740 = arith.index_cast %add3A_1721 : i32 to index
          %swap3A_1741 = arith.index_cast %mul3A_1739 : i32 to index
          %swap3A_1742 = tpu.vector_load %arg15[%swap3A_1740, %swap3A_1741] {strides = array<i32>} : memref<150x128xf32, #tpu.memory_space<vmem>>, vector<16xf32>,
          tpu.vector_store %arg15[%swap3A_1740, %swap3A_1741], %gather3A_1695 {strides = array<i32>} : memref<150x128xf32, #tpu.memory_space<vmem>>, vector<16xf32>,
          %add3A_1743 = arith.constant 1 : i32
          %add3A_1744 = vector.broadcast %add3A_1743 : i32 to vector<16xi32>
          %add3A_1745 = arith.addi %add3A_1691, %add3A_1744 : vector<16xi32>
          %gather3A_1746 = tpu.vector_load_idx %arg13[%add3A_1745] : memref<100001xf32, #tpu.memory_space<vmem>>[vector<16xi32>], vector<16xf32>,
          %jit3A_1747 = arith.constant 8 : i32
          %div3A_1748 = arith.divsi %add3A_1349, %jit3A_1747 : i32
          %sign3A_1749 = arith.constant 0 : i32
          %sign3A_1750 = arith.cmpi sgt, %add3A_1349, %sign3A_1749 : i32
          %sign3A_1751 = arith.extui %sign3A_1750 : i1 to i32
          %sign3A_1752 = arith.constant 0 : i32
          %sign3A_1753 = arith.cmpi slt, %add3A_1349, %sign3A_1752 : i32
          %sign3A_1754 = arith.extui %sign3A_1753 : i1 to i32
          %sign3A_1755 = arith.subi %sign3A_1751, %sign3A_1754 : i32
          %sign3A_1756 = arith.constant 0 : i32
          %sign3A_1757 = arith.cmpi sgt, %jit3A_1747, %sign3A_1756 : i32
          %sign3A_1758 = arith.extui %sign3A_1757 : i1 to i32
          %sign3A_1759 = arith.constant 0 : i32
          %sign3A_1760 = arith.cmpi slt, %jit3A_1747, %sign3A_1759 : i32
          %sign3A_1761 = arith.extui %sign3A_1760 : i1 to i32
          %sign3A_1762 = arith.subi %sign3A_1758, %sign3A_1761 : i32
          %ne3A_1763 = arith.cmpi ne, %sign3A_1755, %sign3A_1762 : i32
          %rem3A_1764 = arith.remsi %add3A_1349, %jit3A_1747 : i32
          %ne3A_1765 = arith.constant 0 : i32
          %ne3A_1766 = arith.cmpi ne, %rem3A_1764, %ne3A_1765 : i32
          %and3A_1767 = arith.andi %ne3A_1763, %ne3A_1766 : i1
          %sub3A_1768 = arith.constant 1 : i32
          %sub3A_1769 = arith.subi %div3A_1748, %sub3A_1768 : i32
          %select_n3A_1770 = arith.select %and3A_1767, %sub3A_1769, %div3A_1748 : i32
          %add3A_1771 = arith.constant 70 : i32
          %add3A_1772 = arith.addi %add3A_1771, %select_n3A_1770 : i32
          %jit3A_1773 = arith.constant 8 : i32
          %eq3A_1774 = arith.constant 0 : i32
          %eq3A_1775 = arith.cmpi eq, %jit3A_1773, %eq3A_1774 : i32
          %jit3A_1776 = arith.constant 1 : i32
          %select_n3A_1777 = arith.select %eq3A_1775, %jit3A_1776, %jit3A_1773 : i32
          %rem3A_1778 = arith.remsi %add3A_1349, %select_n3A_1777 : i32
          %ne3A_1779 = arith.constant 0 : i32
          %ne3A_1780 = arith.cmpi ne, %rem3A_1778, %ne3A_1779 : i32
          %lt3A_1781 = arith.constant 0 : i32
          %lt3A_1782 = arith.cmpi slt, %rem3A_1778, %lt3A_1781 : i32
          %lt3A_1783 = arith.constant 0 : i32
          %lt3A_1784 = arith.cmpi slt, %select_n3A_1777, %lt3A_1783 : i32
          %ne3A_1785 = arith.xori %lt3A_1782, %lt3A_1784 : i1
          %and3A_1786 = arith.andi %ne3A_1785, %ne3A_1780 : i1
          %add3A_1787 = arith.addi %rem3A_1778, %select_n3A_1777 : i32
          %select_n3A_1788 = arith.select %and3A_1786, %add3A_1787, %rem3A_1778 : i32
          %mul3A_1789 = arith.constant 16 : i32
          %mul3A_1790 = arith.muli %select_n3A_1788, %mul3A_1789 : i32
          %swap3A_1791 = arith.index_cast %add3A_1772 : i32 to index
          %swap3A_1792 = arith.index_cast %mul3A_1790 : i32 to index
          %swap3A_1793 = tpu.vector_load %arg15[%swap3A_1791, %swap3A_1792] {strides = array<i32>} : memref<150x128xf32, #tpu.memory_space<vmem>>, vector<16xf32>,
          tpu.vector_store %arg15[%swap3A_1791, %swap3A_1792], %gather3A_1746 {strides = array<i32>} : memref<150x128xf32, #tpu.memory_space<vmem>>, vector<16xf32>,
          %add3A_1794 = arith.constant 2 : i32
          %add3A_1795 = vector.broadcast %add3A_1794 : i32 to vector<16xi32>
          %add3A_1796 = arith.addi %add3A_1691, %add3A_1795 : vector<16xi32>
          %gather3A_1797 = tpu.vector_load_idx %arg13[%add3A_1796] : memref<100001xf32, #tpu.memory_space<vmem>>[vector<16xi32>], vector<16xf32>,
          %jit3A_1798 = arith.constant 8 : i32
          %div3A_1799 = arith.divsi %add3A_1349, %jit3A_1798 : i32
          %sign3A_1800 = arith.constant 0 : i32
          %sign3A_1801 = arith.cmpi sgt, %add3A_1349, %sign3A_1800 : i32
          %sign3A_1802 = arith.extui %sign3A_1801 : i1 to i32
          %sign3A_1803 = arith.constant 0 : i32
          %sign3A_1804 = arith.cmpi slt, %add3A_1349, %sign3A_1803 : i32
          %sign3A_1805 = arith.extui %sign3A_1804 : i1 to i32
          %sign3A_1806 = arith.subi %sign3A_1802, %sign3A_1805 : i32
          %sign3A_1807 = arith.constant 0 : i32
          %sign3A_1808 = arith.cmpi sgt, %jit3A_1798, %sign3A_1807 : i32
          %sign3A_1809 = arith.extui %sign3A_1808 : i1 to i32
          %sign3A_1810 = arith.constant 0 : i32
          %sign3A_1811 = arith.cmpi slt, %jit3A_1798, %sign3A_1810 : i32
          %sign3A_1812 = arith.extui %sign3A_1811 : i1 to i32
          %sign3A_1813 = arith.subi %sign3A_1809, %sign3A_1812 : i32
          %ne3A_1814 = arith.cmpi ne, %sign3A_1806, %sign3A_1813 : i32
          %rem3A_1815 = arith.remsi %add3A_1349, %jit3A_1798 : i32
          %ne3A_1816 = arith.constant 0 : i32
          %ne3A_1817 = arith.cmpi ne, %rem3A_1815, %ne3A_1816 : i32
          %and3A_1818 = arith.andi %ne3A_1814, %ne3A_1817 : i1
          %sub3A_1819 = arith.constant 1 : i32
          %sub3A_1820 = arith.subi %div3A_1799, %sub3A_1819 : i32
          %select_n3A_1821 = arith.select %and3A_1818, %sub3A_1820, %div3A_1799 : i32
          %add3A_1822 = arith.constant 80 : i32
          %add3A_1823 = arith.addi %add3A_1822, %select_n3A_1821 : i32
          %jit3A_1824 = arith.constant 8 : i32
          %eq3A_1825 = arith.constant 0 : i32
          %eq3A_1826 = arith.cmpi eq, %jit3A_1824, %eq3A_1825 : i32
          %jit3A_1827 = arith.constant 1 : i32
          %select_n3A_1828 = arith.select %eq3A_1826, %jit3A_1827, %jit3A_1824 : i32
          %rem3A_1829 = arith.remsi %add3A_1349, %select_n3A_1828 : i32
          %ne3A_1830 = arith.constant 0 : i32
          %ne3A_1831 = arith.cmpi ne, %rem3A_1829, %ne3A_1830 : i32
          %lt3A_1832 = arith.constant 0 : i32
          %lt3A_1833 = arith.cmpi slt, %rem3A_1829, %lt3A_1832 : i32
          %lt3A_1834 = arith.constant 0 : i32
          %lt3A_1835 = arith.cmpi slt, %select_n3A_1828, %lt3A_1834 : i32
          %ne3A_1836 = arith.xori %lt3A_1833, %lt3A_1835 : i1
          %and3A_1837 = arith.andi %ne3A_1836, %ne3A_1831 : i1
          %add3A_1838 = arith.addi %rem3A_1829, %select_n3A_1828 : i32
          %select_n3A_1839 = arith.select %and3A_1837, %add3A_1838, %rem3A_1829 : i32
          %mul3A_1840 = arith.constant 16 : i32
          %mul3A_1841 = arith.muli %select_n3A_1839, %mul3A_1840 : i32
          %swap3A_1842 = arith.index_cast %add3A_1823 : i32 to index
          %swap3A_1843 = arith.index_cast %mul3A_1841 : i32 to index
          %swap3A_1844 = tpu.vector_load %arg15[%swap3A_1842, %swap3A_1843] {strides = array<i32>} : memref<150x128xf32, #tpu.memory_space<vmem>>, vector<16xf32>,
          tpu.vector_store %arg15[%swap3A_1842, %swap3A_1843], %gather3A_1797 {strides = array<i32>} : memref<150x128xf32, #tpu.memory_space<vmem>>, vector<16xf32>,
          %mul3A_1845 = arith.constant 16 : i32
          %mul3A_1846 = arith.muli %add3A_1349, %mul3A_1845 : i32
          %add3A_1847 = arith.constant 3840 : i32
          %add3A_1848 = arith.addi %add3A_1847, %mul3A_1846 : i32
          %get3A_1849 = arith.index_cast %add3A_1848 : i32 to index
          %get3A_1850 = tpu.vector_load %arg14[%get3A_1849] {strides = array<i32>} : memref<6400xi32, #tpu.memory_space<vmem>>, vector<16xi32>,
          %mul3A_1851 = arith.constant 3 : i32
          %mul3A_1852 = vector.broadcast %mul3A_1851 : i32 to vector<16xi32>
          %mul3A_1853 = arith.muli %get3A_1850, %mul3A_1852 : vector<16xi32>
          %add3A_1854 = arith.constant 9000 : i32
          %add3A_1855 = vector.broadcast %add3A_1854 : i32 to vector<16xi32>
          %add3A_1856 = arith.addi %mul3A_1853, %add3A_1855 : vector<16xi32>
          %add3A_1857 = arith.constant 0 : i32
          %add3A_1858 = vector.broadcast %add3A_1857 : i32 to vector<16xi32>
          %add3A_1859 = arith.addi %add3A_1856, %add3A_1858 : vector<16xi32>
          %gather3A_1860 = tpu.vector_load_idx %arg13[%add3A_1859] : memref<100001xf32, #tpu.memory_space<vmem>>[vector<16xi32>], vector<16xf32>,
          %jit3A_1861 = arith.constant 8 : i32
          %div3A_1862 = arith.divsi %add3A_1349, %jit3A_1861 : i32
          %sign3A_1863 = arith.constant 0 : i32
          %sign3A_1864 = arith.cmpi sgt, %add3A_1349, %sign3A_1863 : i32
          %sign3A_1865 = arith.extui %sign3A_1864 : i1 to i32
          %sign3A_1866 = arith.constant 0 : i32
          %sign3A_1867 = arith.cmpi slt, %add3A_1349, %sign3A_1866 : i32
          %sign3A_1868 = arith.extui %sign3A_1867 : i1 to i32
          %sign3A_1869 = arith.subi %sign3A_1865, %sign3A_1868 : i32
          %sign3A_1870 = arith.constant 0 : i32
          %sign3A_1871 = arith.cmpi sgt, %jit3A_1861, %sign3A_1870 : i32
          %sign3A_1872 = arith.extui %sign3A_1871 : i1 to i32
          %sign3A_1873 = arith.constant 0 : i32
          %sign3A_1874 = arith.cmpi slt, %jit3A_1861, %sign3A_1873 : i32
          %sign3A_1875 = arith.extui %sign3A_1874 : i1 to i32
          %sign3A_1876 = arith.subi %sign3A_1872, %sign3A_1875 : i32
          %ne3A_1877 = arith.cmpi ne, %sign3A_1869, %sign3A_1876 : i32
          %rem3A_1878 = arith.remsi %add3A_1349, %jit3A_1861 : i32
          %ne3A_1879 = arith.constant 0 : i32
          %ne3A_1880 = arith.cmpi ne, %rem3A_1878, %ne3A_1879 : i32
          %and3A_1881 = arith.andi %ne3A_1877, %ne3A_1880 : i1
          %sub3A_1882 = arith.constant 1 : i32
          %sub3A_1883 = arith.subi %div3A_1862, %sub3A_1882 : i32
          %select_n3A_1884 = arith.select %and3A_1881, %sub3A_1883, %div3A_1862 : i32
          %add3A_1885 = arith.constant 90 : i32
          %add3A_1886 = arith.addi %add3A_1885, %select_n3A_1884 : i32
          %jit3A_1887 = arith.constant 8 : i32
          %eq3A_1888 = arith.constant 0 : i32
          %eq3A_1889 = arith.cmpi eq, %jit3A_1887, %eq3A_1888 : i32
          %jit3A_1890 = arith.constant 1 : i32
          %select_n3A_1891 = arith.select %eq3A_1889, %jit3A_1890, %jit3A_1887 : i32
          %rem3A_1892 = arith.remsi %add3A_1349, %select_n3A_1891 : i32
          %ne3A_1893 = arith.constant 0 : i32
          %ne3A_1894 = arith.cmpi ne, %rem3A_1892, %ne3A_1893 : i32
          %lt3A_1895 = arith.constant 0 : i32
          %lt3A_1896 = arith.cmpi slt, %rem3A_1892, %lt3A_1895 : i32
          %lt3A_1897 = arith.constant 0 : i32
          %lt3A_1898 = arith.cmpi slt, %select_n3A_1891, %lt3A_1897 : i32
          %ne3A_1899 = arith.xori %lt3A_1896, %lt3A_1898 : i1
          %and3A_1900 = arith.andi %ne3A_1899, %ne3A_1894 : i1
          %add3A_1901 = arith.addi %rem3A_1892, %select_n3A_1891 : i32
          %select_n3A_1902 = arith.select %and3A_1900, %add3A_1901, %rem3A_1892 : i32
          %mul3A_1903 = arith.constant 16 : i32
          %mul3A_1904 = arith.muli %select_n3A_1902, %mul3A_1903 : i32
          %swap3A_1905 = arith.index_cast %add3A_1886 : i32 to index
          %swap3A_1906 = arith.index_cast %mul3A_1904 : i32 to index
          %swap3A_1907 = tpu.vector_load %arg15[%swap3A_1905, %swap3A_1906] {strides = array<i32>} : memref<150x128xf32, #tpu.memory_space<vmem>>, vector<16xf32>,
          tpu.vector_store %arg15[%swap3A_1905, %swap3A_1906], %gather3A_1860 {strides = array<i32>} : memref<150x128xf32, #tpu.memory_space<vmem>>, vector<16xf32>,
          %add3A_1908 = arith.constant 1 : i32
          %add3A_1909 = vector.broadcast %add3A_1908 : i32 to vector<16xi32>
          %add3A_1910 = arith.addi %add3A_1856, %add3A_1909 : vector<16xi32>
          %gather3A_1911 = tpu.vector_load_idx %arg13[%add3A_1910] : memref<100001xf32, #tpu.memory_space<vmem>>[vector<16xi32>], vector<16xf32>,
          %jit3A_1912 = arith.constant 8 : i32
          %div3A_1913 = arith.divsi %add3A_1349, %jit3A_1912 : i32
          %sign3A_1914 = arith.constant 0 : i32
          %sign3A_1915 = arith.cmpi sgt, %add3A_1349, %sign3A_1914 : i32
          %sign3A_1916 = arith.extui %sign3A_1915 : i1 to i32
          %sign3A_1917 = arith.constant 0 : i32
          %sign3A_1918 = arith.cmpi slt, %add3A_1349, %sign3A_1917 : i32
          %sign3A_1919 = arith.extui %sign3A_1918 : i1 to i32
          %sign3A_1920 = arith.subi %sign3A_1916, %sign3A_1919 : i32
          %sign3A_1921 = arith.constant 0 : i32
          %sign3A_1922 = arith.cmpi sgt, %jit3A_1912, %sign3A_1921 : i32
          %sign3A_1923 = arith.extui %sign3A_1922 : i1 to i32
          %sign3A_1924 = arith.constant 0 : i32
          %sign3A_1925 = arith.cmpi slt, %jit3A_1912, %sign3A_1924 : i32
          %sign3A_1926 = arith.extui %sign3A_1925 : i1 to i32
          %sign3A_1927 = arith.subi %sign3A_1923, %sign3A_1926 : i32
          %ne3A_1928 = arith.cmpi ne, %sign3A_1920, %sign3A_1927 : i32
          %rem3A_1929 = arith.remsi %add3A_1349, %jit3A_1912 : i32
          %ne3A_1930 = arith.constant 0 : i32
          %ne3A_1931 = arith.cmpi ne, %rem3A_1929, %ne3A_1930 : i32
          %and3A_1932 = arith.andi %ne3A_1928, %ne3A_1931 : i1
          %sub3A_1933 = arith.constant 1 : i32
          %sub3A_1934 = arith.subi %div3A_1913, %sub3A_1933 : i32
          %select_n3A_1935 = arith.select %and3A_1932, %sub3A_1934, %div3A_1913 : i32
          %add3A_1936 = arith.constant 100 : i32
          %add3A_1937 = arith.addi %add3A_1936, %select_n3A_1935 : i32
          %jit3A_1938 = arith.constant 8 : i32
          %eq3A_1939 = arith.constant 0 : i32
          %eq3A_1940 = arith.cmpi eq, %jit3A_1938, %eq3A_1939 : i32
          %jit3A_1941 = arith.constant 1 : i32
          %select_n3A_1942 = arith.select %eq3A_1940, %jit3A_1941, %jit3A_1938 : i32
          %rem3A_1943 = arith.remsi %add3A_1349, %select_n3A_1942 : i32
          %ne3A_1944 = arith.constant 0 : i32
          %ne3A_1945 = arith.cmpi ne, %rem3A_1943, %ne3A_1944 : i32
          %lt3A_1946 = arith.constant 0 : i32
          %lt3A_1947 = arith.cmpi slt, %rem3A_1943, %lt3A_1946 : i32
          %lt3A_1948 = arith.constant 0 : i32
          %lt3A_1949 = arith.cmpi slt, %select_n3A_1942, %lt3A_1948 : i32
          %ne3A_1950 = arith.xori %lt3A_1947, %lt3A_1949 : i1
          %and3A_1951 = arith.andi %ne3A_1950, %ne3A_1945 : i1
          %add3A_1952 = arith.addi %rem3A_1943, %select_n3A_1942 : i32
          %select_n3A_1953 = arith.select %and3A_1951, %add3A_1952, %rem3A_1943 : i32
          %mul3A_1954 = arith.constant 16 : i32
          %mul3A_1955 = arith.muli %select_n3A_1953, %mul3A_1954 : i32
          %swap3A_1956 = arith.index_cast %add3A_1937 : i32 to index
          %swap3A_1957 = arith.index_cast %mul3A_1955 : i32 to index
          %swap3A_1958 = tpu.vector_load %arg15[%swap3A_1956, %swap3A_1957] {strides = array<i32>} : memref<150x128xf32, #tpu.memory_space<vmem>>, vector<16xf32>,
          tpu.vector_store %arg15[%swap3A_1956, %swap3A_1957], %gather3A_1911 {strides = array<i32>} : memref<150x128xf32, #tpu.memory_space<vmem>>, vector<16xf32>,
          %add3A_1959 = arith.constant 2 : i32
          %add3A_1960 = vector.broadcast %add3A_1959 : i32 to vector<16xi32>
          %add3A_1961 = arith.addi %add3A_1856, %add3A_1960 : vector<16xi32>
          %gather3A_1962 = tpu.vector_load_idx %arg13[%add3A_1961] : memref<100001xf32, #tpu.memory_space<vmem>>[vector<16xi32>], vector<16xf32>,
          %jit3A_1963 = arith.constant 8 : i32
          %div3A_1964 = arith.divsi %add3A_1349, %jit3A_1963 : i32
          %sign3A_1965 = arith.constant 0 : i32
          %sign3A_1966 = arith.cmpi sgt, %add3A_1349, %sign3A_1965 : i32
          %sign3A_1967 = arith.extui %sign3A_1966 : i1 to i32
          %sign3A_1968 = arith.constant 0 : i32
          %sign3A_1969 = arith.cmpi slt, %add3A_1349, %sign3A_1968 : i32
          %sign3A_1970 = arith.extui %sign3A_1969 : i1 to i32
          %sign3A_1971 = arith.subi %sign3A_1967, %sign3A_1970 : i32
          %sign3A_1972 = arith.constant 0 : i32
          %sign3A_1973 = arith.cmpi sgt, %jit3A_1963, %sign3A_1972 : i32
          %sign3A_1974 = arith.extui %sign3A_1973 : i1 to i32
          %sign3A_1975 = arith.constant 0 : i32
          %sign3A_1976 = arith.cmpi slt, %jit3A_1963, %sign3A_1975 : i32
          %sign3A_1977 = arith.extui %sign3A_1976 : i1 to i32
          %sign3A_1978 = arith.subi %sign3A_1974, %sign3A_1977 : i32
          %ne3A_1979 = arith.cmpi ne, %sign3A_1971, %sign3A_1978 : i32
          %rem3A_1980 = arith.remsi %add3A_1349, %jit3A_1963 : i32
          %ne3A_1981 = arith.constant 0 : i32
          %ne3A_1982 = arith.cmpi ne, %rem3A_1980, %ne3A_1981 : i32
          %and3A_1983 = arith.andi %ne3A_1979, %ne3A_1982 : i1
          %sub3A_1984 = arith.constant 1 : i32
          %sub3A_1985 = arith.subi %div3A_1964, %sub3A_1984 : i32
          %select_n3A_1986 = arith.select %and3A_1983, %sub3A_1985, %div3A_1964 : i32
          %add3A_1987 = arith.constant 110 : i32
          %add3A_1988 = arith.addi %add3A_1987, %select_n3A_1986 : i32
          %jit3A_1989 = arith.constant 8 : i32
          %eq3A_1990 = arith.constant 0 : i32
          %eq3A_1991 = arith.cmpi eq, %jit3A_1989, %eq3A_1990 : i32
          %jit3A_1992 = arith.constant 1 : i32
          %select_n3A_1993 = arith.select %eq3A_1991, %jit3A_1992, %jit3A_1989 : i32
          %rem3A_1994 = arith.remsi %add3A_1349, %select_n3A_1993 : i32
          %ne3A_1995 = arith.constant 0 : i32
          %ne3A_1996 = arith.cmpi ne, %rem3A_1994, %ne3A_1995 : i32
          %lt3A_1997 = arith.constant 0 : i32
          %lt3A_1998 = arith.cmpi slt, %rem3A_1994, %lt3A_1997 : i32
          %lt3A_1999 = arith.constant 0 : i32
          %lt3A_2000 = arith.cmpi slt, %select_n3A_1993, %lt3A_1999 : i32
          %ne3A_2001 = arith.xori %lt3A_1998, %lt3A_2000 : i1
          %and3A_2002 = arith.andi %ne3A_2001, %ne3A_1996 : i1
          %add3A_2003 = arith.addi %rem3A_1994, %select_n3A_1993 : i32
          %select_n3A_2004 = arith.select %and3A_2002, %add3A_2003, %rem3A_1994 : i32
          %mul3A_2005 = arith.constant 16 : i32
          %mul3A_2006 = arith.muli %select_n3A_2004, %mul3A_2005 : i32
          %swap3A_2007 = arith.index_cast %add3A_1988 : i32 to index
          %swap3A_2008 = arith.index_cast %mul3A_2006 : i32 to index
          %swap3A_2009 = tpu.vector_load %arg15[%swap3A_2007, %swap3A_2008] {strides = array<i32>} : memref<150x128xf32, #tpu.memory_space<vmem>>, vector<16xf32>,
          tpu.vector_store %arg15[%swap3A_2007, %swap3A_2008], %gather3A_1962 {strides = array<i32>} : memref<150x128xf32, #tpu.memory_space<vmem>>, vector<16xf32>,
          %mul3A_2010 = arith.constant 16 : i32
          %mul3A_2011 = arith.muli %add3A_1349, %mul3A_2010 : i32
          %add3A_2012 = arith.constant 5120 : i32
          %add3A_2013 = arith.addi %add3A_2012, %mul3A_2011 : i32
          %get3A_2014 = arith.index_cast %add3A_2013 : i32 to index
          %get3A_2015 = tpu.vector_load %arg14[%get3A_2014] {strides = array<i32>} : memref<6400xi32, #tpu.memory_space<vmem>>, vector<16xi32>,
          %mul3A_2016 = arith.constant 3 : i32
          %mul3A_2017 = vector.broadcast %mul3A_2016 : i32 to vector<16xi32>
          %mul3A_2018 = arith.muli %get3A_2015, %mul3A_2017 : vector<16xi32>
          %add3A_2019 = arith.constant 12000 : i32
          %add3A_2020 = vector.broadcast %add3A_2019 : i32 to vector<16xi32>
          %add3A_2021 = arith.addi %mul3A_2018, %add3A_2020 : vector<16xi32>
          %add3A_2022 = arith.constant 0 : i32
          %add3A_2023 = vector.broadcast %add3A_2022 : i32 to vector<16xi32>
          %add3A_2024 = arith.addi %add3A_2021, %add3A_2023 : vector<16xi32>
          %gather3A_2025 = tpu.vector_load_idx %arg13[%add3A_2024] : memref<100001xf32, #tpu.memory_space<vmem>>[vector<16xi32>], vector<16xf32>,
          %jit3A_2026 = arith.constant 8 : i32
          %div3A_2027 = arith.divsi %add3A_1349, %jit3A_2026 : i32
          %sign3A_2028 = arith.constant 0 : i32
          %sign3A_2029 = arith.cmpi sgt, %add3A_1349, %sign3A_2028 : i32
          %sign3A_2030 = arith.extui %sign3A_2029 : i1 to i32
          %sign3A_2031 = arith.constant 0 : i32
          %sign3A_2032 = arith.cmpi slt, %add3A_1349, %sign3A_2031 : i32
          %sign3A_2033 = arith.extui %sign3A_2032 : i1 to i32
          %sign3A_2034 = arith.subi %sign3A_2030, %sign3A_2033 : i32
          %sign3A_2035 = arith.constant 0 : i32
          %sign3A_2036 = arith.cmpi sgt, %jit3A_2026, %sign3A_2035 : i32
          %sign3A_2037 = arith.extui %sign3A_2036 : i1 to i32
          %sign3A_2038 = arith.constant 0 : i32
          %sign3A_2039 = arith.cmpi slt, %jit3A_2026, %sign3A_2038 : i32
          %sign3A_2040 = arith.extui %sign3A_2039 : i1 to i32
          %sign3A_2041 = arith.subi %sign3A_2037, %sign3A_2040 : i32
          %ne3A_2042 = arith.cmpi ne, %sign3A_2034, %sign3A_2041 : i32
          %rem3A_2043 = arith.remsi %add3A_1349, %jit3A_2026 : i32
          %ne3A_2044 = arith.constant 0 : i32
          %ne3A_2045 = arith.cmpi ne, %rem3A_2043, %ne3A_2044 : i32
          %and3A_2046 = arith.andi %ne3A_2042, %ne3A_2045 : i1
          %sub3A_2047 = arith.constant 1 : i32
          %sub3A_2048 = arith.subi %div3A_2027, %sub3A_2047 : i32
          %select_n3A_2049 = arith.select %and3A_2046, %sub3A_2048, %div3A_2027 : i32
          %add3A_2050 = arith.constant 120 : i32
          %add3A_2051 = arith.addi %add3A_2050, %select_n3A_2049 : i32
          %jit3A_2052 = arith.constant 8 : i32
          %eq3A_2053 = arith.constant 0 : i32
          %eq3A_2054 = arith.cmpi eq, %jit3A_2052, %eq3A_2053 : i32
          %jit3A_2055 = arith.constant 1 : i32
          %select_n3A_2056 = arith.select %eq3A_2054, %jit3A_2055, %jit3A_2052 : i32
          %rem3A_2057 = arith.remsi %add3A_1349, %select_n3A_2056 : i32
          %ne3A_2058 = arith.constant 0 : i32
          %ne3A_2059 = arith.cmpi ne, %rem3A_2057, %ne3A_2058 : i32
          %lt3A_2060 = arith.constant 0 : i32
          %lt3A_2061 = arith.cmpi slt, %rem3A_2057, %lt3A_2060 : i32
          %lt3A_2062 = arith.constant 0 : i32
          %lt3A_2063 = arith.cmpi slt, %select_n3A_2056, %lt3A_2062 : i32
          %ne3A_2064 = arith.xori %lt3A_2061, %lt3A_2063 : i1
          %and3A_2065 = arith.andi %ne3A_2064, %ne3A_2059 : i1
          %add3A_2066 = arith.addi %rem3A_2057, %select_n3A_2056 : i32
          %select_n3A_2067 = arith.select %and3A_2065, %add3A_2066, %rem3A_2057 : i32
          %mul3A_2068 = arith.constant 16 : i32
          %mul3A_2069 = arith.muli %select_n3A_2067, %mul3A_2068 : i32
          %swap3A_2070 = arith.index_cast %add3A_2051 : i32 to index
          %swap3A_2071 = arith.index_cast %mul3A_2069 : i32 to index
          %swap3A_2072 = tpu.vector_load %arg15[%swap3A_2070, %swap3A_2071] {strides = array<i32>} : memref<150x128xf32, #tpu.memory_space<vmem>>, vector<16xf32>,
          tpu.vector_store %arg15[%swap3A_2070, %swap3A_2071], %gather3A_2025 {strides = array<i32>} : memref<150x128xf32, #tpu.memory_space<vmem>>, vector<16xf32>,
          %add3A_2073 = arith.constant 1 : i32
          %add3A_2074 = vector.broadcast %add3A_2073 : i32 to vector<16xi32>
          %add3A_2075 = arith.addi %add3A_2021, %add3A_2074 : vector<16xi32>
          %gather3A_2076 = tpu.vector_load_idx %arg13[%add3A_2075] : memref<100001xf32, #tpu.memory_space<vmem>>[vector<16xi32>], vector<16xf32>,
          %jit3A_2077 = arith.constant 8 : i32
          %div3A_2078 = arith.divsi %add3A_1349, %jit3A_2077 : i32
          %sign3A_2079 = arith.constant 0 : i32
          %sign3A_2080 = arith.cmpi sgt, %add3A_1349, %sign3A_2079 : i32
          %sign3A_2081 = arith.extui %sign3A_2080 : i1 to i32
          %sign3A_2082 = arith.constant 0 : i32
          %sign3A_2083 = arith.cmpi slt, %add3A_1349, %sign3A_2082 : i32
          %sign3A_2084 = arith.extui %sign3A_2083 : i1 to i32
          %sign3A_2085 = arith.subi %sign3A_2081, %sign3A_2084 : i32
          %sign3A_2086 = arith.constant 0 : i32
          %sign3A_2087 = arith.cmpi sgt, %jit3A_2077, %sign3A_2086 : i32
          %sign3A_2088 = arith.extui %sign3A_2087 : i1 to i32
          %sign3A_2089 = arith.constant 0 : i32
          %sign3A_2090 = arith.cmpi slt, %jit3A_2077, %sign3A_2089 : i32
          %sign3A_2091 = arith.extui %sign3A_2090 : i1 to i32
          %sign3A_2092 = arith.subi %sign3A_2088, %sign3A_2091 : i32
          %ne3A_2093 = arith.cmpi ne, %sign3A_2085, %sign3A_2092 : i32
          %rem3A_2094 = arith.remsi %add3A_1349, %jit3A_2077 : i32
          %ne3A_2095 = arith.constant 0 : i32
          %ne3A_2096 = arith.cmpi ne, %rem3A_2094, %ne3A_2095 : i32
          %and3A_2097 = arith.andi %ne3A_2093, %ne3A_2096 : i1
          %sub3A_2098 = arith.constant 1 : i32
          %sub3A_2099 = arith.subi %div3A_2078, %sub3A_2098 : i32
          %select_n3A_2100 = arith.select %and3A_2097, %sub3A_2099, %div3A_2078 : i32
          %add3A_2101 = arith.constant 130 : i32
          %add3A_2102 = arith.addi %add3A_2101, %select_n3A_2100 : i32
          %jit3A_2103 = arith.constant 8 : i32
          %eq3A_2104 = arith.constant 0 : i32
          %eq3A_2105 = arith.cmpi eq, %jit3A_2103, %eq3A_2104 : i32
          %jit3A_2106 = arith.constant 1 : i32
          %select_n3A_2107 = arith.select %eq3A_2105, %jit3A_2106, %jit3A_2103 : i32
          %rem3A_2108 = arith.remsi %add3A_1349, %select_n3A_2107 : i32
          %ne3A_2109 = arith.constant 0 : i32
          %ne3A_2110 = arith.cmpi ne, %rem3A_2108, %ne3A_2109 : i32
          %lt3A_2111 = arith.constant 0 : i32
          %lt3A_2112 = arith.cmpi slt, %rem3A_2108, %lt3A_2111 : i32
          %lt3A_2113 = arith.constant 0 : i32
          %lt3A_2114 = arith.cmpi slt, %select_n3A_2107, %lt3A_2113 : i32
          %ne3A_2115 = arith.xori %lt3A_2112, %lt3A_2114 : i1
          %and3A_2116 = arith.andi %ne3A_2115, %ne3A_2110 : i1
          %add3A_2117 = arith.addi %rem3A_2108, %select_n3A_2107 : i32
          %select_n3A_2118 = arith.select %and3A_2116, %add3A_2117, %rem3A_2108 : i32
          %mul3A_2119 = arith.constant 16 : i32
          %mul3A_2120 = arith.muli %select_n3A_2118, %mul3A_2119 : i32
          %swap3A_2121 = arith.index_cast %add3A_2102 : i32 to index
          %swap3A_2122 = arith.index_cast %mul3A_2120 : i32 to index
          %swap3A_2123 = tpu.vector_load %arg15[%swap3A_2121, %swap3A_2122] {strides = array<i32>} : memref<150x128xf32, #tpu.memory_space<vmem>>, vector<16xf32>,
          tpu.vector_store %arg15[%swap3A_2121, %swap3A_2122], %gather3A_2076 {strides = array<i32>} : memref<150x128xf32, #tpu.memory_space<vmem>>, vector<16xf32>,
          %add3A_2124 = arith.constant 2 : i32
          %add3A_2125 = vector.broadcast %add3A_2124 : i32 to vector<16xi32>
          %add3A_2126 = arith.addi %add3A_2021, %add3A_2125 : vector<16xi32>
          %gather3A_2127 = tpu.vector_load_idx %arg13[%add3A_2126] : memref<100001xf32, #tpu.memory_space<vmem>>[vector<16xi32>], vector<16xf32>,
          %jit3A_2128 = arith.constant 8 : i32
          %div3A_2129 = arith.divsi %add3A_1349, %jit3A_2128 : i32
          %sign3A_2130 = arith.constant 0 : i32
          %sign3A_2131 = arith.cmpi sgt, %add3A_1349, %sign3A_2130 : i32
          %sign3A_2132 = arith.extui %sign3A_2131 : i1 to i32
          %sign3A_2133 = arith.constant 0 : i32
          %sign3A_2134 = arith.cmpi slt, %add3A_1349, %sign3A_2133 : i32
          %sign3A_2135 = arith.extui %sign3A_2134 : i1 to i32
          %sign3A_2136 = arith.subi %sign3A_2132, %sign3A_2135 : i32
          %sign3A_2137 = arith.constant 0 : i32
          %sign3A_2138 = arith.cmpi sgt, %jit3A_2128, %sign3A_2137 : i32
          %sign3A_2139 = arith.extui %sign3A_2138 : i1 to i32
          %sign3A_2140 = arith.constant 0 : i32
          %sign3A_2141 = arith.cmpi slt, %jit3A_2128, %sign3A_2140 : i32
          %sign3A_2142 = arith.extui %sign3A_2141 : i1 to i32
          %sign3A_2143 = arith.subi %sign3A_2139, %sign3A_2142 : i32
          %ne3A_2144 = arith.cmpi ne, %sign3A_2136, %sign3A_2143 : i32
          %rem3A_2145 = arith.remsi %add3A_1349, %jit3A_2128 : i32
          %ne3A_2146 = arith.constant 0 : i32
          %ne3A_2147 = arith.cmpi ne, %rem3A_2145, %ne3A_2146 : i32
          %and3A_2148 = arith.andi %ne3A_2144, %ne3A_2147 : i1
          %sub3A_2149 = arith.constant 1 : i32
          %sub3A_2150 = arith.subi %div3A_2129, %sub3A_2149 : i32
          %select_n3A_2151 = arith.select %and3A_2148, %sub3A_2150, %div3A_2129 : i32
          %add3A_2152 = arith.constant 140 : i32
          %add3A_2153 = arith.addi %add3A_2152, %select_n3A_2151 : i32
          %jit3A_2154 = arith.constant 8 : i32
          %eq3A_2155 = arith.constant 0 : i32
          %eq3A_2156 = arith.cmpi eq, %jit3A_2154, %eq3A_2155 : i32
          %jit3A_2157 = arith.constant 1 : i32
          %select_n3A_2158 = arith.select %eq3A_2156, %jit3A_2157, %jit3A_2154 : i32
          %rem3A_2159 = arith.remsi %add3A_1349, %select_n3A_2158 : i32
          %ne3A_2160 = arith.constant 0 : i32
          %ne3A_2161 = arith.cmpi ne, %rem3A_2159, %ne3A_2160 : i32
          %lt3A_2162 = arith.constant 0 : i32
          %lt3A_2163 = arith.cmpi slt, %rem3A_2159, %lt3A_2162 : i32
          %lt3A_2164 = arith.constant 0 : i32
          %lt3A_2165 = arith.cmpi slt, %select_n3A_2158, %lt3A_2164 : i32
          %ne3A_2166 = arith.xori %lt3A_2163, %lt3A_2165 : i1
          %and3A_2167 = arith.andi %ne3A_2166, %ne3A_2161 : i1
          %add3A_2168 = arith.addi %rem3A_2159, %select_n3A_2158 : i32
          %select_n3A_2169 = arith.select %and3A_2167, %add3A_2168, %rem3A_2159 : i32
          %mul3A_2170 = arith.constant 16 : i32
          %mul3A_2171 = arith.muli %select_n3A_2169, %mul3A_2170 : i32
          %swap3A_2172 = arith.index_cast %add3A_2153 : i32 to index
          %swap3A_2173 = arith.index_cast %mul3A_2171 : i32 to index
          %swap3A_2174 = tpu.vector_load %arg15[%swap3A_2172, %swap3A_2173] {strides = array<i32>} : memref<150x128xf32, #tpu.memory_space<vmem>>, vector<16xf32>,
          tpu.vector_store %arg15[%swap3A_2172, %swap3A_2173], %gather3A_2127 {strides = array<i32>} : memref<150x128xf32, #tpu.memory_space<vmem>>, vector<16xf32>,
        }
        %scan3A_82 = arith.constant 40 : i32
        %jit3A = arith.constant 128 : i32
        %div3A = arith.divsi %add3A_18, %jit3A : i32
        %sign3A = arith.constant 0 : i32
        %sign3A_83 = arith.cmpi sgt, %add3A_18, %sign3A : i32
        %sign3A_84 = arith.extui %sign3A_83 : i1 to i32
        %sign3A_85 = arith.constant 0 : i32
        %sign3A_86 = arith.cmpi slt, %add3A_18, %sign3A_85 : i32
        %sign3A_87 = arith.extui %sign3A_86 : i1 to i32
        %sign3A_88 = arith.subi %sign3A_84, %sign3A_87 : i32
        %sign3A_89 = arith.constant 0 : i32
        %sign3A_90 = arith.cmpi sgt, %jit3A, %sign3A_89 : i32
        %sign3A_91 = arith.extui %sign3A_90 : i1 to i32
        %sign3A_92 = arith.constant 0 : i32
        %sign3A_93 = arith.cmpi slt, %jit3A, %sign3A_92 : i32
        %sign3A_94 = arith.extui %sign3A_93 : i1 to i32
        %sign3A_95 = arith.subi %sign3A_91, %sign3A_94 : i32
        %ne3A = arith.cmpi ne, %sign3A_88, %sign3A_95 : i32
        %rem3A = arith.remsi %add3A_18, %jit3A : i32
        %ne3A_96 = arith.constant 0 : i32
        %ne3A_97 = arith.cmpi ne, %rem3A, %ne3A_96 : i32
        %and3A = arith.andi %ne3A, %ne3A_97 : i1
        %sub3A_98 = arith.constant 1 : i32
        %sub3A_99 = arith.subi %div3A, %sub3A_98 : i32
        %select_n3A = arith.select %and3A, %sub3A_99, %div3A : i32
        %dma_start3A_100 = arith.constant 0 : i32
        %dma_start3A_101 = arith.constant 3 : i32
        %dma_start3A_102 = arith.constant 0 : i32
        %dma_start3A_103 = arith.constant 0 : i32
        %dma_start3A_104 = tpu.memref_slice %arg15[%dma_start3A_102, %dma_start3A_103] : memref<150x128xf32, #tpu.memory_space<vmem>> -> memref<10x128xf32, #tpu.memory_space<vmem>>
        %dma_start3A_105 = arith.constant 0 : i32
        %dma_start3A_106 = tpu.memref_slice %arg12[%dma_start3A_100, %select_n3A, %dma_start3A_101, %dma_start3A_105] : memref<3x6400x8x128xf32, #tpu.memory_space<hbm>> -> memref<1x10x1x128xf32, #tpu.memory_space<hbm>>
        %dma_start3A_107 = tpu.memref_squeeze %dma_start3A_106 : memref<1x10x1x128xf32, #tpu.memory_space<hbm>> -> memref<10x128xf32, #tpu.memory_space<hbm>>
        %dma_start3A_108 = arith.constant 0 : i32
        %dma_start3A_109 = tpu.memref_slice %arg12[%dma_start3A_100, %select_n3A, %dma_start3A_101, %dma_start3A_108] : memref<3x6400x8x128xf32, #tpu.memory_space<hbm>> -> memref<1x10x1x128xf32, #tpu.memory_space<hbm>>
        %dma_start3A_110 = tpu.memref_squeeze %dma_start3A_109 : memref<1x10x1x128xf32, #tpu.memory_space<hbm>> -> memref<10x128xf32, #tpu.memory_space<hbm>>
        %dma_start3A_111 = arith.constant 0 : i32
        %dma_start3A_112 = arith.constant 0 : i32
        %dma_start3A_113 = tpu.memref_slice %arg15[%dma_start3A_111, %dma_start3A_112] : memref<150x128xf32, #tpu.memory_space<vmem>> -> memref<10x128xf32, #tpu.memory_space<vmem>>
        tpu.enqueue_dma source(%dma_start3A_113 : memref<10x128xf32, #tpu.memory_space<vmem>>) target(%dma_start3A_110 : memref<10x128xf32, #tpu.memory_space<hbm>>) target_semaphore(%arg16 : memref<!tpu.dma_semaphore, #tpu.memory_space<semaphore_mem>>)
        %dma_start3A_114 = arith.constant 0 : i32
        %dma_start3A_115 = arith.constant 4 : i32
        %dma_start3A_116 = arith.constant 10 : i32
        %dma_start3A_117 = arith.constant 0 : i32
        %dma_start3A_118 = tpu.memref_slice %arg15[%dma_start3A_116, %dma_start3A_117] : memref<150x128xf32, #tpu.memory_space<vmem>> -> memref<10x128xf32, #tpu.memory_space<vmem>>
        %dma_start3A_119 = arith.constant 0 : i32
        %dma_start3A_120 = tpu.memref_slice %arg12[%dma_start3A_114, %select_n3A, %dma_start3A_115, %dma_start3A_119] : memref<3x6400x8x128xf32, #tpu.memory_space<hbm>> -> memref<1x10x1x128xf32, #tpu.memory_space<hbm>>
        %dma_start3A_121 = tpu.memref_squeeze %dma_start3A_120 : memref<1x10x1x128xf32, #tpu.memory_space<hbm>> -> memref<10x128xf32, #tpu.memory_space<hbm>>
        %dma_start3A_122 = arith.constant 0 : i32
        %dma_start3A_123 = tpu.memref_slice %arg12[%dma_start3A_114, %select_n3A, %dma_start3A_115, %dma_start3A_122] : memref<3x6400x8x128xf32, #tpu.memory_space<hbm>> -> memref<1x10x1x128xf32, #tpu.memory_space<hbm>>
        %dma_start3A_124 = tpu.memref_squeeze %dma_start3A_123 : memref<1x10x1x128xf32, #tpu.memory_space<hbm>> -> memref<10x128xf32, #tpu.memory_space<hbm>>
        %dma_start3A_125 = arith.constant 10 : i32
        %dma_start3A_126 = arith.constant 0 : i32
        %dma_start3A_127 = tpu.memref_slice %arg15[%dma_start3A_125, %dma_start3A_126] : memref<150x128xf32, #tpu.memory_space<vmem>> -> memref<10x128xf32, #tpu.memory_space<vmem>>
        tpu.enqueue_dma source(%dma_start3A_127 : memref<10x128xf32, #tpu.memory_space<vmem>>) target(%dma_start3A_124 : memref<10x128xf32, #tpu.memory_space<hbm>>) target_semaphore(%arg16 : memref<!tpu.dma_semaphore, #tpu.memory_space<semaphore_mem>>)
        %dma_start3A_128 = arith.constant 0 : i32
        %dma_start3A_129 = arith.constant 5 : i32
        %dma_start3A_130 = arith.constant 20 : i32
        %dma_start3A_131 = arith.constant 0 : i32
        %dma_start3A_132 = tpu.memref_slice %arg15[%dma_start3A_130, %dma_start3A_131] : memref<150x128xf32, #tpu.memory_space<vmem>> -> memref<10x128xf32, #tpu.memory_space<vmem>>
        %dma_start3A_133 = arith.constant 0 : i32
        %dma_start3A_134 = tpu.memref_slice %arg12[%dma_start3A_128, %select_n3A, %dma_start3A_129, %dma_start3A_133] : memref<3x6400x8x128xf32, #tpu.memory_space<hbm>> -> memref<1x10x1x128xf32, #tpu.memory_space<hbm>>
        %dma_start3A_135 = tpu.memref_squeeze %dma_start3A_134 : memref<1x10x1x128xf32, #tpu.memory_space<hbm>> -> memref<10x128xf32, #tpu.memory_space<hbm>>
        %dma_start3A_136 = arith.constant 0 : i32
        %dma_start3A_137 = tpu.memref_slice %arg12[%dma_start3A_128, %select_n3A, %dma_start3A_129, %dma_start3A_136] : memref<3x6400x8x128xf32, #tpu.memory_space<hbm>> -> memref<1x10x1x128xf32, #tpu.memory_space<hbm>>
        %dma_start3A_138 = tpu.memref_squeeze %dma_start3A_137 : memref<1x10x1x128xf32, #tpu.memory_space<hbm>> -> memref<10x128xf32, #tpu.memory_space<hbm>>
        %dma_start3A_139 = arith.constant 20 : i32
        %dma_start3A_140 = arith.constant 0 : i32
        %dma_start3A_141 = tpu.memref_slice %arg15[%dma_start3A_139, %dma_start3A_140] : memref<150x128xf32, #tpu.memory_space<vmem>> -> memref<10x128xf32, #tpu.memory_space<vmem>>
        tpu.enqueue_dma source(%dma_start3A_141 : memref<10x128xf32, #tpu.memory_space<vmem>>) target(%dma_start3A_138 : memref<10x128xf32, #tpu.memory_space<hbm>>) target_semaphore(%arg16 : memref<!tpu.dma_semaphore, #tpu.memory_space<semaphore_mem>>)
        %dma_start3A_142 = arith.constant 0 : i32
        %dma_start3A_143 = arith.constant 6 : i32
        %dma_start3A_144 = arith.constant 30 : i32
        %dma_start3A_145 = arith.constant 0 : i32
        %dma_start3A_146 = tpu.memref_slice %arg15[%dma_start3A_144, %dma_start3A_145] : memref<150x128xf32, #tpu.memory_space<vmem>> -> memref<10x128xf32, #tpu.memory_space<vmem>>
        %dma_start3A_147 = arith.constant 0 : i32
        %dma_start3A_148 = tpu.memref_slice %arg12[%dma_start3A_142, %select_n3A, %dma_start3A_143, %dma_start3A_147] : memref<3x6400x8x128xf32, #tpu.memory_space<hbm>> -> memref<1x10x1x128xf32, #tpu.memory_space<hbm>>
        %dma_start3A_149 = tpu.memref_squeeze %dma_start3A_148 : memref<1x10x1x128xf32, #tpu.memory_space<hbm>> -> memref<10x128xf32, #tpu.memory_space<hbm>>
        %dma_start3A_150 = arith.constant 0 : i32
        %dma_start3A_151 = tpu.memref_slice %arg12[%dma_start3A_142, %select_n3A, %dma_start3A_143, %dma_start3A_150] : memref<3x6400x8x128xf32, #tpu.memory_space<hbm>> -> memref<1x10x1x128xf32, #tpu.memory_space<hbm>>
        %dma_start3A_152 = tpu.memref_squeeze %dma_start3A_151 : memref<1x10x1x128xf32, #tpu.memory_space<hbm>> -> memref<10x128xf32, #tpu.memory_space<hbm>>
        %dma_start3A_153 = arith.constant 30 : i32
        %dma_start3A_154 = arith.constant 0 : i32
        %dma_start3A_155 = tpu.memref_slice %arg15[%dma_start3A_153, %dma_start3A_154] : memref<150x128xf32, #tpu.memory_space<vmem>> -> memref<10x128xf32, #tpu.memory_space<vmem>>
        tpu.enqueue_dma source(%dma_start3A_155 : memref<10x128xf32, #tpu.memory_space<vmem>>) target(%dma_start3A_152 : memref<10x128xf32, #tpu.memory_space<hbm>>) target_semaphore(%arg16 : memref<!tpu.dma_semaphore, #tpu.memory_space<semaphore_mem>>)
        %dma_start3A_156 = arith.constant 0 : i32
        %dma_start3A_157 = arith.constant 7 : i32
        %dma_start3A_158 = arith.constant 40 : i32
        %dma_start3A_159 = arith.constant 0 : i32
        %dma_start3A_160 = tpu.memref_slice %arg15[%dma_start3A_158, %dma_start3A_159] : memref<150x128xf32, #tpu.memory_space<vmem>> -> memref<10x128xf32, #tpu.memory_space<vmem>>
        %dma_start3A_161 = arith.constant 0 : i32
        %dma_start3A_162 = tpu.memref_slice %arg12[%dma_start3A_156, %select_n3A, %dma_start3A_157, %dma_start3A_161] : memref<3x6400x8x128xf32, #tpu.memory_space<hbm>> -> memref<1x10x1x128xf32, #tpu.memory_space<hbm>>
        %dma_start3A_163 = tpu.memref_squeeze %dma_start3A_162 : memref<1x10x1x128xf32, #tpu.memory_space<hbm>> -> memref<10x128xf32, #tpu.memory_space<hbm>>
        %dma_start3A_164 = arith.constant 0 : i32
        %dma_start3A_165 = tpu.memref_slice %arg12[%dma_start3A_156, %select_n3A, %dma_start3A_157, %dma_start3A_164] : memref<3x6400x8x128xf32, #tpu.memory_space<hbm>> -> memref<1x10x1x128xf32, #tpu.memory_space<hbm>>
        %dma_start3A_166 = tpu.memref_squeeze %dma_start3A_165 : memref<1x10x1x128xf32, #tpu.memory_space<hbm>> -> memref<10x128xf32, #tpu.memory_space<hbm>>
        %dma_start3A_167 = arith.constant 40 : i32
        %dma_start3A_168 = arith.constant 0 : i32
        %dma_start3A_169 = tpu.memref_slice %arg15[%dma_start3A_167, %dma_start3A_168] : memref<150x128xf32, #tpu.memory_space<vmem>> -> memref<10x128xf32, #tpu.memory_space<vmem>>
        tpu.enqueue_dma source(%dma_start3A_169 : memref<10x128xf32, #tpu.memory_space<vmem>>) target(%dma_start3A_166 : memref<10x128xf32, #tpu.memory_space<hbm>>) target_semaphore(%arg16 : memref<!tpu.dma_semaphore, #tpu.memory_space<semaphore_mem>>)
        %dma_start3A_170 = arith.constant 1 : i32
        %dma_start3A_171 = arith.constant 0 : i32
        %dma_start3A_172 = arith.constant 50 : i32
        %dma_start3A_173 = arith.constant 0 : i32
        %dma_start3A_174 = tpu.memref_slice %arg15[%dma_start3A_172, %dma_start3A_173] : memref<150x128xf32, #tpu.memory_space<vmem>> -> memref<10x128xf32, #tpu.memory_space<vmem>>
        %dma_start3A_175 = arith.constant 0 : i32
        %dma_start3A_176 = tpu.memref_slice %arg12[%dma_start3A_170, %select_n3A, %dma_start3A_171, %dma_start3A_175] : memref<3x6400x8x128xf32, #tpu.memory_space<hbm>> -> memref<1x10x1x128xf32, #tpu.memory_space<hbm>>
        %dma_start3A_177 = tpu.memref_squeeze %dma_start3A_176 : memref<1x10x1x128xf32, #tpu.memory_space<hbm>> -> memref<10x128xf32, #tpu.memory_space<hbm>>
        %dma_start3A_178 = arith.constant 0 : i32
        %dma_start3A_179 = tpu.memref_slice %arg12[%dma_start3A_170, %select_n3A, %dma_start3A_171, %dma_start3A_178] : memref<3x6400x8x128xf32, #tpu.memory_space<hbm>> -> memref<1x10x1x128xf32, #tpu.memory_space<hbm>>
        %dma_start3A_180 = tpu.memref_squeeze %dma_start3A_179 : memref<1x10x1x128xf32, #tpu.memory_space<hbm>> -> memref<10x128xf32, #tpu.memory_space<hbm>>
        %dma_start3A_181 = arith.constant 50 : i32
        %dma_start3A_182 = arith.constant 0 : i32
        %dma_start3A_183 = tpu.memref_slice %arg15[%dma_start3A_181, %dma_start3A_182] : memref<150x128xf32, #tpu.memory_space<vmem>> -> memref<10x128xf32, #tpu.memory_space<vmem>>
        tpu.enqueue_dma source(%dma_start3A_183 : memref<10x128xf32, #tpu.memory_space<vmem>>) target(%dma_start3A_180 : memref<10x128xf32, #tpu.memory_space<hbm>>) target_semaphore(%arg16 : memref<!tpu.dma_semaphore, #tpu.memory_space<semaphore_mem>>)
        %dma_start3A_184 = arith.constant 1 : i32
        %dma_start3A_185 = arith.constant 1 : i32
        %dma_start3A_186 = arith.constant 60 : i32
        %dma_start3A_187 = arith.constant 0 : i32
        %dma_start3A_188 = tpu.memref_slice %arg15[%dma_start3A_186, %dma_start3A_187] : memref<150x128xf32, #tpu.memory_space<vmem>> -> memref<10x128xf32, #tpu.memory_space<vmem>>
        %dma_start3A_189 = arith.constant 0 : i32
        %dma_start3A_190 = tpu.memref_slice %arg12[%dma_start3A_184, %select_n3A, %dma_start3A_185, %dma_start3A_189] : memref<3x6400x8x128xf32, #tpu.memory_space<hbm>> -> memref<1x10x1x128xf32, #tpu.memory_space<hbm>>
        %dma_start3A_191 = tpu.memref_squeeze %dma_start3A_190 : memref<1x10x1x128xf32, #tpu.memory_space<hbm>> -> memref<10x128xf32, #tpu.memory_space<hbm>>
        %dma_start3A_192 = arith.constant 0 : i32
        %dma_start3A_193 = tpu.memref_slice %arg12[%dma_start3A_184, %select_n3A, %dma_start3A_185, %dma_start3A_192] : memref<3x6400x8x128xf32, #tpu.memory_space<hbm>> -> memref<1x10x1x128xf32, #tpu.memory_space<hbm>>
        %dma_start3A_194 = tpu.memref_squeeze %dma_start3A_193 : memref<1x10x1x128xf32, #tpu.memory_space<hbm>> -> memref<10x128xf32, #tpu.memory_space<hbm>>
        %dma_start3A_195 = arith.constant 60 : i32
        %dma_start3A_196 = arith.constant 0 : i32
        %dma_start3A_197 = tpu.memref_slice %arg15[%dma_start3A_195, %dma_start3A_196] : memref<150x128xf32, #tpu.memory_space<vmem>> -> memref<10x128xf32, #tpu.memory_space<vmem>>
        tpu.enqueue_dma source(%dma_start3A_197 : memref<10x128xf32, #tpu.memory_space<vmem>>) target(%dma_start3A_194 : memref<10x128xf32, #tpu.memory_space<hbm>>) target_semaphore(%arg16 : memref<!tpu.dma_semaphore, #tpu.memory_space<semaphore_mem>>)
        %dma_start3A_198 = arith.constant 1 : i32
        %dma_start3A_199 = arith.constant 2 : i32
        %dma_start3A_200 = arith.constant 70 : i32
        %dma_start3A_201 = arith.constant 0 : i32
        %dma_start3A_202 = tpu.memref_slice %arg15[%dma_start3A_200, %dma_start3A_201] : memref<150x128xf32, #tpu.memory_space<vmem>> -> memref<10x128xf32, #tpu.memory_space<vmem>>
        %dma_start3A_203 = arith.constant 0 : i32
        %dma_start3A_204 = tpu.memref_slice %arg12[%dma_start3A_198, %select_n3A, %dma_start3A_199, %dma_start3A_203] : memref<3x6400x8x128xf32, #tpu.memory_space<hbm>> -> memref<1x10x1x128xf32, #tpu.memory_space<hbm>>
        %dma_start3A_205 = tpu.memref_squeeze %dma_start3A_204 : memref<1x10x1x128xf32, #tpu.memory_space<hbm>> -> memref<10x128xf32, #tpu.memory_space<hbm>>
        %dma_start3A_206 = arith.constant 0 : i32
        %dma_start3A_207 = tpu.memref_slice %arg12[%dma_start3A_198, %select_n3A, %dma_start3A_199, %dma_start3A_206] : memref<3x6400x8x128xf32, #tpu.memory_space<hbm>> -> memref<1x10x1x128xf32, #tpu.memory_space<hbm>>
        %dma_start3A_208 = tpu.memref_squeeze %dma_start3A_207 : memref<1x10x1x128xf32, #tpu.memory_space<hbm>> -> memref<10x128xf32, #tpu.memory_space<hbm>>
        %dma_start3A_209 = arith.constant 70 : i32
        %dma_start3A_210 = arith.constant 0 : i32
        %dma_start3A_211 = tpu.memref_slice %arg15[%dma_start3A_209, %dma_start3A_210] : memref<150x128xf32, #tpu.memory_space<vmem>> -> memref<10x128xf32, #tpu.memory_space<vmem>>
        tpu.enqueue_dma source(%dma_start3A_211 : memref<10x128xf32, #tpu.memory_space<vmem>>) target(%dma_start3A_208 : memref<10x128xf32, #tpu.memory_space<hbm>>) target_semaphore(%arg16 : memref<!tpu.dma_semaphore, #tpu.memory_space<semaphore_mem>>)
        %dma_start3A_212 = arith.constant 1 : i32
        %dma_start3A_213 = arith.constant 3 : i32
        %dma_start3A_214 = arith.constant 80 : i32
        %dma_start3A_215 = arith.constant 0 : i32
        %dma_start3A_216 = tpu.memref_slice %arg15[%dma_start3A_214, %dma_start3A_215] : memref<150x128xf32, #tpu.memory_space<vmem>> -> memref<10x128xf32, #tpu.memory_space<vmem>>
        %dma_start3A_217 = arith.constant 0 : i32
        %dma_start3A_218 = tpu.memref_slice %arg12[%dma_start3A_212, %select_n3A, %dma_start3A_213, %dma_start3A_217] : memref<3x6400x8x128xf32, #tpu.memory_space<hbm>> -> memref<1x10x1x128xf32, #tpu.memory_space<hbm>>
        %dma_start3A_219 = tpu.memref_squeeze %dma_start3A_218 : memref<1x10x1x128xf32, #tpu.memory_space<hbm>> -> memref<10x128xf32, #tpu.memory_space<hbm>>
        %dma_start3A_220 = arith.constant 0 : i32
        %dma_start3A_221 = tpu.memref_slice %arg12[%dma_start3A_212, %select_n3A, %dma_start3A_213, %dma_start3A_220] : memref<3x6400x8x128xf32, #tpu.memory_space<hbm>> -> memref<1x10x1x128xf32, #tpu.memory_space<hbm>>
        %dma_start3A_222 = tpu.memref_squeeze %dma_start3A_221 : memref<1x10x1x128xf32, #tpu.memory_space<hbm>> -> memref<10x128xf32, #tpu.memory_space<hbm>>
        %dma_start3A_223 = arith.constant 80 : i32
        %dma_start3A_224 = arith.constant 0 : i32
        %dma_start3A_225 = tpu.memref_slice %arg15[%dma_start3A_223, %dma_start3A_224] : memref<150x128xf32, #tpu.memory_space<vmem>> -> memref<10x128xf32, #tpu.memory_space<vmem>>
        tpu.enqueue_dma source(%dma_start3A_225 : memref<10x128xf32, #tpu.memory_space<vmem>>) target(%dma_start3A_222 : memref<10x128xf32, #tpu.memory_space<hbm>>) target_semaphore(%arg16 : memref<!tpu.dma_semaphore, #tpu.memory_space<semaphore_mem>>)
        %dma_start3A_226 = arith.constant 1 : i32
        %dma_start3A_227 = arith.constant 4 : i32
        %dma_start3A_228 = arith.constant 90 : i32
        %dma_start3A_229 = arith.constant 0 : i32
        %dma_start3A_230 = tpu.memref_slice %arg15[%dma_start3A_228, %dma_start3A_229] : memref<150x128xf32, #tpu.memory_space<vmem>> -> memref<10x128xf32, #tpu.memory_space<vmem>>
        %dma_start3A_231 = arith.constant 0 : i32
        %dma_start3A_232 = tpu.memref_slice %arg12[%dma_start3A_226, %select_n3A, %dma_start3A_227, %dma_start3A_231] : memref<3x6400x8x128xf32, #tpu.memory_space<hbm>> -> memref<1x10x1x128xf32, #tpu.memory_space<hbm>>
        %dma_start3A_233 = tpu.memref_squeeze %dma_start3A_232 : memref<1x10x1x128xf32, #tpu.memory_space<hbm>> -> memref<10x128xf32, #tpu.memory_space<hbm>>
        %dma_start3A_234 = arith.constant 0 : i32
        %dma_start3A_235 = tpu.memref_slice %arg12[%dma_start3A_226, %select_n3A, %dma_start3A_227, %dma_start3A_234] : memref<3x6400x8x128xf32, #tpu.memory_space<hbm>> -> memref<1x10x1x128xf32, #tpu.memory_space<hbm>>
        %dma_start3A_236 = tpu.memref_squeeze %dma_start3A_235 : memref<1x10x1x128xf32, #tpu.memory_space<hbm>> -> memref<10x128xf32, #tpu.memory_space<hbm>>
        %dma_start3A_237 = arith.constant 90 : i32
        %dma_start3A_238 = arith.constant 0 : i32
        %dma_start3A_239 = tpu.memref_slice %arg15[%dma_start3A_237, %dma_start3A_238] : memref<150x128xf32, #tpu.memory_space<vmem>> -> memref<10x128xf32, #tpu.memory_space<vmem>>
        tpu.enqueue_dma source(%dma_start3A_239 : memref<10x128xf32, #tpu.memory_space<vmem>>) target(%dma_start3A_236 : memref<10x128xf32, #tpu.memory_space<hbm>>) target_semaphore(%arg16 : memref<!tpu.dma_semaphore, #tpu.memory_space<semaphore_mem>>)
        %dma_start3A_240 = arith.constant 1 : i32
        %dma_start3A_241 = arith.constant 5 : i32
        %dma_start3A_242 = arith.constant 100 : i32
        %dma_start3A_243 = arith.constant 0 : i32
        %dma_start3A_244 = tpu.memref_slice %arg15[%dma_start3A_242, %dma_start3A_243] : memref<150x128xf32, #tpu.memory_space<vmem>> -> memref<10x128xf32, #tpu.memory_space<vmem>>
        %dma_start3A_245 = arith.constant 0 : i32
        %dma_start3A_246 = tpu.memref_slice %arg12[%dma_start3A_240, %select_n3A, %dma_start3A_241, %dma_start3A_245] : memref<3x6400x8x128xf32, #tpu.memory_space<hbm>> -> memref<1x10x1x128xf32, #tpu.memory_space<hbm>>
        %dma_start3A_247 = tpu.memref_squeeze %dma_start3A_246 : memref<1x10x1x128xf32, #tpu.memory_space<hbm>> -> memref<10x128xf32, #tpu.memory_space<hbm>>
        %dma_start3A_248 = arith.constant 0 : i32
        %dma_start3A_249 = tpu.memref_slice %arg12[%dma_start3A_240, %select_n3A, %dma_start3A_241, %dma_start3A_248] : memref<3x6400x8x128xf32, #tpu.memory_space<hbm>> -> memref<1x10x1x128xf32, #tpu.memory_space<hbm>>
        %dma_start3A_250 = tpu.memref_squeeze %dma_start3A_249 : memref<1x10x1x128xf32, #tpu.memory_space<hbm>> -> memref<10x128xf32, #tpu.memory_space<hbm>>
        %dma_start3A_251 = arith.constant 100 : i32
        %dma_start3A_252 = arith.constant 0 : i32
        %dma_start3A_253 = tpu.memref_slice %arg15[%dma_start3A_251, %dma_start3A_252] : memref<150x128xf32, #tpu.memory_space<vmem>> -> memref<10x128xf32, #tpu.memory_space<vmem>>
        tpu.enqueue_dma source(%dma_start3A_253 : memref<10x128xf32, #tpu.memory_space<vmem>>) target(%dma_start3A_250 : memref<10x128xf32, #tpu.memory_space<hbm>>) target_semaphore(%arg16 : memref<!tpu.dma_semaphore, #tpu.memory_space<semaphore_mem>>)
        %dma_start3A_254 = arith.constant 1 : i32
        %dma_start3A_255 = arith.constant 6 : i32
        %dma_start3A_256 = arith.constant 110 : i32
        %dma_start3A_257 = arith.constant 0 : i32
        %dma_start3A_258 = tpu.memref_slice %arg15[%dma_start3A_256, %dma_start3A_257] : memref<150x128xf32, #tpu.memory_space<vmem>> -> memref<10x128xf32, #tpu.memory_space<vmem>>
        %dma_start3A_259 = arith.constant 0 : i32
        %dma_start3A_260 = tpu.memref_slice %arg12[%dma_start3A_254, %select_n3A, %dma_start3A_255, %dma_start3A_259] : memref<3x6400x8x128xf32, #tpu.memory_space<hbm>> -> memref<1x10x1x128xf32, #tpu.memory_space<hbm>>
        %dma_start3A_261 = tpu.memref_squeeze %dma_start3A_260 : memref<1x10x1x128xf32, #tpu.memory_space<hbm>> -> memref<10x128xf32, #tpu.memory_space<hbm>>
        %dma_start3A_262 = arith.constant 0 : i32
        %dma_start3A_263 = tpu.memref_slice %arg12[%dma_start3A_254, %select_n3A, %dma_start3A_255, %dma_start3A_262] : memref<3x6400x8x128xf32, #tpu.memory_space<hbm>> -> memref<1x10x1x128xf32, #tpu.memory_space<hbm>>
        %dma_start3A_264 = tpu.memref_squeeze %dma_start3A_263 : memref<1x10x1x128xf32, #tpu.memory_space<hbm>> -> memref<10x128xf32, #tpu.memory_space<hbm>>
        %dma_start3A_265 = arith.constant 110 : i32
        %dma_start3A_266 = arith.constant 0 : i32
        %dma_start3A_267 = tpu.memref_slice %arg15[%dma_start3A_265, %dma_start3A_266] : memref<150x128xf32, #tpu.memory_space<vmem>> -> memref<10x128xf32, #tpu.memory_space<vmem>>
        tpu.enqueue_dma source(%dma_start3A_267 : memref<10x128xf32, #tpu.memory_space<vmem>>) target(%dma_start3A_264 : memref<10x128xf32, #tpu.memory_space<hbm>>) target_semaphore(%arg16 : memref<!tpu.dma_semaphore, #tpu.memory_space<semaphore_mem>>)
        %dma_start3A_268 = arith.constant 1 : i32
        %dma_start3A_269 = arith.constant 7 : i32
        %dma_start3A_270 = arith.constant 120 : i32
        %dma_start3A_271 = arith.constant 0 : i32
        %dma_start3A_272 = tpu.memref_slice %arg15[%dma_start3A_270, %dma_start3A_271] : memref<150x128xf32, #tpu.memory_space<vmem>> -> memref<10x128xf32, #tpu.memory_space<vmem>>
        %dma_start3A_273 = arith.constant 0 : i32
        %dma_start3A_274 = tpu.memref_slice %arg12[%dma_start3A_268, %select_n3A, %dma_start3A_269, %dma_start3A_273] : memref<3x6400x8x128xf32, #tpu.memory_space<hbm>> -> memref<1x10x1x128xf32, #tpu.memory_space<hbm>>
        %dma_start3A_275 = tpu.memref_squeeze %dma_start3A_274 : memref<1x10x1x128xf32, #tpu.memory_space<hbm>> -> memref<10x128xf32, #tpu.memory_space<hbm>>
        %dma_start3A_276 = arith.constant 0 : i32
        %dma_start3A_277 = tpu.memref_slice %arg12[%dma_start3A_268, %select_n3A, %dma_start3A_269, %dma_start3A_276] : memref<3x6400x8x128xf32, #tpu.memory_space<hbm>> -> memref<1x10x1x128xf32, #tpu.memory_space<hbm>>
        %dma_start3A_278 = tpu.memref_squeeze %dma_start3A_277 : memref<1x10x1x128xf32, #tpu.memory_space<hbm>> -> memref<10x128xf32, #tpu.memory_space<hbm>>
        %dma_start3A_279 = arith.constant 120 : i32
        %dma_start3A_280 = arith.constant 0 : i32
        %dma_start3A_281 = tpu.memref_slice %arg15[%dma_start3A_279, %dma_start3A_280] : memref<150x128xf32, #tpu.memory_space<vmem>> -> memref<10x128xf32, #tpu.memory_space<vmem>>
        tpu.enqueue_dma source(%dma_start3A_281 : memref<10x128xf32, #tpu.memory_space<vmem>>) target(%dma_start3A_278 : memref<10x128xf32, #tpu.memory_space<hbm>>) target_semaphore(%arg16 : memref<!tpu.dma_semaphore, #tpu.memory_space<semaphore_mem>>)
        %dma_start3A_282 = arith.constant 2 : i32
        %dma_start3A_283 = arith.constant 0 : i32
        %dma_start3A_284 = arith.constant 130 : i32
        %dma_start3A_285 = arith.constant 0 : i32
        %dma_start3A_286 = tpu.memref_slice %arg15[%dma_start3A_284, %dma_start3A_285] : memref<150x128xf32, #tpu.memory_space<vmem>> -> memref<10x128xf32, #tpu.memory_space<vmem>>
        %dma_start3A_287 = arith.constant 0 : i32
        %dma_start3A_288 = tpu.memref_slice %arg12[%dma_start3A_282, %select_n3A, %dma_start3A_283, %dma_start3A_287] : memref<3x6400x8x128xf32, #tpu.memory_space<hbm>> -> memref<1x10x1x128xf32, #tpu.memory_space<hbm>>
        %dma_start3A_289 = tpu.memref_squeeze %dma_start3A_288 : memref<1x10x1x128xf32, #tpu.memory_space<hbm>> -> memref<10x128xf32, #tpu.memory_space<hbm>>
        %dma_start3A_290 = arith.constant 0 : i32
        %dma_start3A_291 = tpu.memref_slice %arg12[%dma_start3A_282, %select_n3A, %dma_start3A_283, %dma_start3A_290] : memref<3x6400x8x128xf32, #tpu.memory_space<hbm>> -> memref<1x10x1x128xf32, #tpu.memory_space<hbm>>
        %dma_start3A_292 = tpu.memref_squeeze %dma_start3A_291 : memref<1x10x1x128xf32, #tpu.memory_space<hbm>> -> memref<10x128xf32, #tpu.memory_space<hbm>>
        %dma_start3A_293 = arith.constant 130 : i32
        %dma_start3A_294 = arith.constant 0 : i32
        %dma_start3A_295 = tpu.memref_slice %arg15[%dma_start3A_293, %dma_start3A_294] : memref<150x128xf32, #tpu.memory_space<vmem>> -> memref<10x128xf32, #tpu.memory_space<vmem>>
        tpu.enqueue_dma source(%dma_start3A_295 : memref<10x128xf32, #tpu.memory_space<vmem>>) target(%dma_start3A_292 : memref<10x128xf32, #tpu.memory_space<hbm>>) target_semaphore(%arg16 : memref<!tpu.dma_semaphore, #tpu.memory_space<semaphore_mem>>)
        %dma_start3A_296 = arith.constant 2 : i32
        %dma_start3A_297 = arith.constant 1 : i32
        %dma_start3A_298 = arith.constant 140 : i32
        %dma_start3A_299 = arith.constant 0 : i32
        %dma_start3A_300 = tpu.memref_slice %arg15[%dma_start3A_298, %dma_start3A_299] : memref<150x128xf32, #tpu.memory_space<vmem>> -> memref<10x128xf32, #tpu.memory_space<vmem>>
        %dma_start3A_301 = arith.constant 0 : i32
        %dma_start3A_302 = tpu.memref_slice %arg12[%dma_start3A_296, %select_n3A, %dma_start3A_297, %dma_start3A_301] : memref<3x6400x8x128xf32, #tpu.memory_space<hbm>> -> memref<1x10x1x128xf32, #tpu.memory_space<hbm>>
        %dma_start3A_303 = tpu.memref_squeeze %dma_start3A_302 : memref<1x10x1x128xf32, #tpu.memory_space<hbm>> -> memref<10x128xf32, #tpu.memory_space<hbm>>
        %dma_start3A_304 = arith.constant 0 : i32
        %dma_start3A_305 = tpu.memref_slice %arg12[%dma_start3A_296, %select_n3A, %dma_start3A_297, %dma_start3A_304] : memref<3x6400x8x128xf32, #tpu.memory_space<hbm>> -> memref<1x10x1x128xf32, #tpu.memory_space<hbm>>
        %dma_start3A_306 = tpu.memref_squeeze %dma_start3A_305 : memref<1x10x1x128xf32, #tpu.memory_space<hbm>> -> memref<10x128xf32, #tpu.memory_space<hbm>>
        %dma_start3A_307 = arith.constant 140 : i32
        %dma_start3A_308 = arith.constant 0 : i32
        %dma_start3A_309 = tpu.memref_slice %arg15[%dma_start3A_307, %dma_start3A_308] : memref<150x128xf32, #tpu.memory_space<vmem>> -> memref<10x128xf32, #tpu.memory_space<vmem>>
        tpu.enqueue_dma source(%dma_start3A_309 : memref<10x128xf32, #tpu.memory_space<vmem>>) target(%dma_start3A_306 : memref<10x128xf32, #tpu.memory_space<hbm>>) target_semaphore(%arg16 : memref<!tpu.dma_semaphore, #tpu.memory_space<semaphore_mem>>)
        %dma_wait3A_310 = arith.constant 0 : i32
        %dma_wait3A_311 = arith.constant 3 : i32
        %dma_wait3A_312 = arith.constant 0 : i32
        %dma_wait3A_313 = arith.constant 0 : i32
        %dma_wait3A_314 = tpu.memref_slice %arg15[%dma_wait3A_312, %dma_wait3A_313] : memref<150x128xf32, #tpu.memory_space<vmem>> -> memref<10x128xf32, #tpu.memory_space<vmem>>
        %dma_wait3A_315 = arith.constant 0 : i32
        %dma_wait3A_316 = tpu.memref_slice %arg12[%dma_wait3A_310, %select_n3A, %dma_wait3A_311, %dma_wait3A_315] : memref<3x6400x8x128xf32, #tpu.memory_space<hbm>> -> memref<1x10x1x128xf32, #tpu.memory_space<hbm>>
        %dma_wait3A_317 = tpu.memref_squeeze %dma_wait3A_316 : memref<1x10x1x128xf32, #tpu.memory_space<hbm>> -> memref<10x128xf32, #tpu.memory_space<hbm>>
        %dma_wait3A_318 = arith.constant 0 : i32
        %dma_wait3A_319 = tpu.memref_slice %arg12[%dma_wait3A_310, %select_n3A, %dma_wait3A_311, %dma_wait3A_318] : memref<3x6400x8x128xf32, #tpu.memory_space<hbm>> -> memref<1x10x1x128xf32, #tpu.memory_space<hbm>>
        %dma_wait3A_320 = tpu.memref_squeeze %dma_wait3A_319 : memref<1x10x1x128xf32, #tpu.memory_space<hbm>> -> memref<10x128xf32, #tpu.memory_space<hbm>>
        %dma_wait3A_321 = arith.constant 0 : i32
        %dma_wait3A_322 = arith.constant 0 : i32
        %dma_wait3A_323 = tpu.memref_slice %arg15[%dma_wait3A_321, %dma_wait3A_322] : memref<150x128xf32, #tpu.memory_space<vmem>> -> memref<10x128xf32, #tpu.memory_space<vmem>>
        tpu.wait_dma2 semaphore(%arg16 : memref<!tpu.dma_semaphore, #tpu.memory_space<semaphore_mem>>) src(%dma_wait3A_323 : memref<10x128xf32, #tpu.memory_space<vmem>>) dst(%dma_wait3A_320 : memref<10x128xf32, #tpu.memory_space<hbm>>)
        %dma_wait3A_324 = arith.constant 0 : i32
        %dma_wait3A_325 = arith.constant 4 : i32
        %dma_wait3A_326 = arith.constant 10 : i32
        %dma_wait3A_327 = arith.constant 0 : i32
        %dma_wait3A_328 = tpu.memref_slice %arg15[%dma_wait3A_326, %dma_wait3A_327] : memref<150x128xf32, #tpu.memory_space<vmem>> -> memref<10x128xf32, #tpu.memory_space<vmem>>
        %dma_wait3A_329 = arith.constant 0 : i32
        %dma_wait3A_330 = tpu.memref_slice %arg12[%dma_wait3A_324, %select_n3A, %dma_wait3A_325, %dma_wait3A_329] : memref<3x6400x8x128xf32, #tpu.memory_space<hbm>> -> memref<1x10x1x128xf32, #tpu.memory_space<hbm>>
        %dma_wait3A_331 = tpu.memref_squeeze %dma_wait3A_330 : memref<1x10x1x128xf32, #tpu.memory_space<hbm>> -> memref<10x128xf32, #tpu.memory_space<hbm>>
        %dma_wait3A_332 = arith.constant 0 : i32
        %dma_wait3A_333 = tpu.memref_slice %arg12[%dma_wait3A_324, %select_n3A, %dma_wait3A_325, %dma_wait3A_332] : memref<3x6400x8x128xf32, #tpu.memory_space<hbm>> -> memref<1x10x1x128xf32, #tpu.memory_space<hbm>>
        %dma_wait3A_334 = tpu.memref_squeeze %dma_wait3A_333 : memref<1x10x1x128xf32, #tpu.memory_space<hbm>> -> memref<10x128xf32, #tpu.memory_space<hbm>>
        %dma_wait3A_335 = arith.constant 10 : i32
        %dma_wait3A_336 = arith.constant 0 : i32
        %dma_wait3A_337 = tpu.memref_slice %arg15[%dma_wait3A_335, %dma_wait3A_336] : memref<150x128xf32, #tpu.memory_space<vmem>> -> memref<10x128xf32, #tpu.memory_space<vmem>>
        tpu.wait_dma2 semaphore(%arg16 : memref<!tpu.dma_semaphore, #tpu.memory_space<semaphore_mem>>) src(%dma_wait3A_337 : memref<10x128xf32, #tpu.memory_space<vmem>>) dst(%dma_wait3A_334 : memref<10x128xf32, #tpu.memory_space<hbm>>)
        %dma_wait3A_338 = arith.constant 0 : i32
        %dma_wait3A_339 = arith.constant 5 : i32
        %dma_wait3A_340 = arith.constant 20 : i32
        %dma_wait3A_341 = arith.constant 0 : i32
        %dma_wait3A_342 = tpu.memref_slice %arg15[%dma_wait3A_340, %dma_wait3A_341] : memref<150x128xf32, #tpu.memory_space<vmem>> -> memref<10x128xf32, #tpu.memory_space<vmem>>
        %dma_wait3A_343 = arith.constant 0 : i32
        %dma_wait3A_344 = tpu.memref_slice %arg12[%dma_wait3A_338, %select_n3A, %dma_wait3A_339, %dma_wait3A_343] : memref<3x6400x8x128xf32, #tpu.memory_space<hbm>> -> memref<1x10x1x128xf32, #tpu.memory_space<hbm>>
        %dma_wait3A_345 = tpu.memref_squeeze %dma_wait3A_344 : memref<1x10x1x128xf32, #tpu.memory_space<hbm>> -> memref<10x128xf32, #tpu.memory_space<hbm>>
        %dma_wait3A_346 = arith.constant 0 : i32
        %dma_wait3A_347 = tpu.memref_slice %arg12[%dma_wait3A_338, %select_n3A, %dma_wait3A_339, %dma_wait3A_346] : memref<3x6400x8x128xf32, #tpu.memory_space<hbm>> -> memref<1x10x1x128xf32, #tpu.memory_space<hbm>>
        %dma_wait3A_348 = tpu.memref_squeeze %dma_wait3A_347 : memref<1x10x1x128xf32, #tpu.memory_space<hbm>> -> memref<10x128xf32, #tpu.memory_space<hbm>>
        %dma_wait3A_349 = arith.constant 20 : i32
        %dma_wait3A_350 = arith.constant 0 : i32
        %dma_wait3A_351 = tpu.memref_slice %arg15[%dma_wait3A_349, %dma_wait3A_350] : memref<150x128xf32, #tpu.memory_space<vmem>> -> memref<10x128xf32, #tpu.memory_space<vmem>>
        tpu.wait_dma2 semaphore(%arg16 : memref<!tpu.dma_semaphore, #tpu.memory_space<semaphore_mem>>) src(%dma_wait3A_351 : memref<10x128xf32, #tpu.memory_space<vmem>>) dst(%dma_wait3A_348 : memref<10x128xf32, #tpu.memory_space<hbm>>)
        %dma_wait3A_352 = arith.constant 0 : i32
        %dma_wait3A_353 = arith.constant 6 : i32
        %dma_wait3A_354 = arith.constant 30 : i32
        %dma_wait3A_355 = arith.constant 0 : i32
        %dma_wait3A_356 = tpu.memref_slice %arg15[%dma_wait3A_354, %dma_wait3A_355] : memref<150x128xf32, #tpu.memory_space<vmem>> -> memref<10x128xf32, #tpu.memory_space<vmem>>
        %dma_wait3A_357 = arith.constant 0 : i32
        %dma_wait3A_358 = tpu.memref_slice %arg12[%dma_wait3A_352, %select_n3A, %dma_wait3A_353, %dma_wait3A_357] : memref<3x6400x8x128xf32, #tpu.memory_space<hbm>> -> memref<1x10x1x128xf32, #tpu.memory_space<hbm>>
        %dma_wait3A_359 = tpu.memref_squeeze %dma_wait3A_358 : memref<1x10x1x128xf32, #tpu.memory_space<hbm>> -> memref<10x128xf32, #tpu.memory_space<hbm>>
        %dma_wait3A_360 = arith.constant 0 : i32
        %dma_wait3A_361 = tpu.memref_slice %arg12[%dma_wait3A_352, %select_n3A, %dma_wait3A_353, %dma_wait3A_360] : memref<3x6400x8x128xf32, #tpu.memory_space<hbm>> -> memref<1x10x1x128xf32, #tpu.memory_space<hbm>>
        %dma_wait3A_362 = tpu.memref_squeeze %dma_wait3A_361 : memref<1x10x1x128xf32, #tpu.memory_space<hbm>> -> memref<10x128xf32, #tpu.memory_space<hbm>>
        %dma_wait3A_363 = arith.constant 30 : i32
        %dma_wait3A_364 = arith.constant 0 : i32
        %dma_wait3A_365 = tpu.memref_slice %arg15[%dma_wait3A_363, %dma_wait3A_364] : memref<150x128xf32, #tpu.memory_space<vmem>> -> memref<10x128xf32, #tpu.memory_space<vmem>>
        tpu.wait_dma2 semaphore(%arg16 : memref<!tpu.dma_semaphore, #tpu.memory_space<semaphore_mem>>) src(%dma_wait3A_365 : memref<10x128xf32, #tpu.memory_space<vmem>>) dst(%dma_wait3A_362 : memref<10x128xf32, #tpu.memory_space<hbm>>)
        %dma_wait3A_366 = arith.constant 0 : i32
        %dma_wait3A_367 = arith.constant 7 : i32
        %dma_wait3A_368 = arith.constant 40 : i32
        %dma_wait3A_369 = arith.constant 0 : i32
        %dma_wait3A_370 = tpu.memref_slice %arg15[%dma_wait3A_368, %dma_wait3A_369] : memref<150x128xf32, #tpu.memory_space<vmem>> -> memref<10x128xf32, #tpu.memory_space<vmem>>
        %dma_wait3A_371 = arith.constant 0 : i32
        %dma_wait3A_372 = tpu.memref_slice %arg12[%dma_wait3A_366, %select_n3A, %dma_wait3A_367, %dma_wait3A_371] : memref<3x6400x8x128xf32, #tpu.memory_space<hbm>> -> memref<1x10x1x128xf32, #tpu.memory_space<hbm>>
        %dma_wait3A_373 = tpu.memref_squeeze %dma_wait3A_372 : memref<1x10x1x128xf32, #tpu.memory_space<hbm>> -> memref<10x128xf32, #tpu.memory_space<hbm>>
        %dma_wait3A_374 = arith.constant 0 : i32
        %dma_wait3A_375 = tpu.memref_slice %arg12[%dma_wait3A_366, %select_n3A, %dma_wait3A_367, %dma_wait3A_374] : memref<3x6400x8x128xf32, #tpu.memory_space<hbm>> -> memref<1x10x1x128xf32, #tpu.memory_space<hbm>>
        %dma_wait3A_376 = tpu.memref_squeeze %dma_wait3A_375 : memref<1x10x1x128xf32, #tpu.memory_space<hbm>> -> memref<10x128xf32, #tpu.memory_space<hbm>>
        %dma_wait3A_377 = arith.constant 40 : i32
        %dma_wait3A_378 = arith.constant 0 : i32
        %dma_wait3A_379 = tpu.memref_slice %arg15[%dma_wait3A_377, %dma_wait3A_378] : memref<150x128xf32, #tpu.memory_space<vmem>> -> memref<10x128xf32, #tpu.memory_space<vmem>>
        tpu.wait_dma2 semaphore(%arg16 : memref<!tpu.dma_semaphore, #tpu.memory_space<semaphore_mem>>) src(%dma_wait3A_379 : memref<10x128xf32, #tpu.memory_space<vmem>>) dst(%dma_wait3A_376 : memref<10x128xf32, #tpu.memory_space<hbm>>)
        %dma_wait3A_380 = arith.constant 1 : i32
        %dma_wait3A_381 = arith.constant 0 : i32
        %dma_wait3A_382 = arith.constant 50 : i32
        %dma_wait3A_383 = arith.constant 0 : i32
        %dma_wait3A_384 = tpu.memref_slice %arg15[%dma_wait3A_382, %dma_wait3A_383] : memref<150x128xf32, #tpu.memory_space<vmem>> -> memref<10x128xf32, #tpu.memory_space<vmem>>
        %dma_wait3A_385 = arith.constant 0 : i32
        %dma_wait3A_386 = tpu.memref_slice %arg12[%dma_wait3A_380, %select_n3A, %dma_wait3A_381, %dma_wait3A_385] : memref<3x6400x8x128xf32, #tpu.memory_space<hbm>> -> memref<1x10x1x128xf32, #tpu.memory_space<hbm>>
        %dma_wait3A_387 = tpu.memref_squeeze %dma_wait3A_386 : memref<1x10x1x128xf32, #tpu.memory_space<hbm>> -> memref<10x128xf32, #tpu.memory_space<hbm>>
        %dma_wait3A_388 = arith.constant 0 : i32
        %dma_wait3A_389 = tpu.memref_slice %arg12[%dma_wait3A_380, %select_n3A, %dma_wait3A_381, %dma_wait3A_388] : memref<3x6400x8x128xf32, #tpu.memory_space<hbm>> -> memref<1x10x1x128xf32, #tpu.memory_space<hbm>>
        %dma_wait3A_390 = tpu.memref_squeeze %dma_wait3A_389 : memref<1x10x1x128xf32, #tpu.memory_space<hbm>> -> memref<10x128xf32, #tpu.memory_space<hbm>>
        %dma_wait3A_391 = arith.constant 50 : i32
        %dma_wait3A_392 = arith.constant 0 : i32
        %dma_wait3A_393 = tpu.memref_slice %arg15[%dma_wait3A_391, %dma_wait3A_392] : memref<150x128xf32, #tpu.memory_space<vmem>> -> memref<10x128xf32, #tpu.memory_space<vmem>>
        tpu.wait_dma2 semaphore(%arg16 : memref<!tpu.dma_semaphore, #tpu.memory_space<semaphore_mem>>) src(%dma_wait3A_393 : memref<10x128xf32, #tpu.memory_space<vmem>>) dst(%dma_wait3A_390 : memref<10x128xf32, #tpu.memory_space<hbm>>)
        %dma_wait3A_394 = arith.constant 1 : i32
        %dma_wait3A_395 = arith.constant 1 : i32
        %dma_wait3A_396 = arith.constant 60 : i32
        %dma_wait3A_397 = arith.constant 0 : i32
        %dma_wait3A_398 = tpu.memref_slice %arg15[%dma_wait3A_396, %dma_wait3A_397] : memref<150x128xf32, #tpu.memory_space<vmem>> -> memref<10x128xf32, #tpu.memory_space<vmem>>
        %dma_wait3A_399 = arith.constant 0 : i32
        %dma_wait3A_400 = tpu.memref_slice %arg12[%dma_wait3A_394, %select_n3A, %dma_wait3A_395, %dma_wait3A_399] : memref<3x6400x8x128xf32, #tpu.memory_space<hbm>> -> memref<1x10x1x128xf32, #tpu.memory_space<hbm>>
        %dma_wait3A_401 = tpu.memref_squeeze %dma_wait3A_400 : memref<1x10x1x128xf32, #tpu.memory_space<hbm>> -> memref<10x128xf32, #tpu.memory_space<hbm>>
        %dma_wait3A_402 = arith.constant 0 : i32
        %dma_wait3A_403 = tpu.memref_slice %arg12[%dma_wait3A_394, %select_n3A, %dma_wait3A_395, %dma_wait3A_402] : memref<3x6400x8x128xf32, #tpu.memory_space<hbm>> -> memref<1x10x1x128xf32, #tpu.memory_space<hbm>>
        %dma_wait3A_404 = tpu.memref_squeeze %dma_wait3A_403 : memref<1x10x1x128xf32, #tpu.memory_space<hbm>> -> memref<10x128xf32, #tpu.memory_space<hbm>>
        %dma_wait3A_405 = arith.constant 60 : i32
        %dma_wait3A_406 = arith.constant 0 : i32
        %dma_wait3A_407 = tpu.memref_slice %arg15[%dma_wait3A_405, %dma_wait3A_406] : memref<150x128xf32, #tpu.memory_space<vmem>> -> memref<10x128xf32, #tpu.memory_space<vmem>>
        tpu.wait_dma2 semaphore(%arg16 : memref<!tpu.dma_semaphore, #tpu.memory_space<semaphore_mem>>) src(%dma_wait3A_407 : memref<10x128xf32, #tpu.memory_space<vmem>>) dst(%dma_wait3A_404 : memref<10x128xf32, #tpu.memory_space<hbm>>)
        %dma_wait3A_408 = arith.constant 1 : i32
        %dma_wait3A_409 = arith.constant 2 : i32
        %dma_wait3A_410 = arith.constant 70 : i32
        %dma_wait3A_411 = arith.constant 0 : i32
        %dma_wait3A_412 = tpu.memref_slice %arg15[%dma_wait3A_410, %dma_wait3A_411] : memref<150x128xf32, #tpu.memory_space<vmem>> -> memref<10x128xf32, #tpu.memory_space<vmem>>
        %dma_wait3A_413 = arith.constant 0 : i32
        %dma_wait3A_414 = tpu.memref_slice %arg12[%dma_wait3A_408, %select_n3A, %dma_wait3A_409, %dma_wait3A_413] : memref<3x6400x8x128xf32, #tpu.memory_space<hbm>> -> memref<1x10x1x128xf32, #tpu.memory_space<hbm>>
        %dma_wait3A_415 = tpu.memref_squeeze %dma_wait3A_414 : memref<1x10x1x128xf32, #tpu.memory_space<hbm>> -> memref<10x128xf32, #tpu.memory_space<hbm>>
        %dma_wait3A_416 = arith.constant 0 : i32
        %dma_wait3A_417 = tpu.memref_slice %arg12[%dma_wait3A_408, %select_n3A, %dma_wait3A_409, %dma_wait3A_416] : memref<3x6400x8x128xf32, #tpu.memory_space<hbm>> -> memref<1x10x1x128xf32, #tpu.memory_space<hbm>>
        %dma_wait3A_418 = tpu.memref_squeeze %dma_wait3A_417 : memref<1x10x1x128xf32, #tpu.memory_space<hbm>> -> memref<10x128xf32, #tpu.memory_space<hbm>>
        %dma_wait3A_419 = arith.constant 70 : i32
        %dma_wait3A_420 = arith.constant 0 : i32
        %dma_wait3A_421 = tpu.memref_slice %arg15[%dma_wait3A_419, %dma_wait3A_420] : memref<150x128xf32, #tpu.memory_space<vmem>> -> memref<10x128xf32, #tpu.memory_space<vmem>>
        tpu.wait_dma2 semaphore(%arg16 : memref<!tpu.dma_semaphore, #tpu.memory_space<semaphore_mem>>) src(%dma_wait3A_421 : memref<10x128xf32, #tpu.memory_space<vmem>>) dst(%dma_wait3A_418 : memref<10x128xf32, #tpu.memory_space<hbm>>)
        %dma_wait3A_422 = arith.constant 1 : i32
        %dma_wait3A_423 = arith.constant 3 : i32
        %dma_wait3A_424 = arith.constant 80 : i32
        %dma_wait3A_425 = arith.constant 0 : i32
        %dma_wait3A_426 = tpu.memref_slice %arg15[%dma_wait3A_424, %dma_wait3A_425] : memref<150x128xf32, #tpu.memory_space<vmem>> -> memref<10x128xf32, #tpu.memory_space<vmem>>
        %dma_wait3A_427 = arith.constant 0 : i32
        %dma_wait3A_428 = tpu.memref_slice %arg12[%dma_wait3A_422, %select_n3A, %dma_wait3A_423, %dma_wait3A_427] : memref<3x6400x8x128xf32, #tpu.memory_space<hbm>> -> memref<1x10x1x128xf32, #tpu.memory_space<hbm>>
        %dma_wait3A_429 = tpu.memref_squeeze %dma_wait3A_428 : memref<1x10x1x128xf32, #tpu.memory_space<hbm>> -> memref<10x128xf32, #tpu.memory_space<hbm>>
        %dma_wait3A_430 = arith.constant 0 : i32
        %dma_wait3A_431 = tpu.memref_slice %arg12[%dma_wait3A_422, %select_n3A, %dma_wait3A_423, %dma_wait3A_430] : memref<3x6400x8x128xf32, #tpu.memory_space<hbm>> -> memref<1x10x1x128xf32, #tpu.memory_space<hbm>>
        %dma_wait3A_432 = tpu.memref_squeeze %dma_wait3A_431 : memref<1x10x1x128xf32, #tpu.memory_space<hbm>> -> memref<10x128xf32, #tpu.memory_space<hbm>>
        %dma_wait3A_433 = arith.constant 80 : i32
        %dma_wait3A_434 = arith.constant 0 : i32
        %dma_wait3A_435 = tpu.memref_slice %arg15[%dma_wait3A_433, %dma_wait3A_434] : memref<150x128xf32, #tpu.memory_space<vmem>> -> memref<10x128xf32, #tpu.memory_space<vmem>>
        tpu.wait_dma2 semaphore(%arg16 : memref<!tpu.dma_semaphore, #tpu.memory_space<semaphore_mem>>) src(%dma_wait3A_435 : memref<10x128xf32, #tpu.memory_space<vmem>>) dst(%dma_wait3A_432 : memref<10x128xf32, #tpu.memory_space<hbm>>)
        %dma_wait3A_436 = arith.constant 1 : i32
        %dma_wait3A_437 = arith.constant 4 : i32
        %dma_wait3A_438 = arith.constant 90 : i32
        %dma_wait3A_439 = arith.constant 0 : i32
        %dma_wait3A_440 = tpu.memref_slice %arg15[%dma_wait3A_438, %dma_wait3A_439] : memref<150x128xf32, #tpu.memory_space<vmem>> -> memref<10x128xf32, #tpu.memory_space<vmem>>
        %dma_wait3A_441 = arith.constant 0 : i32
        %dma_wait3A_442 = tpu.memref_slice %arg12[%dma_wait3A_436, %select_n3A, %dma_wait3A_437, %dma_wait3A_441] : memref<3x6400x8x128xf32, #tpu.memory_space<hbm>> -> memref<1x10x1x128xf32, #tpu.memory_space<hbm>>
        %dma_wait3A_443 = tpu.memref_squeeze %dma_wait3A_442 : memref<1x10x1x128xf32, #tpu.memory_space<hbm>> -> memref<10x128xf32, #tpu.memory_space<hbm>>
        %dma_wait3A_444 = arith.constant 0 : i32
        %dma_wait3A_445 = tpu.memref_slice %arg12[%dma_wait3A_436, %select_n3A, %dma_wait3A_437, %dma_wait3A_444] : memref<3x6400x8x128xf32, #tpu.memory_space<hbm>> -> memref<1x10x1x128xf32, #tpu.memory_space<hbm>>
        %dma_wait3A_446 = tpu.memref_squeeze %dma_wait3A_445 : memref<1x10x1x128xf32, #tpu.memory_space<hbm>> -> memref<10x128xf32, #tpu.memory_space<hbm>>
        %dma_wait3A_447 = arith.constant 90 : i32
        %dma_wait3A_448 = arith.constant 0 : i32
        %dma_wait3A_449 = tpu.memref_slice %arg15[%dma_wait3A_447, %dma_wait3A_448] : memref<150x128xf32, #tpu.memory_space<vmem>> -> memref<10x128xf32, #tpu.memory_space<vmem>>
        tpu.wait_dma2 semaphore(%arg16 : memref<!tpu.dma_semaphore, #tpu.memory_space<semaphore_mem>>) src(%dma_wait3A_449 : memref<10x128xf32, #tpu.memory_space<vmem>>) dst(%dma_wait3A_446 : memref<10x128xf32, #tpu.memory_space<hbm>>)
        %dma_wait3A_450 = arith.constant 1 : i32
        %dma_wait3A_451 = arith.constant 5 : i32
        %dma_wait3A_452 = arith.constant 100 : i32
        %dma_wait3A_453 = arith.constant 0 : i32
        %dma_wait3A_454 = tpu.memref_slice %arg15[%dma_wait3A_452, %dma_wait3A_453] : memref<150x128xf32, #tpu.memory_space<vmem>> -> memref<10x128xf32, #tpu.memory_space<vmem>>
        %dma_wait3A_455 = arith.constant 0 : i32
        %dma_wait3A_456 = tpu.memref_slice %arg12[%dma_wait3A_450, %select_n3A, %dma_wait3A_451, %dma_wait3A_455] : memref<3x6400x8x128xf32, #tpu.memory_space<hbm>> -> memref<1x10x1x128xf32, #tpu.memory_space<hbm>>
        %dma_wait3A_457 = tpu.memref_squeeze %dma_wait3A_456 : memref<1x10x1x128xf32, #tpu.memory_space<hbm>> -> memref<10x128xf32, #tpu.memory_space<hbm>>
        %dma_wait3A_458 = arith.constant 0 : i32
        %dma_wait3A_459 = tpu.memref_slice %arg12[%dma_wait3A_450, %select_n3A, %dma_wait3A_451, %dma_wait3A_458] : memref<3x6400x8x128xf32, #tpu.memory_space<hbm>> -> memref<1x10x1x128xf32, #tpu.memory_space<hbm>>
        %dma_wait3A_460 = tpu.memref_squeeze %dma_wait3A_459 : memref<1x10x1x128xf32, #tpu.memory_space<hbm>> -> memref<10x128xf32, #tpu.memory_space<hbm>>
        %dma_wait3A_461 = arith.constant 100 : i32
        %dma_wait3A_462 = arith.constant 0 : i32
        %dma_wait3A_463 = tpu.memref_slice %arg15[%dma_wait3A_461, %dma_wait3A_462] : memref<150x128xf32, #tpu.memory_space<vmem>> -> memref<10x128xf32, #tpu.memory_space<vmem>>
        tpu.wait_dma2 semaphore(%arg16 : memref<!tpu.dma_semaphore, #tpu.memory_space<semaphore_mem>>) src(%dma_wait3A_463 : memref<10x128xf32, #tpu.memory_space<vmem>>) dst(%dma_wait3A_460 : memref<10x128xf32, #tpu.memory_space<hbm>>)
        %dma_wait3A_464 = arith.constant 1 : i32
        %dma_wait3A_465 = arith.constant 6 : i32
        %dma_wait3A_466 = arith.constant 110 : i32
        %dma_wait3A_467 = arith.constant 0 : i32
        %dma_wait3A_468 = tpu.memref_slice %arg15[%dma_wait3A_466, %dma_wait3A_467] : memref<150x128xf32, #tpu.memory_space<vmem>> -> memref<10x128xf32, #tpu.memory_space<vmem>>
        %dma_wait3A_469 = arith.constant 0 : i32
        %dma_wait3A_470 = tpu.memref_slice %arg12[%dma_wait3A_464, %select_n3A, %dma_wait3A_465, %dma_wait3A_469] : memref<3x6400x8x128xf32, #tpu.memory_space<hbm>> -> memref<1x10x1x128xf32, #tpu.memory_space<hbm>>
        %dma_wait3A_471 = tpu.memref_squeeze %dma_wait3A_470 : memref<1x10x1x128xf32, #tpu.memory_space<hbm>> -> memref<10x128xf32, #tpu.memory_space<hbm>>
        %dma_wait3A_472 = arith.constant 0 : i32
        %dma_wait3A_473 = tpu.memref_slice %arg12[%dma_wait3A_464, %select_n3A, %dma_wait3A_465, %dma_wait3A_472] : memref<3x6400x8x128xf32, #tpu.memory_space<hbm>> -> memref<1x10x1x128xf32, #tpu.memory_space<hbm>>
        %dma_wait3A_474 = tpu.memref_squeeze %dma_wait3A_473 : memref<1x10x1x128xf32, #tpu.memory_space<hbm>> -> memref<10x128xf32, #tpu.memory_space<hbm>>
        %dma_wait3A_475 = arith.constant 110 : i32
        %dma_wait3A_476 = arith.constant 0 : i32
        %dma_wait3A_477 = tpu.memref_slice %arg15[%dma_wait3A_475, %dma_wait3A_476] : memref<150x128xf32, #tpu.memory_space<vmem>> -> memref<10x128xf32, #tpu.memory_space<vmem>>
        tpu.wait_dma2 semaphore(%arg16 : memref<!tpu.dma_semaphore, #tpu.memory_space<semaphore_mem>>) src(%dma_wait3A_477 : memref<10x128xf32, #tpu.memory_space<vmem>>) dst(%dma_wait3A_474 : memref<10x128xf32, #tpu.memory_space<hbm>>)
        %dma_wait3A_478 = arith.constant 1 : i32
        %dma_wait3A_479 = arith.constant 7 : i32
        %dma_wait3A_480 = arith.constant 120 : i32
        %dma_wait3A_481 = arith.constant 0 : i32
        %dma_wait3A_482 = tpu.memref_slice %arg15[%dma_wait3A_480, %dma_wait3A_481] : memref<150x128xf32, #tpu.memory_space<vmem>> -> memref<10x128xf32, #tpu.memory_space<vmem>>
        %dma_wait3A_483 = arith.constant 0 : i32
        %dma_wait3A_484 = tpu.memref_slice %arg12[%dma_wait3A_478, %select_n3A, %dma_wait3A_479, %dma_wait3A_483] : memref<3x6400x8x128xf32, #tpu.memory_space<hbm>> -> memref<1x10x1x128xf32, #tpu.memory_space<hbm>>
        %dma_wait3A_485 = tpu.memref_squeeze %dma_wait3A_484 : memref<1x10x1x128xf32, #tpu.memory_space<hbm>> -> memref<10x128xf32, #tpu.memory_space<hbm>>
        %dma_wait3A_486 = arith.constant 0 : i32
        %dma_wait3A_487 = tpu.memref_slice %arg12[%dma_wait3A_478, %select_n3A, %dma_wait3A_479, %dma_wait3A_486] : memref<3x6400x8x128xf32, #tpu.memory_space<hbm>> -> memref<1x10x1x128xf32, #tpu.memory_space<hbm>>
        %dma_wait3A_488 = tpu.memref_squeeze %dma_wait3A_487 : memref<1x10x1x128xf32, #tpu.memory_space<hbm>> -> memref<10x128xf32, #tpu.memory_space<hbm>>
        %dma_wait3A_489 = arith.constant 120 : i32
        %dma_wait3A_490 = arith.constant 0 : i32
        %dma_wait3A_491 = tpu.memref_slice %arg15[%dma_wait3A_489, %dma_wait3A_490] : memref<150x128xf32, #tpu.memory_space<vmem>> -> memref<10x128xf32, #tpu.memory_space<vmem>>
        tpu.wait_dma2 semaphore(%arg16 : memref<!tpu.dma_semaphore, #tpu.memory_space<semaphore_mem>>) src(%dma_wait3A_491 : memref<10x128xf32, #tpu.memory_space<vmem>>) dst(%dma_wait3A_488 : memref<10x128xf32, #tpu.memory_space<hbm>>)
        %dma_wait3A_492 = arith.constant 2 : i32
        %dma_wait3A_493 = arith.constant 0 : i32
        %dma_wait3A_494 = arith.constant 130 : i32
        %dma_wait3A_495 = arith.constant 0 : i32
        %dma_wait3A_496 = tpu.memref_slice %arg15[%dma_wait3A_494, %dma_wait3A_495] : memref<150x128xf32, #tpu.memory_space<vmem>> -> memref<10x128xf32, #tpu.memory_space<vmem>>
        %dma_wait3A_497 = arith.constant 0 : i32
        %dma_wait3A_498 = tpu.memref_slice %arg12[%dma_wait3A_492, %select_n3A, %dma_wait3A_493, %dma_wait3A_497] : memref<3x6400x8x128xf32, #tpu.memory_space<hbm>> -> memref<1x10x1x128xf32, #tpu.memory_space<hbm>>
        %dma_wait3A_499 = tpu.memref_squeeze %dma_wait3A_498 : memref<1x10x1x128xf32, #tpu.memory_space<hbm>> -> memref<10x128xf32, #tpu.memory_space<hbm>>
        %dma_wait3A_500 = arith.constant 0 : i32
        %dma_wait3A_501 = tpu.memref_slice %arg12[%dma_wait3A_492, %select_n3A, %dma_wait3A_493, %dma_wait3A_500] : memref<3x6400x8x128xf32, #tpu.memory_space<hbm>> -> memref<1x10x1x128xf32, #tpu.memory_space<hbm>>
        %dma_wait3A_502 = tpu.memref_squeeze %dma_wait3A_501 : memref<1x10x1x128xf32, #tpu.memory_space<hbm>> -> memref<10x128xf32, #tpu.memory_space<hbm>>
        %dma_wait3A_503 = arith.constant 130 : i32
        %dma_wait3A_504 = arith.constant 0 : i32
        %dma_wait3A_505 = tpu.memref_slice %arg15[%dma_wait3A_503, %dma_wait3A_504] : memref<150x128xf32, #tpu.memory_space<vmem>> -> memref<10x128xf32, #tpu.memory_space<vmem>>
        tpu.wait_dma2 semaphore(%arg16 : memref<!tpu.dma_semaphore, #tpu.memory_space<semaphore_mem>>) src(%dma_wait3A_505 : memref<10x128xf32, #tpu.memory_space<vmem>>) dst(%dma_wait3A_502 : memref<10x128xf32, #tpu.memory_space<hbm>>)
        %dma_wait3A_506 = arith.constant 2 : i32
        %dma_wait3A_507 = arith.constant 1 : i32
        %dma_wait3A_508 = arith.constant 140 : i32
        %dma_wait3A_509 = arith.constant 0 : i32
        %dma_wait3A_510 = tpu.memref_slice %arg15[%dma_wait3A_508, %dma_wait3A_509] : memref<150x128xf32, #tpu.memory_space<vmem>> -> memref<10x128xf32, #tpu.memory_space<vmem>>
        %dma_wait3A_511 = arith.constant 0 : i32
        %dma_wait3A_512 = tpu.memref_slice %arg12[%dma_wait3A_506, %select_n3A, %dma_wait3A_507, %dma_wait3A_511] : memref<3x6400x8x128xf32, #tpu.memory_space<hbm>> -> memref<1x10x1x128xf32, #tpu.memory_space<hbm>>
        %dma_wait3A_513 = tpu.memref_squeeze %dma_wait3A_512 : memref<1x10x1x128xf32, #tpu.memory_space<hbm>> -> memref<10x128xf32, #tpu.memory_space<hbm>>
        %dma_wait3A_514 = arith.constant 0 : i32
        %dma_wait3A_515 = tpu.memref_slice %arg12[%dma_wait3A_506, %select_n3A, %dma_wait3A_507, %dma_wait3A_514] : memref<3x6400x8x128xf32, #tpu.memory_space<hbm>> -> memref<1x10x1x128xf32, #tpu.memory_space<hbm>>
        %dma_wait3A_516 = tpu.memref_squeeze %dma_wait3A_515 : memref<1x10x1x128xf32, #tpu.memory_space<hbm>> -> memref<10x128xf32, #tpu.memory_space<hbm>>
        %dma_wait3A_517 = arith.constant 140 : i32
        %dma_wait3A_518 = arith.constant 0 : i32
        %dma_wait3A_519 = tpu.memref_slice %arg15[%dma_wait3A_517, %dma_wait3A_518] : memref<150x128xf32, #tpu.memory_space<vmem>> -> memref<10x128xf32, #tpu.memory_space<vmem>>
        tpu.wait_dma2 semaphore(%arg16 : memref<!tpu.dma_semaphore, #tpu.memory_space<semaphore_mem>>) src(%dma_wait3A_519 : memref<10x128xf32, #tpu.memory_space<vmem>>) dst(%dma_wait3A_516 : memref<10x128xf32, #tpu.memory_space<hbm>>)
      }
      %scan3A_12 = arith.constant 32 : i32
    } else {
    }
    return
  }
}

</mosaic_0001>

<sc_bundles>
// kernel: kernel.3.cloned.1.call-start
scs
__scs_entry_jumppad:
0x0: {  	(pc) =	sbr.rel $0x88, $3  }
0x1: {  	(tag) =	ssettag $0x0;
	lr =	simm.s32 $0x1  }
0x2: {  	[smem:$0x3F9D] =	sst lr;
	_ =	strace $0xD0000000  }
0x3: {  	_ = 	snop  }
0x4: {  	_ = 	snop  }
0x5: {  	_ = 	snop  }
0x6: {  	_ = 	snop  }
0x7: {  	_ = 	snop  }
__scs_overlays_trampoline_lowered:
0x8: {  	[smem:$0x3FAC] =	sst s0  }
0x9: {  	[smem:$0x3FAD] =	sst s1  }
0xa: {  	[smem:$0x3FAE] =	sst s2  }
0xb: {  	[smem:$0x3FAF] =	sst s3  }
0xc: {  	[smem:$0x3FB0] =	sst s4  }
0xd: {  	[smem:$0x3FB1] =	sst s5  }
0xe: {  	[smem:$0x3FB2] =	sst s6  }
0xf: {  	[smem:$0x3FB3] =	sst s7  }
0x10: {  	[smem:$0x3FB4] =	sst s8  }
0x11: {  	[smem:$0x3FB5] =	sst s9;
	s0 =	simm.s32 @!p0 $0x0  }
0x12: {  	s1 =	sld [smem:$0x3F9B];
	s0 =	simm.s32 @p0 $0x1  }
0x13: {  	[smem:$0x3FB6] =	sst s0;
	s0 =	simm.s32 @!p1 $0x0  }
0x14: {  	s2 =	sld [smem:$0x3F9A];
	s0 =	simm.s32 @p1 $0x1  }
0x15: {  	[smem:$0x3FB7] =	sst s0;
	s0 =	simm.s32 @!p2 $0x0  }
0x16: {  	s3 =	sld [smem:$0x3FDB];
	s0 =	simm.s32 @p2 $0x1  }
0x17: {  	s4 =	simm.s32 $0x1BF5;
	[smem:$0x3FB9] =	sst s0  }
0x18: {  	s0 =	sld [smem:$0x3F9C];
	_ =	swait.ge [sflag:s4], $0x0  }
0x19: {  	s7 =	sld [smem:$0x3F9D]  }
0x1a: {  	s8 =	sadd.s32 $0xFFFFE003, lr  }
0x1b: {  	s9 =	sadd.s32 $0xFFFFFEF7, lr;
	s5 =	simm.s32 $0xFFFFFFFF;
	p2 =	slt.u32 s8, $0xFFFFF086  }
0x1c: {  	p1 =	slt.u32 s9, $0xF7A;
	s5 =	simm.s32 @!p2 $0x0  }
0x1d: {  	s5 =	simm.s32 @p1 $0x1;
	p0 =	seq.s32 s7, s2  }
0x1e: {  	s7 =	smul.u32 @!p0 $0xF7A, s2;
	p2 =	seq.s32 @!p0 s5, $0x0  }
0x1f: {  	s9 =	smul.u32 $0xF7A, s1;
	s8 =	simm.s32 @!p0 $0x1BF5;
	p2 =	por !p2, p0  }
0x20: {  	[sflag:s8] =	ssyncset.s32 @!p0 $0xFFFFF086;
	s6 =	sadd.s32 @!p0 s3, s7;
	s7 =	simm.s32 @!p0 $0x108  }
0x21: {  	s3 =	sadd.s32 s3, s9;
	s6 =	sadd.s32 @!p0 $0x88, s6;
	s7 =	simm.s32 @p2 $0x1082  }
0x22: {  	[simem:s7], [sflag:s8] =	dma.local @!p0 [hbm:s6], $0xF7A  }
0x23: {  	s9 =	sor.u32 $0xD0000000, s2;
	s6 =	simm.s32 $0x108;
	_ =	swait.ge @!p0 [sflag:s8], $0x0  }
0x24: {  	s3 =	sadd.s32 $0x88, s3;
	s6 =	simm.s32 @!p1 $0x1082;
	[sflag:s4] =	ssyncset.s32 $0xFFFFF086  }
0x25: {  	[simem:s6], [sflag:s4] =	dma.local [hbm:s3], $0xF7A  }
0x26: {  	[smem:$0x3F9D] =	sst s1;
	(tag) =	ssettag s2;
	_ =	strace s9  }
0x27: {  	s1 =	sld [smem:$0x3FAD]  }
0x28: {  	s2 =	sld [smem:$0x3FAE]  }
0x29: {  	s4 =	sld [smem:$0x3FB0]  }
0x2a: {  	p0 =	seq.s32 s5, $0x0;
	s5 =	sld [smem:$0x3FB1]  }
0x2b: {  	s6 =	sld [smem:$0x3FB2]  }
0x2c: {  	s7 =	sld [smem:$0x3FB3]  }
0x2d: {  	s3 =	simm.s32 $0x108;
	s8 =	sld [smem:$0x3FB4]  }
0x2e: {  	s3 =	simm.s32 @!p0 $0x1082;
	s9 =	sld [smem:$0x3FB5]  }
0x2f: {  	lr =	sadd.s32 s0, s3;
	s0 =	sld [smem:$0x3FAC]  }
0x30: {  	s3 =	sld [smem:$0x3FAF]  }
0x31: {  	[smem:$0x3FB8] =	sst s10  }
0x32: {  	s10 =	sld [smem:$0x3FB6];
	_ =	sdelay $0x3  }
0x33: {  	p0 =	seq.s32 s10, $0x1;
	s10 =	sld [smem:$0x3FB8];
	_ =	sdelay $0x3  }
0x34: {  	[smem:$0x3FB8] =	sst s10  }
0x35: {  	s10 =	sld [smem:$0x3FB7];
	_ =	sdelay $0x3  }
0x36: {  	p1 =	seq.s32 s10, $0x1;
	s10 =	sld [smem:$0x3FB8];
	_ =	sdelay $0x3  }
0x37: {  	[smem:$0x3FB8] =	sst s10  }
0x38: {  	s10 =	sld [smem:$0x3FB9]  }
0x39: {  	_ = 	snop;
	(pc) =	sbr.ind lr, $3  }
0x3a: {  	_ = 	snop  }
0x3b: {  	_ = 	snop  }
0x3c: {  	p2 =	seq.s32 s10, $0x1;
	s10 =	sld [smem:$0x3FB8]  }
0x3d: {  	_ =	shalt  }
0x3e: {  	_ =	shalt  }
0x3f: {  	_ =	shalt  }
0x40: {  	_ =	shalt  }
0x41: {  	_ =	shalt  }
0x42: {  	_ =	shalt  }
0x43: {  	_ =	shalt  }
0x44: {  	_ =	shalt  }
0x45: {  	_ =	shalt  }
0x46: {  	_ =	shalt  }
0x47: {  	_ =	shalt  }
0x48: {  	_ =	shalt  }
0x49: {  	_ =	shalt  }
0x4a: {  	_ =	shalt  }
0x4b: {  	_ =	shalt  }
0x4c: {  	_ =	shalt  }
0x4d: {  	_ =	shalt  }
0x4e: {  	_ =	shalt  }
0x4f: {  	_ =	shalt  }
0x50: {  	_ =	shalt  }
0x51: {  	_ =	shalt  }
0x52: {  	_ =	shalt  }
0x53: {  	_ =	shalt  }
0x54: {  	_ =	shalt  }
0x55: {  	_ =	shalt  }
0x56: {  	_ =	shalt  }
0x57: {  	_ =	shalt  }
0x58: {  	_ =	shalt  }
0x59: {  	_ =	shalt  }
0x5a: {  	_ =	shalt  }
0x5b: {  	_ =	shalt  }
0x5c: {  	_ =	shalt  }
0x5d: {  	_ =	shalt  }
0x5e: {  	_ =	shalt  }
0x5f: {  	_ =	shalt  }
0x60: {  	_ =	shalt  }
0x61: {  	_ =	shalt  }
0x62: {  	_ =	shalt  }
0x63: {  	_ =	shalt  }
0x64: {  	_ =	shalt  }
0x65: {  	_ =	shalt  }
0x66: {  	_ =	shalt  }
0x67: {  	_ =	shalt  }
0x68: {  	_ =	shalt  }
0x69: {  	_ =	shalt  }
0x6a: {  	_ =	shalt  }
0x6b: {  	_ =	shalt  }
0x6c: {  	_ =	shalt  }
0x6d: {  	_ =	shalt  }
0x6e: {  	_ =	shalt  }
0x6f: {  	_ =	shalt  }
0x70: {  	_ =	shalt  }
0x71: {  	_ =	shalt  }
0x72: {  	_ =	shalt  }
0x73: {  	_ =	shalt  }
0x74: {  	_ =	shalt  }
0x75: {  	_ =	shalt  }
0x76: {  	_ =	shalt  }
0x77: {  	_ =	shalt  }
0x78: {  	_ =	shalt  }
0x79: {  	_ =	shalt  }
0x7a: {  	_ =	shalt  }
0x7b: {  	_ =	shalt  }
0x7c: {  	_ =	shalt  }
0x7d: {  	_ =	shalt  }
0x7e: {  	_ =	shalt  }
0x7f: {  	_ =	shalt  }
0x80: {  	_ =	shalt  }
0x81: {  	_ =	shalt  }
0x82: {  	_ =	shalt  }
0x83: {  	_ =	shalt  }
0x84: {  	_ =	shalt  }
0x85: {  	_ =	shalt  }
0x86: {  	_ =	shalt  }
0x87: {  	_ =	shalt  }
.Lfunc_end0:
.L_simem_size_0:
called_computation_lowered:
.L_overlay_start_0:
0x88: {  	s2 =	sld [smem:$0x3FD9]  }
0x89: {  	s3 =	sld [smem:$0x3FFE];
	_ =	sdelay $0x1  }
0x8a: {  	s1 =	srdreg.scid  }
0x8b: {  	s0 =	sand.u32 $0x1, s1  }
0x8c: {  	s17 =	sshll.u32 s0, $0xA;
	s2 =	sadd.s32 s3, s2  }
0x8d: {  	s2 =	sadd.s32 s2, s17  }
0x8e: {  	[smem:$0x3FC4] =	sst s2  }
0x8f: {  	_ = 	snop  }
0x90: {  	s2 =	sld [smem:$0x3FC9]  }
0x91: {  	s18 =	sld [smem:$0x3FD0];
	(tm) =	ssettm $0x1  }
0x92: {  	s4 =	sld [smem:$0x3FFB];
	_ =	sdelay $0x3  }
0x93: {  	_ =	strace s4  }
0x94: {  	s4 =	sld [smem:$0x3FFC];
	_ =	sdelay $0x3  }
0x95: {  	_ =	strace s4  }
0x96: {  	s4 =	sld [smem:$0x3FFD];
	_ =	sdelay $0x3  }
0x97: {  	_ =	strace s4  }
0x98: {  	_ =	strace $0x8FFFFFFF  }
0x99: {  	s19 =	sld [smem:$0x3FDB];
	_ =	sdelay $0x1  }
0x9a: {  	s5 =	simm.s32 $_scs_section_size  }
0x9b: {  	s6 =	simm.s32 $_size__tile_overlayer_lowered;
	s7 =	simm.s32 $_tile_overlayer_lowered  }
0x9c: {  	s22 =	simm.s32 $0x1BFF;
	s21 =	sshll.u32 s7, $0x1;
	s4 =	sadd.s32 s5, s19  }
0x9d: {  	s8 =	simm.s32 $0x0;
	s20 =	sshll.u32 s6, $0x1;
	s6 =	sadd.s32 s21, s4  }
0x9e: {  	[timem:s8], [sflag:s22] =	dma.local [hbm:s6], s20  }
0x9f: {  	_ =	swait.ge [sflag:s22], s20  }
0xa0: {  	s5 =	ssub.s32 $0x0, s20;
	[sflag:s22] =	ssyncset.done $0x0  }
0xa1: {  	[sflag:s22] =	ssyncadd.s32 s5;
	_ =	sdelay $0x1  }
0xa2: {  	s23 =	simm.s32 $0x1B8B  }
0xa3: {  	_ =	swait.ge [sflag:s23], $0x1  }
0xa4: {  	[sflag:s23] =	ssyncset.done $0x0  }
0xa5: {  	s25 =	simm.s32 $0x1B8E;
	s24 =	sld [smem:$0x3FFE];
	[sflag:s23] =	ssyncadd.s32 $0xFFFFFFFF  }
0xa6: {  	s26 =	simm.s32 $execute0_lowered;
	[smem:$0x3FD2] =	sst s25  }
0xa7: {  	s6 =	sshll.u32 s26, $0x1;
	_ =	strace $0x80000046;
	[dreg:$0x1] =	wrdreg $0xFFFFFFFF  }
0xa8: {  	s28 =	simm.s32 $_size_execute0_lowered;
	s4 =	sadd.s32 s4, s6;
	[dreg:$0x0] =	wrdreg $0x0  }
0xa9: {  	s6 =	sshll.u32 s28, $0x1;
	[dreg:$0x2] =	wrdreg s4  }
0xaa: {  	[dreg:$0x3] =	wrdreg s6  }
0xab: {  	[dreg:$0x4] =	wrdreg $0xC0  }
0xac: {  	_ =	task [dreg:s8], $0x5FFFF  }
0xad: {  	[dreg:$0x1] =	wrdreg $0xFFFFFFFF  }
0xae: {  	[dreg:$0x0] =	wrdreg $0x60  }
0xaf: {  	[dreg:$0x2] =	wrdreg s24  }
0xb0: {  	[dreg:$0x3] =	wrdreg s2  }
0xb1: {  	[dreg:$0x4] =	wrdreg s18  }
0xb2: {  	[dreg:$0x5] =	wrdreg $0x9  }
0xb3: {  	_ =	task.clear_ibuf [dreg:s8], $0x6FFFF;
	_ =	strace $0x90000046  }
0xb4: {  	s29 =	simm.s32 $0x9;
	_ =	strace $0x80000048  }
0xb5: {  	_ =	swait.ge [sflag:s29], $0x1  }
0xb6: {  	[sflag:s29] =	ssyncadd.s32 $0xFFFFFFFF  }
0xb7: {  	_ =	strace $0x90000048  }
0xb8: {  	_ =	sfence  }
0xb9: {  	s30 =	sld [smem:$0x0];
	_ =	sdelay $0x2  }
0xba: {  	s31 =	sshll.u32 s1, $0xD;
	s1 =	sshrl.u32 s1, $0x2  }
0xbb: {  	s3 =	sand.u32 $0x4000, s31;
	s1 =	sadd.s32 s1, s30  }
0xbc: {  	s0 =	sor.u32 s3, s0;
	s1 =	sshll.u32 s1, $0x11  }
0xbd: {  	s0 =	sor.u32 s1, s0  }
0xbe: {  	s0 =	sadd.s32 $0x8F2B, s0  }
0xbf: {  	[sflag:s0] =	ssyncadd.remote.s32 $0x1  }
0xc0: {  	_ =	sfence.sel $0xFFFF  }
0xc1: {  	[dreg:$0x0] =	wrdreg $0xFFFFFFFF;
	(pc) =	sbr.abs _section_cstart, $3  }
0xc2: {  	[dreg:$0x1] =	wrdreg $0xFFFFFFFF  }
0xc3: {  	_ =	task.clear_ibuf [dreg:s8], $0x2FFFF;
	_ =	strace $0x9FFFFFFF  }
0xc4: {  	(tm) =	ssettm $0x7FFFFFFF  }
0xc5: {  	_ =	shalt  }
tec
execute0_lowered:
.L_overlay_start_1:
0x0: {  	(tag) =	ssettag $0x1  }
0x1: {  	s8 =	rddreg [dreg:$0x0]  }
0x2: {  	s3 =	rddreg [dreg:$0x2];
	s4 =	simm.s32 $0x0  }
0x3: {  	[smem:$0x7FF] =	sst s4;
	s6 =	sadd.s32 $0x9600, s8  }
0x4: {  	s20 =	sadd.s32 $0x6DE00, s8;
	_ =	strace $0x80000047;
	[dreg:$0x5] =	wrdreg s6  }
0x5: {  	s21 =	sadd.s32 $0x54E00, s8;
	[dreg:$0x6] =	wrdreg s20  }
0x6: {  	s7 =	sadd.s32 $0x3BE00, s8;
	[dreg:$0x7] =	wrdreg s21  }
0x7: {  	s23 =	sadd.s32 $0x22E00, s8;
	[dreg:$0x8] =	wrdreg s7  }
0x8: {  	s1 =	srdreg.scid;
	s10 =	sadd.s32 $0x9E00, s8;
	[dreg:$0x9] =	wrdreg s23  }
0x9: {  	s9 =	stileid.u32;
	s25 =	sadd.s32 $0x30, s3;
	[dreg:$0xa] =	wrdreg s10  }
0xa: {  	s0 =	sadd.s32 $0x6400, s8;
	s26 =	sadd.s32 $0x40, s3;
	[dreg:$0xc] =	wrdreg s25  }
0xb: {  	s2 =	sadd.s32 $0x3200, s8;
	s28 =	sadd.s32 $0x50, s3;
	[dreg:$0xd] =	wrdreg s26  }
0xc: {  	s1 =	sand.u32 $0x1, s1;
	s29 =	sadd.s32 $0x60, s3;
	[dreg:$0xe] =	wrdreg s28  }
0xd: {  	s5 =	sshll.u32 s9, $0x1;
	s30 =	sadd.s32 $0x70, s3;
	[dreg:$0xf] =	wrdreg s29  }
0xe: {  	s5 =	sor.u32 s1, s5;
	s1 =	ssub.s32 $0x2, s1;
	[dreg:$0x10] =	wrdreg s30  }
0xf: {  	s21 =	simm.s32 $0x2;
	s23 =	simm.s32 $0x80;
	s22 =	smul.u32 $0xA000, s5  }
0x10: {  	s25 =	simm.s32 $0x19FA8;
	s26 =	simm.s32 $0x1;
	s20 =	simm.s32 $0x0  }
0x11: {  	s24 =	sshrl.u32 s1, $0x1;
	s5 =	sand.u32 $0x3, s5;
	s6 =	sadd.s32 $0xFFF88000, s22  }
0x12: {  	s1 =	ssub.s32 s1, s24;
	[dreg:$0xb] =	wrdreg s6;
	s6 =	sshrl.u32 s9, $0x1  }
0x13: {  	s5 =	smul.u32 $0x32000, s5;
	s24 =	simm.s32 $0x400;
	p1 =	seq.s32 s6, $0x0  }
.Ltmp0:
0x14: {  	s1 =	smax.u32 s1, $0x1;
	p0 =	seq.s32 @!p1 s6, $0x2;
	(pc) =	sbr.rel .LBB2_1-.Ltmp0, $4  }
0x15: {  	[dreg:$0x11] =	wrdreg s5;
	s31 =	sshll.u32 s6, $0x4;
	p0 =	por !p0, p1  }
0x16: {  	[dreg:$0x13] =	wrdreg s1;
	s5 =	sadd.s32 s3, s31;
	s8 =	smov.u32 @p0 s2  }
0x17: {  	s22 =	simm.s32 $0x186A8;
	[dreg:$0x12] =	wrdreg s5;
	s8 =	smov.u32 @p1 s0  }
0x18: {  	s1 =	simm.s32 $0x0;
	p0 =	sgt.u32 s9, $0x5;
	[dreg:$0x4] =	wrdreg s8  }
.LBB2_10:
0x19: {  	s1 =	rddreg [dreg:$0x14]  }
0x1a: {  	s0 =	rddreg [dreg:$0x13];
	s1 =	sadd.s32 $0x1, s1  }
0x1b: {  	p1 =	sne.s32 s1, s0  }
.Ltmp1:
0x1c: {  	_ = 	snop;
	(pc) =	sbr.rel @!p1 .LBB2_11-.Ltmp1, $1  }
0x1d: {  	_ =	sdelay $0x3  }
.LBB2_1:
.Ltmp2:
0x1e: {  	(pc) =	sbr.rel @p0 .LBB2_6-.Ltmp2, $2  }
0x1f: {  	_ =	sdelay $0x2  }
0x20: {  	[dreg:$0x14] =	wrdreg s1  }
0x21: {  	s0 =	simm.s32 $0x0;
	s1 =	rddreg [dreg:$0x4]  }
0x22: {  	[tilespmem:s0], [sflag:$0x2] =	stream.linear.gather [hbm4b:s1+s0], $0x186A8, $0x38;
	[tilespmem:$0x1EAA8] =	vst v63  }
0x23: {  	_ =	swait.ge [sflag:s21], $0x186A8  }
0x24: {  	[sflag:s21] =	ssyncset.done $0x0  }
0x25: {  	s1 =	simm.s32 $0x0;
	[sflag:s21] =	ssyncadd.s32 $0xFFFE7958  }
.LBB2_3:
0x26: {  	s2 =	smul.u32 $0x1900, s1  }
0x27: {  	s5 =	rddreg [dreg:$0x11]  }
0x28: {  	s2 =	sadd.s32 s5, s2  }
0x29: {  	s6 =	rddreg [dreg:$0x1];
	s5 =	sshrl.u32 s2, $0x3  }
0x2a: {  	s5 =	sadd.s32 s6, s5  }
0x2b: {  	[tilespmem:s22], [sflag:$0x2] =	stream.linear.gather [hbm4b:s5+s0], $0x1900, $0x38;
	[tilespmem:$0x1EAA8] =	vst v63  }
0x2c: {  	_ =	swait.ge [sflag:s21], $0x1900  }
0x2d: {  	[sflag:s21] =	ssyncset.done $0x0  }
0x2e: {  	s6 =	simm.s32 $0x0;
	s5 =	simm.s32 $0x30;
	[sflag:s21] =	ssyncadd.s32 $0xFFFFE700  }
.LBB2_4:
0x2f: {  	s7 =	sshra.s32 s6, $0x2  }
0x30: {  	v0 =	vld [tilespmem:s7+$0x186A8];
	_ =	sdelay $0x7  }
0x31: {  	v0 =	vld.idx.msk [tilespmem:v0+s4+$0x0], $0xffff  }
0x32: {  	s8 =	sand.u32 $0x7E00, s6  }
0x33: {  	s9 =	sadd.s32 $0xFFFFFFD0, s5;
	s8 =	sshrl.u32 s8, $0x2  }
0x34: {  	s9 =	sand.u32 $0x40, s9;
	s8 =	sadd.s32 $0x19FA8, s8  }
0x35: {  	s9 =	sor.u32 s9, s8  }
0x36: {  	[tilespmem:s9+$0x0] =	vst v0  }
0x37: {  	v0 =	vld [tilespmem:s7+$0x186B8];
	_ =	sdelay $0x7  }
0x38: {  	v0 =	vld.idx.msk [tilespmem:v0+s4+$0x0], $0xffff;
	_ =	sdelay $0x1  }
0x39: {  	s29 =	sadd.s32 $0xFFFFFFE0, s5  }
0x3a: {  	s9 =	sand.u32 $0x50, s29  }
0x3b: {  	s9 =	sor.u32 s9, s8  }
0x3c: {  	[tilespmem:s9+$0x0] =	vst v0  }
0x3d: {  	v0 =	vld [tilespmem:s7+$0x186C8];
	_ =	sdelay $0x7  }
0x3e: {  	v0 =	vld.idx.msk [tilespmem:v0+s4+$0x0], $0xffff;
	_ =	sdelay $0x1  }
0x3f: {  	s30 =	sadd.s32 $0xFFFFFFF0, s5  }
0x40: {  	s9 =	sand.u32 $0x60, s30  }
0x41: {  	s9 =	sadd.s32 s9, s8  }
0x42: {  	[tilespmem:s9+$0x0] =	vst v0  }
0x43: {  	v0 =	vld [tilespmem:s7+$0x186D8];
	_ =	sdelay $0x7  }
0x44: {  	p1 =	sne.s32 s5, $0x18F0;
	v0 =	vld.idx.msk [tilespmem:v0+s4+$0x0], $0xffff  }
.Ltmp3:
0x45: {  	_ = 	snop;
	(pc) =	sbr.rel @p1 .LBB2_4-.Ltmp3, $4  }
0x46: {  	_ = 	snop  }
0x47: {  	s31 =	sand.u32 $0x70, s5  }
0x48: {  	s7 =	sadd.s32 s31, s8  }
0x49: {  	s6 =	sadd.s32 $0x100, s6;
	s5 =	sadd.s32 $0x40, s5;
	[tilespmem:s7+$0x0] =	vst v0  }
0x4a: {  	s5 =	rddreg [dreg:$0x12];
	s1 =	sadd.s32 $0x1, s1  }
0x4b: {  	s2 =	sadd.s32 s2, s5;
	p1 =	seq.s32 s1, $0x20  }
0x4c: {  	[hbm4b:s2+s23] =	stream.strided.scatter [tilespmem:s25], [sflag:$0x1], $0x1900, s24, s23, $0x38;
	[tilespmem:$0x1EAA8] =	vst v63  }
.Ltmp4:
0x4d: {  	_ = 	snop;
	(pc) =	sbr.rel @!p1 .LBB2_3-.Ltmp4, $4  }
.Ltmp5:
0x4e: {  	_ = 	snop;
	(pc) =	sbr.rel @p1 .LBB2_10-.Ltmp5, $4  }
0x4f: {  	_ =	swait.ge [sflag:s26], $0x1900  }
0x50: {  	[sflag:s26] =	ssyncset.done $0x0  }
0x51: {  	[sflag:s26] =	ssyncadd.s32 $0xFFFFE700  }
0x52: {  	_ = 	snop  }
.LBB2_6:
0x53: {  	s0 =	rddreg [dreg:$0x5]  }
0x54: {  	[tilespmem:s20], [sflag:$0x2] =	stream.linear.gather [hbm4b:s0+s20], $0x3A98, $0x38;
	[tilespmem:$0x1EAA8] =	vst v63  }
0x55: {  	_ =	swait.ge [sflag:s21], $0x3A98  }
0x56: {  	[sflag:s21] =	ssyncset.done $0x0  }
0x57: {  	s2 =	simm.s32 $0x0;
	[sflag:s21] =	ssyncadd.s32 $0xFFFFC568  }
.LBB2_7:
0x58: {  	s0 =	smul.u32 $0x500, s2  }
0x59: {  	s1 =	rddreg [dreg:$0xb]  }
0x5a: {  	s28 =	sadd.s32 s0, s1  }
0x5b: {  	s13 =	rddreg [dreg:$0x6];
	s0 =	sshrl.u32 s28, $0x3  }
0x5c: {  	s14 =	rddreg [dreg:$0x7];
	s1 =	sadd.s32 s13, s0  }
0x5d: {  	[tilespmem:s22], [sflag:$0x1] =	stream.linear.gather [hbm4b:s1+s20], $0x500, $0x38;
	[tilespmem:$0x1EAA8] =	vst v63  }
0x5e: {  	s5 =	simm.s32 $0x18BA8;
	s15 =	rddreg [dreg:$0x8];
	s1 =	sadd.s32 s14, s0  }
0x5f: {  	[tilespmem:s5], [sflag:$0x1] =	stream.linear.gather [hbm4b:s1+s20], $0x500, $0x38;
	[tilespmem:$0x1EAA8] =	vst v63  }
0x60: {  	s16 =	simm.s32 $0x190A8;
	s17 =	rddreg [dreg:$0x9];
	s1 =	sadd.s32 s15, s0  }
0x61: {  	[tilespmem:s16], [sflag:$0x1] =	stream.linear.gather [hbm4b:s1+s20], $0x500, $0x38;
	[tilespmem:$0x1EAA8] =	vst v63  }
0x62: {  	s18 =	simm.s32 $0x195A8;
	s19 =	rddreg [dreg:$0xa];
	s1 =	sadd.s32 s17, s0  }
0x63: {  	[tilespmem:s18], [sflag:$0x1] =	stream.linear.gather [hbm4b:s1+s20], $0x500, $0x38;
	[tilespmem:$0x1EAA8] =	vst v63  }
0x64: {  	s31 =	simm.s32 $0x19AA8;
	s0 =	sadd.s32 s19, s0  }
0x65: {  	[tilespmem:s31], [sflag:$0x1] =	stream.linear.gather [hbm4b:s0+s20], $0x500, $0x38;
	[tilespmem:$0x1EAA8] =	vst v63  }
0x66: {  	_ =	swait.ge [sflag:s26], $0x500  }
0x67: {  	[sflag:s26] =	ssyncset.done $0x0  }
0x68: {  	[sflag:s26] =	ssyncadd.s32 $0xFFFFFB00  }
0x69: {  	_ =	swait.ge [sflag:s26], $0x500  }
0x6a: {  	[sflag:s26] =	ssyncset.done $0x0  }
0x6b: {  	[sflag:s26] =	ssyncadd.s32 $0xFFFFFB00  }
0x6c: {  	_ =	swait.ge [sflag:s26], $0x500  }
0x6d: {  	[sflag:s26] =	ssyncset.done $0x0  }
0x6e: {  	[sflag:s26] =	ssyncadd.s32 $0xFFFFFB00  }
0x6f: {  	_ =	swait.ge [sflag:s26], $0x500  }
0x70: {  	[sflag:s26] =	ssyncset.done $0x0  }
0x71: {  	[sflag:s26] =	ssyncadd.s32 $0xFFFFFB00  }
0x72: {  	_ =	swait.ge [sflag:s26], $0x500  }
0x73: {  	[sflag:s26] =	ssyncset.done $0x0  }
0x74: {  	s29 =	simm.s32 $0x10;
	s30 =	simm.s32 $0x0;
	[sflag:s26] =	ssyncadd.s32 $0xFFFFFB00  }
.LBB2_8:
0x75: {  	s31 =	sshra.s32 s30, $0x2  }
0x76: {  	v0 =	vld [tilespmem:s31+$0x186A8];
	_ =	sdelay $0x4  }
0x77: {  	v0 =	vmul.u32 $0x3, v0;
	_ =	sdelay $0x5  }
0x78: {  	v1 =	vld.idx.msk [tilespmem:v0+s4+$0x0], $0xffff  }
0x79: {  	s0 =	sshrl.u32 s30, $0x2;
	v2 =	vadd.s32 $0x1, v0  }
0x7a: {  	s1 =	sadd.s32 $0xFFFFFFF0, s29;
	s10 =	sand.u32 $0x780, s0  }
0x7b: {  	s9 =	sand.u32 $0x60, s1;
	s0 =	sadd.s32 $0x19FA8, s10  }
0x7c: {  	s1 =	sadd.s32 s9, s0  }
0x7d: {  	[tilespmem:s1+$0x0] =	vst v1  }
0x7e: {  	v1 =	vld.idx.msk [tilespmem:v2+s4+$0x0], $0xffff  }
0x7f: {  	v0 =	vadd.s32 $0x2, v0;
	_ =	sdelay $0x1  }
0x80: {  	s5 =	sadd.s32 $0x1A4A8, s10  }
0x81: {  	s17 =	sadd.s32 s9, s5  }
0x82: {  	[tilespmem:s17+$0x0] =	vst v1  }
0x83: {  	v0 =	vld.idx.msk [tilespmem:v0+s4+$0x0], $0xffff;
	_ =	sdelay $0x2  }
0x84: {  	s6 =	sadd.s32 $0x1A9A8, s10  }
0x85: {  	s18 =	sadd.s32 s9, s6  }
0x86: {  	[tilespmem:s18+$0x0] =	vst v0  }
0x87: {  	v0 =	vld [tilespmem:s31+$0x18BA8];
	_ =	sdelay $0x4  }
0x88: {  	v0 =	vmul.u32 $0x3, v0;
	_ =	sdelay $0x1  }
0x89: {  	v47 =	vadd.s32 $0xBB8, v0;
	_ =	sdelay $0x4  }
0x8a: {  	v1 =	vld.idx.msk [tilespmem:v47+s4+$0x0], $0xffff  }
0x8b: {  	v48 =	vadd.s32 $0xBB9, v0;
	_ =	sdelay $0x1  }
0x8c: {  	s1 =	sadd.s32 $0x1AEA8, s10  }
0x8d: {  	s7 =	sadd.s32 s9, s1  }
0x8e: {  	[tilespmem:s7+$0x0] =	vst v1  }
0x8f: {  	v1 =	vld.idx.msk [tilespmem:v48+s4+$0x0], $0xffff  }
0x90: {  	v0 =	vadd.s32 $0xBBA, v0;
	_ =	sdelay $0x1  }
0x91: {  	s7 =	sadd.s32 $0x1B3A8, s10  }
0x92: {  	s8 =	sadd.s32 s9, s7  }
0x93: {  	[tilespmem:s8+$0x0] =	vst v1  }
0x94: {  	v0 =	vld.idx.msk [tilespmem:v0+s4+$0x0], $0xffff;
	_ =	sdelay $0x2  }
0x95: {  	s8 =	sadd.s32 $0x1B8A8, s10  }
0x96: {  	s11 =	sadd.s32 s9, s8  }
0x97: {  	[tilespmem:s11+$0x0] =	vst v0  }
0x98: {  	v0 =	vld [tilespmem:s31+$0x190A8];
	_ =	sdelay $0x4  }
0x99: {  	v0 =	vmul.u32 $0x3, v0;
	_ =	sdelay $0x1  }
0x9a: {  	v49 =	vadd.s32 $0x1770, v0;
	_ =	sdelay $0x4  }
0x9b: {  	v1 =	vld.idx.msk [tilespmem:v49+s4+$0x0], $0xffff  }
0x9c: {  	v50 =	vadd.s32 $0x1771, v0;
	_ =	sdelay $0x1  }
0x9d: {  	s11 =	sadd.s32 $0x1BDA8, s10  }
0x9e: {  	s12 =	sadd.s32 s9, s11  }
0x9f: {  	[tilespmem:s12+$0x0] =	vst v1  }
0xa0: {  	v1 =	vld.idx.msk [tilespmem:v50+s4+$0x0], $0xffff  }
0xa1: {  	v0 =	vadd.s32 $0x1772, v0;
	_ =	sdelay $0x1  }
0xa2: {  	s12 =	sadd.s32 $0x1C2A8, s10  }
0xa3: {  	s13 =	sadd.s32 s9, s12  }
0xa4: {  	[tilespmem:s13+$0x0] =	vst v1  }
0xa5: {  	v0 =	vld.idx.msk [tilespmem:v0+s4+$0x0], $0xffff;
	_ =	sdelay $0x2  }
0xa6: {  	s13 =	sadd.s32 $0x1C7A8, s10  }
0xa7: {  	s14 =	sadd.s32 s9, s13  }
0xa8: {  	[tilespmem:s14+$0x0] =	vst v0  }
0xa9: {  	v0 =	vld [tilespmem:s31+$0x195A8];
	_ =	sdelay $0x4  }
0xaa: {  	v0 =	vmul.u32 $0x3, v0;
	_ =	sdelay $0x1  }
0xab: {  	v51 =	vadd.s32 $0x2328, v0;
	_ =	sdelay $0x4  }
0xac: {  	v1 =	vld.idx.msk [tilespmem:v51+s4+$0x0], $0xffff  }
0xad: {  	v52 =	vadd.s32 $0x2329, v0;
	_ =	sdelay $0x1  }
0xae: {  	s14 =	sadd.s32 $0x1CCA8, s10  }
0xaf: {  	s15 =	sadd.s32 s9, s14  }
0xb0: {  	[tilespmem:s15+$0x0] =	vst v1  }
0xb1: {  	v1 =	vld.idx.msk [tilespmem:v52+s4+$0x0], $0xffff  }
0xb2: {  	v0 =	vadd.s32 $0x232A, v0;
	_ =	sdelay $0x1  }
0xb3: {  	s15 =	sadd.s32 $0x1D1A8, s10  }
0xb4: {  	s16 =	sadd.s32 s9, s15  }
0xb5: {  	[tilespmem:s16+$0x0] =	vst v1  }
0xb6: {  	v0 =	vld.idx.msk [tilespmem:v0+s4+$0x0], $0xffff;
	_ =	sdelay $0x2  }
0xb7: {  	s16 =	sadd.s32 $0x1D6A8, s10  }
0xb8: {  	s17 =	sadd.s32 s9, s16  }
0xb9: {  	[tilespmem:s17+$0x0] =	vst v0  }
0xba: {  	v0 =	vld [tilespmem:s31+$0x19AA8];
	_ =	sdelay $0x4  }
0xbb: {  	v0 =	vmul.u32 $0x3, v0;
	_ =	sdelay $0x1  }
0xbc: {  	v53 =	vadd.s32 $0x2EE0, v0;
	_ =	sdelay $0x4  }
0xbd: {  	v1 =	vld.idx.msk [tilespmem:v53+s4+$0x0], $0xffff  }
0xbe: {  	v54 =	vadd.s32 $0x2EE1, v0;
	_ =	sdelay $0x1  }
0xbf: {  	s17 =	sadd.s32 $0x1DBA8, s10  }
0xc0: {  	s18 =	sadd.s32 s9, s17  }
0xc1: {  	[tilespmem:s18+$0x0] =	vst v1  }
0xc2: {  	v1 =	vld.idx.msk [tilespmem:v54+s4+$0x0], $0xffff  }
0xc3: {  	v0 =	vadd.s32 $0x2EE2, v0;
	_ =	sdelay $0x1  }
0xc4: {  	s18 =	sadd.s32 $0x1E0A8, s10  }
0xc5: {  	s19 =	sadd.s32 s9, s18  }
0xc6: {  	[tilespmem:s19+$0x0] =	vst v1  }
0xc7: {  	v0 =	vld.idx.msk [tilespmem:v0+s4+$0x0], $0xffff;
	_ =	sdelay $0x2  }
0xc8: {  	s10 =	sadd.s32 $0x1E5A8, s10  }
0xc9: {  	s9 =	sadd.s32 s9, s10  }
0xca: {  	[tilespmem:s9+$0x0] =	vst v0  }
0xcb: {  	v0 =	vld [tilespmem:s31+$0x186B8];
	_ =	sdelay $0x4  }
0xcc: {  	v0 =	vmul.u32 $0x3, v0;
	_ =	sdelay $0x5  }
0xcd: {  	v1 =	vld.idx.msk [tilespmem:v0+s4+$0x0], $0xffff  }
0xce: {  	v55 =	vadd.s32 $0x1, v0;
	_ =	sdelay $0x1  }
0xcf: {  	s9 =	sand.u32 $0x70, s29  }
0xd0: {  	s0 =	sadd.s32 s9, s0  }
0xd1: {  	[tilespmem:s0+$0x0] =	vst v1  }
0xd2: {  	v1 =	vld.idx.msk [tilespmem:v55+s4+$0x0], $0xffff  }
0xd3: {  	v0 =	vadd.s32 $0x2, v0;
	_ =	sdelay $0x2  }
0xd4: {  	s19 =	sadd.s32 s9, s5  }
0xd5: {  	[tilespmem:s19+$0x0] =	vst v1  }
0xd6: {  	v0 =	vld.idx.msk [tilespmem:v0+s4+$0x0], $0xffff;
	_ =	sdelay $0x3  }
0xd7: {  	s5 =	sadd.s32 s9, s6  }
0xd8: {  	[tilespmem:s5+$0x0] =	vst v0  }
0xd9: {  	v0 =	vld [tilespmem:s31+$0x18BB8];
	_ =	sdelay $0x4  }
0xda: {  	v0 =	vmul.u32 $0x3, v0;
	_ =	sdelay $0x1  }
0xdb: {  	v56 =	vadd.s32 $0xBB8, v0;
	_ =	sdelay $0x4  }
0xdc: {  	v1 =	vld.idx.msk [tilespmem:v56+s4+$0x0], $0xffff  }
0xdd: {  	v57 =	vadd.s32 $0xBB9, v0;
	_ =	sdelay $0x2  }
0xde: {  	s6 =	sadd.s32 s9, s1  }
0xdf: {  	[tilespmem:s6+$0x0] =	vst v1  }
0xe0: {  	v1 =	vld.idx.msk [tilespmem:v57+s4+$0x0], $0xffff  }
0xe1: {  	v0 =	vadd.s32 $0xBBA, v0;
	_ =	sdelay $0x2  }
0xe2: {  	s7 =	sadd.s32 s9, s7  }
0xe3: {  	[tilespmem:s7+$0x0] =	vst v1  }
0xe4: {  	v0 =	vld.idx.msk [tilespmem:v0+s4+$0x0], $0xffff;
	_ =	sdelay $0x3  }
0xe5: {  	s8 =	sadd.s32 s9, s8  }
0xe6: {  	[tilespmem:s8+$0x0] =	vst v0  }
0xe7: {  	v0 =	vld [tilespmem:s31+$0x190B8];
	_ =	sdelay $0x4  }
0xe8: {  	v0 =	vmul.u32 $0x3, v0;
	_ =	sdelay $0x1  }
0xe9: {  	v58 =	vadd.s32 $0x1770, v0;
	_ =	sdelay $0x4  }
0xea: {  	v1 =	vld.idx.msk [tilespmem:v58+s4+$0x0], $0xffff  }
0xeb: {  	v59 =	vadd.s32 $0x1771, v0;
	_ =	sdelay $0x2  }
0xec: {  	s11 =	sadd.s32 s9, s11  }
0xed: {  	[tilespmem:s11+$0x0] =	vst v1  }
0xee: {  	v1 =	vld.idx.msk [tilespmem:v59+s4+$0x0], $0xffff  }
0xef: {  	v0 =	vadd.s32 $0x1772, v0;
	_ =	sdelay $0x2  }
0xf0: {  	s12 =	sadd.s32 s9, s12  }
0xf1: {  	[tilespmem:s12+$0x0] =	vst v1  }
0xf2: {  	v0 =	vld.idx.msk [tilespmem:v0+s4+$0x0], $0xffff;
	_ =	sdelay $0x3  }
0xf3: {  	s13 =	sadd.s32 s9, s13  }
0xf4: {  	[tilespmem:s13+$0x0] =	vst v0  }
0xf5: {  	v0 =	vld [tilespmem:s31+$0x195B8];
	_ =	sdelay $0x4  }
0xf6: {  	v0 =	vmul.u32 $0x3, v0;
	_ =	sdelay $0x1  }
0xf7: {  	v60 =	vadd.s32 $0x2328, v0;
	_ =	sdelay $0x4  }
0xf8: {  	v1 =	vld.idx.msk [tilespmem:v60+s4+$0x0], $0xffff  }
0xf9: {  	v61 =	vadd.s32 $0x2329, v0;
	_ =	sdelay $0x2  }
0xfa: {  	s14 =	sadd.s32 s9, s14  }
0xfb: {  	[tilespmem:s14+$0x0] =	vst v1  }
0xfc: {  	v1 =	vld.idx.msk [tilespmem:v61+s4+$0x0], $0xffff  }
0xfd: {  	v0 =	vadd.s32 $0x232A, v0;
	_ =	sdelay $0x2  }
0xfe: {  	s15 =	sadd.s32 s9, s15  }
0xff: {  	[tilespmem:s15+$0x0] =	vst v1  }
0x100: {  	v0 =	vld.idx.msk [tilespmem:v0+s4+$0x0], $0xffff;
	_ =	sdelay $0x3  }
0x101: {  	s16 =	sadd.s32 s9, s16  }
0x102: {  	[tilespmem:s16+$0x0] =	vst v0  }
0x103: {  	v0 =	vld [tilespmem:s31+$0x19AB8];
	_ =	sdelay $0x4  }
0x104: {  	v0 =	vmul.u32 $0x3, v0;
	_ =	sdelay $0x1  }
0x105: {  	v62 =	vadd.s32 $0x2EE0, v0;
	_ =	sdelay $0x4  }
0x106: {  	v1 =	vld.idx.msk [tilespmem:v62+s4+$0x0], $0xffff  }
0x107: {  	v63 =	vadd.s32 $0x2EE1, v0;
	_ =	sdelay $0x2  }
0x108: {  	s17 =	sadd.s32 s9, s17  }
0x109: {  	[tilespmem:s17+$0x0] =	vst v1  }
0x10a: {  	v1 =	vld.idx.msk [tilespmem:v63+s4+$0x0], $0xffff  }
0x10b: {  	v0 =	vadd.s32 $0x2EE2, v0;
	_ =	sdelay $0x2  }
0x10c: {  	s19 =	sadd.s32 s9, s18  }
0x10d: {  	[tilespmem:s19+$0x0] =	vst v1  }
0x10e: {  	p1 =	sne.s32 s29, $0x4F0;
	v0 =	vld.idx.msk [tilespmem:v0+s4+$0x0], $0xffff  }
.Ltmp6:
0x10f: {  	_ = 	snop;
	(pc) =	sbr.rel @p1 .LBB2_8-.Ltmp6, $3  }
0x110: {  	_ =	sdelay $0x1  }
0x111: {  	s31 =	sadd.s32 s9, s10  }
0x112: {  	s30 =	sadd.s32 $0x80, s30;
	s29 =	sadd.s32 $0x20, s29;
	[tilespmem:s31+$0x0] =	vst v0  }
0x113: {  	s0 =	sand.u32 $0x1FFFFF00, s28;
	s1 =	rddreg [dreg:$0xc]  }
0x114: {  	s15 =	rddreg [dreg:$0xd];
	s1 =	sadd.s32 s0, s1  }
0x115: {  	[hbm4b:s1+s23] =	stream.strided.scatter [tilespmem:s25], [sflag:$0x1], $0x500, s24, s23, $0x38;
	[tilespmem:$0x1EAA8] =	vst v63  }
0x116: {  	s5 =	simm.s32 $0x1A4A8;
	s16 =	rddreg [dreg:$0xe];
	s1 =	sadd.s32 s0, s15  }
0x117: {  	[hbm4b:s1+s23] =	stream.strided.scatter [tilespmem:s5], [sflag:$0x1], $0x500, s24, s23, $0x38;
	[tilespmem:$0x1EAA8] =	vst v63  }
0x118: {  	s17 =	simm.s32 $0x1A9A8;
	s18 =	rddreg [dreg:$0xf];
	s1 =	sadd.s32 s0, s16  }
0x119: {  	[hbm4b:s1+s23] =	stream.strided.scatter [tilespmem:s17], [sflag:$0x1], $0x500, s24, s23, $0x38;
	[tilespmem:$0x1EAA8] =	vst v63  }
0x11a: {  	s19 =	simm.s32 $0x1AEA8;
	s1 =	sadd.s32 s0, s18  }
0x11b: {  	[hbm4b:s1+s23] =	stream.strided.scatter [tilespmem:s19], [sflag:$0x1], $0x500, s24, s23, $0x38;
	[tilespmem:$0x1EAA8] =	vst v63  }
0x11c: {  	s1 =	sshll.u32 s28, $0x3;
	s28 =	rddreg [dreg:$0x10]  }
0x11d: {  	s29 =	simm.s32 $0x1B3A8;
	s0 =	sadd.s32 s0, s28;
	s30 =	sadd.s32 $0x640000, s1  }
0x11e: {  	[hbm4b:s0+s23] =	stream.strided.scatter [tilespmem:s29], [sflag:$0x1], $0x500, s24, s23, $0x38;
	[tilespmem:$0x1EAA8] =	vst v63  }
0x11f: {  	s0 =	sshrl.u32 s30, $0x3  }
0x120: {  	s31 =	simm.s32 $0x1B8A8;
	s6 =	sadd.s32 $0x640080, s1;
	s0 =	sadd.s32 s3, s0  }
0x121: {  	[hbm4b:s0+s23] =	stream.strided.scatter [tilespmem:s31], [sflag:$0x1], $0x500, s24, s23, $0x38;
	[tilespmem:$0x1EAA8] =	vst v63  }
0x122: {  	s0 =	sshrl.u32 s6, $0x3  }
0x123: {  	s7 =	simm.s32 $0x1BDA8;
	s8 =	sadd.s32 $0x640100, s1;
	s0 =	sadd.s32 s3, s0  }
0x124: {  	[hbm4b:s0+s23] =	stream.strided.scatter [tilespmem:s7], [sflag:$0x1], $0x500, s24, s23, $0x38;
	[tilespmem:$0x1EAA8] =	vst v63  }
0x125: {  	s0 =	sshrl.u32 s8, $0x3  }
0x126: {  	s9 =	simm.s32 $0x1C2A8;
	s10 =	sadd.s32 $0x640180, s1;
	s0 =	sadd.s32 s3, s0  }
0x127: {  	[hbm4b:s0+s23] =	stream.strided.scatter [tilespmem:s9], [sflag:$0x1], $0x500, s24, s23, $0x38;
	[tilespmem:$0x1EAA8] =	vst v63  }
0x128: {  	s0 =	sshrl.u32 s10, $0x3  }
0x129: {  	s11 =	simm.s32 $0x1C7A8;
	s12 =	sadd.s32 $0x640200, s1;
	s0 =	sadd.s32 s3, s0  }
0x12a: {  	[hbm4b:s0+s23] =	stream.strided.scatter [tilespmem:s11], [sflag:$0x1], $0x500, s24, s23, $0x38;
	[tilespmem:$0x1EAA8] =	vst v63  }
0x12b: {  	s0 =	sshrl.u32 s12, $0x3  }
0x12c: {  	s13 =	simm.s32 $0x1CCA8;
	s14 =	sadd.s32 $0x640280, s1;
	s0 =	sadd.s32 s3, s0  }
0x12d: {  	[hbm4b:s0+s23] =	stream.strided.scatter [tilespmem:s13], [sflag:$0x1], $0x500, s24, s23, $0x38;
	[tilespmem:$0x1EAA8] =	vst v63  }
0x12e: {  	s0 =	sshrl.u32 s14, $0x3  }
0x12f: {  	s15 =	simm.s32 $0x1D1A8;
	s16 =	sadd.s32 $0x640300, s1;
	s0 =	sadd.s32 s3, s0  }
0x130: {  	[hbm4b:s0+s23] =	stream.strided.scatter [tilespmem:s15], [sflag:$0x1], $0x500, s24, s23, $0x38;
	[tilespmem:$0x1EAA8] =	vst v63  }
0x131: {  	s0 =	sshrl.u32 s16, $0x3  }
0x132: {  	s17 =	simm.s32 $0x1D6A8;
	s18 =	sadd.s32 $0x640380, s1;
	s0 =	sadd.s32 s3, s0  }
0x133: {  	[hbm4b:s0+s23] =	stream.strided.scatter [tilespmem:s17], [sflag:$0x1], $0x500, s24, s23, $0x38;
	[tilespmem:$0x1EAA8] =	vst v63  }
0x134: {  	s0 =	sshrl.u32 s18, $0x3  }
0x135: {  	s19 =	simm.s32 $0x1DBA8;
	s28 =	sadd.s32 $0xC80000, s1;
	s0 =	sadd.s32 s3, s0  }
0x136: {  	[hbm4b:s0+s23] =	stream.strided.scatter [tilespmem:s19], [sflag:$0x1], $0x500, s24, s23, $0x38;
	[tilespmem:$0x1EAA8] =	vst v63  }
0x137: {  	s0 =	sshrl.u32 s28, $0x3  }
0x138: {  	s29 =	simm.s32 $0x1E0A8;
	s30 =	sadd.s32 $0xC80080, s1;
	s0 =	sadd.s32 s3, s0  }
0x139: {  	[hbm4b:s0+s23] =	stream.strided.scatter [tilespmem:s29], [sflag:$0x1], $0x500, s24, s23, $0x38;
	[tilespmem:$0x1EAA8] =	vst v63  }
0x13a: {  	s0 =	sshrl.u32 s30, $0x3  }
0x13b: {  	s31 =	simm.s32 $0x1E5A8;
	s0 =	sadd.s32 s3, s0  }
0x13c: {  	[hbm4b:s0+s23] =	stream.strided.scatter [tilespmem:s31], [sflag:$0x1], $0x500, s24, s23, $0x38;
	[tilespmem:$0x1EAA8] =	vst v63  }
0x13d: {  	_ =	swait.ge [sflag:s26], $0x500  }
0x13e: {  	[sflag:s26] =	ssyncset.done $0x0  }
0x13f: {  	[sflag:s26] =	ssyncadd.s32 $0xFFFFFB00  }
0x140: {  	_ =	swait.ge [sflag:s26], $0x500  }
0x141: {  	[sflag:s26] =	ssyncset.done $0x0  }
0x142: {  	[sflag:s26] =	ssyncadd.s32 $0xFFFFFB00  }
0x143: {  	_ =	swait.ge [sflag:s26], $0x500  }
0x144: {  	[sflag:s26] =	ssyncset.done $0x0  }
0x145: {  	[sflag:s26] =	ssyncadd.s32 $0xFFFFFB00  }
0x146: {  	_ =	swait.ge [sflag:s26], $0x500  }
0x147: {  	[sflag:s26] =	ssyncset.done $0x0  }
0x148: {  	[sflag:s26] =	ssyncadd.s32 $0xFFFFFB00  }
0x149: {  	_ =	swait.ge [sflag:s26], $0x500  }
0x14a: {  	[sflag:s26] =	ssyncset.done $0x0  }
0x14b: {  	[sflag:s26] =	ssyncadd.s32 $0xFFFFFB00  }
0x14c: {  	_ =	swait.ge [sflag:s26], $0x500  }
0x14d: {  	[sflag:s26] =	ssyncset.done $0x0  }
0x14e: {  	[sflag:s26] =	ssyncadd.s32 $0xFFFFFB00  }
0x14f: {  	_ =	swait.ge [sflag:s26], $0x500  }
0x150: {  	[sflag:s26] =	ssyncset.done $0x0  }
0x151: {  	[sflag:s26] =	ssyncadd.s32 $0xFFFFFB00  }
0x152: {  	_ =	swait.ge [sflag:s26], $0x500  }
0x153: {  	[sflag:s26] =	ssyncset.done $0x0  }
0x154: {  	[sflag:s26] =	ssyncadd.s32 $0xFFFFFB00  }
0x155: {  	_ =	swait.ge [sflag:s26], $0x500  }
0x156: {  	[sflag:s26] =	ssyncset.done $0x0  }
0x157: {  	[sflag:s26] =	ssyncadd.s32 $0xFFFFFB00  }
0x158: {  	_ =	swait.ge [sflag:s26], $0x500  }
0x159: {  	[sflag:s26] =	ssyncset.done $0x0  }
0x15a: {  	[sflag:s26] =	ssyncadd.s32 $0xFFFFFB00  }
0x15b: {  	_ =	swait.ge [sflag:s26], $0x500  }
0x15c: {  	[sflag:s26] =	ssyncset.done $0x0  }
0x15d: {  	[sflag:s26] =	ssyncadd.s32 $0xFFFFFB00  }
0x15e: {  	_ =	swait.ge [sflag:s26], $0x500  }
0x15f: {  	[sflag:s26] =	ssyncset.done $0x0  }
0x160: {  	[sflag:s26] =	ssyncadd.s32 $0xFFFFFB00  }
0x161: {  	_ =	swait.ge [sflag:s26], $0x500  }
0x162: {  	[sflag:s26] =	ssyncset.done $0x0  }
0x163: {  	s2 =	sadd.s32 $0x1, s2;
	[sflag:s26] =	ssyncadd.s32 $0xFFFFFB00  }
0x164: {  	p1 =	sne.s32 s2, $0x20;
	_ =	swait.ge [sflag:s26], $0x500  }
.Ltmp7:
0x165: {  	[sflag:s26] =	ssyncset.done $0x0;
	(pc) =	sbr.rel @p1 .LBB2_7-.Ltmp7, $4  }
.Ltmp8:
0x166: {  	[sflag:s26] =	ssyncadd.s32 $0xFFFFFB00;
	(pc) =	sbr.rel @!p1 .LBB2_10-.Ltmp8, $4  }
0x167: {  	_ =	swait.ge [sflag:s26], $0x500  }
0x168: {  	[sflag:s26] =	ssyncset.done $0x0  }
0x169: {  	[sflag:s26] =	ssyncadd.s32 $0xFFFFFB00  }
0x16a: {  	_ = 	snop  }
.LBB2_11:
0x16b: {  	_ =	sfence.sel $0x180000  }
0x16c: {  	[bflag:$0x0] =	sbarrier.arrive $0xFFFF  }
0x16d: {  	_ =	strace $0x90000047  }
0x16e: {  	s0 =	stileid.u32;
	[bflag:$0x2] =	sbarrier.arrive $0xFFFF  }
0x16f: {  	p0 =	sne.s32 s0, $0x0;
	s0 =	rddreg [dreg:$0x3]  }
0x170: {  	s0 =	sadd.s32 @!p0 $0x100000, s0  }
0x171: {  	[sflag:s0] =	ssyncadd.tile.s32 @!p0 $0x1;
	_ =	shalt  }
.Lfunc_end2:
_tile_overlayer_lowered:
.L_overlay_start_2:
0x172: {  	(tag) =	ssettag $0x2  }
0x173: {  	s0 =	rddreg [dreg:$0x0];
	s2 =	stileid.u32  }
0x174: {  	s1 =	rddreg [dreg:$0x1];
	p0 =	sne.s32 s2, $0x0  }
0x175: {  	s3 =	rddreg [dreg:$0x2];
	[bflag:$0x3] =	sbarrier.arrive $0xFFFF;
	s2 =	simm.s32 @!p0 $0x1C02  }
0x176: {  	[timem:s3], [sflag:s2] =	dma.local @!p0 [hbm:s0], s1  }
0x177: {  	s0 =	simm.s32 @!p0 $0x2  }
0x178: {  	_ =	swait.ge @!p0 [sflag:s0], s1  }
0x179: {  	s1 =	ssub.s32 @!p0 $0x0, s1;
	[sflag:s0] =	ssyncset.done @!p0 $0x0  }
0x17a: {  	[sflag:s0] =	ssyncadd.s32 @!p0 s1  }
0x17b: {  	[bflag:$0x3] =	sbarrier.arrive $0xFFFF  }
0x17c: {  	_ =	shalt  }

</sc_bundles>
